<compile_context>
chip_gen: v7x
topology: tpu7x:2x2x1
jax: 0.10.2.dev20260603
libtpu: 0.0.44.dev20260713+nightly
codegen_flags: <defaults>
</compile_context>

<pallas_src>
import jax
import jax.numpy as jnp
from jax.experimental import pallas as pl
from jax.experimental.pallas import tpu as pltpu
from jax.experimental.pallas import tpu_sc as plsc

_T, _D, _E, _TOPK, _NG, _TG, _DFF, _DFFS = 2048, 1024, 16, 2, 4, 2, 512, 512
_GS = _E // _NG
_ROUTE_SCALE = 2.5
_C = 512
_B = 512
_S = _E * _C
_XG_ROWS = _S + _B
_NC, _NS = 2, 16
_NW = _NC * _NS


def _router_body(x_ref, gw_ref, eb_ref, sw1_ref, sw3_ref, sw2_ref,
                 meta_ref, cnt_ref, sh_ref):
    x = x_ref[...]
    xbv = x.astype(jnp.bfloat16)
    gsh = _dot_t(xbv, sw1_ref[...].astype(jnp.bfloat16))
    ush = _dot_t(xbv, sw3_ref[...].astype(jnp.bfloat16))
    hsh = (gsh * jax.nn.sigmoid(gsh) * ush).astype(jnp.bfloat16)
    sh_ref[...] = _dot_t(hsh, sw2_ref[...].astype(jnp.bfloat16))
    logits = jax.lax.dot_general(
        x, gw_ref[...], (((1,), (1,)), ((), ())),
        preferred_element_type=jnp.float32)
    scores = jax.nn.sigmoid(logits)
    sfc = scores + eb_ref[...]
    gs_cols = []
    for g in range(_NG):
        c = [sfc[:, g * _GS + i:g * _GS + i + 1] for i in range(_GS)]
        best = None
        for i in range(_GS):
            for j in range(i + 1, _GS):
                s = c[i] + c[j]
                best = s if best is None else jnp.maximum(best, s)
        gs_cols.append(best)
    gs = jnp.concatenate(gs_cols, axis=1)
    gidx = jax.lax.broadcasted_iota(jnp.int32, (_T, _NG), 1)
    grank = jnp.zeros((_T, _NG), jnp.float32)
    for j in range(_NG):
        gj = gs[:, j:j + 1]
        grank += jnp.where((gj > gs) | ((gj == gs) & (j < gidx)), 1.0, 0.0)
    gsel = (grank < _TG).astype(jnp.float32)
    emask = jnp.concatenate(
        [gsel[:, e // _GS:e // _GS + 1] for e in range(_E)], axis=1)
    tmp = sfc * emask
    eidx = jax.lax.broadcasted_iota(jnp.int32, (_T, _E), 1)
    erank = jnp.zeros((_T, _E), jnp.float32)
    for j in range(_E):
        vj = tmp[:, j:j + 1]
        erank += jnp.where((vj > tmp) | ((vj == tmp) & (j < eidx)), 1.0, 0.0)
    sel = jnp.where(erank < _TOPK, 1.0, 0.0)
    w = scores * sel
    denom = jnp.sum(w, axis=1, keepdims=True) + 1e-20
    wfull = w * (_ROUTE_SCALE / denom)
    selb = sel.astype(jnp.bfloat16)
    nb, bb = 16, _T // 16
    rb = jax.lax.broadcasted_iota(jnp.int32, (bb, 1), 0)
    cb2 = jax.lax.broadcasted_iota(jnp.int32, (1, bb), 1)
    l128 = (rb >= cb2).astype(jnp.bfloat16)
    pos_blocks = []
    tot_rows = []
    for b in range(nb):
        sb = selb[b * bb:(b + 1) * bb, :]
        pb = jax.lax.dot_general(
            l128, sb, (((1,), (0,)), ((), ())),
            preferred_element_type=jnp.float32)
        pos_blocks.append(pb)
        tot_rows.append(pb[bb - 1:bb, :])
    tot = jnp.concatenate(tot_rows, axis=0).astype(jnp.bfloat16)
    rnb = jax.lax.broadcasted_iota(jnp.int32, (nb, nb), 0)
    cnb = jax.lax.broadcasted_iota(jnp.int32, (nb, nb), 1)
    lstrict = (rnb > cnb).astype(jnp.bfloat16)
    off = jax.lax.dot_general(
        lstrict, tot, (((1,), (0,)), ((), ())),
        preferred_element_type=jnp.float32)
    pos = jnp.concatenate(
        [pos_blocks[b] + off[b:b + 1, :] for b in range(nb)],
        axis=0)
    cnt_ref[...] = pos[_T - 1:_T, :]
    eidx_f = eidx.astype(jnp.float32)
    slot = eidx_f * _C + (pos - 1.0)
    slot = jnp.where(pos - 1.0 < _C, slot, float(_S))
    r16 = jax.lax.broadcasted_iota(jnp.int32, (_E, _E), 0)
    c16 = jax.lax.broadcasted_iota(jnp.int32, (_E, _E), 1)
    ltri16 = (r16 <= c16).astype(jnp.bfloat16)
    cl = jax.lax.dot_general(
        selb, ltri16, (((1,), (0,)), ((), ())),
        preferred_element_type=jnp.float32)
    low = sel * jnp.where(cl == 1.0, 1.0, 0.0)
    high = sel * jnp.where(cl == 2.0, 1.0, 0.0)
    dst0 = jnp.sum(slot * low, axis=1, keepdims=True)
    dst1 = jnp.sum(slot * high, axis=1, keepdims=True)
    w0 = jnp.sum(wfull * low, axis=1, keepdims=True)
    w1 = jnp.sum(wfull * high, axis=1, keepdims=True)
    meta_ref[:, 0:4] = jnp.concatenate([dst0, dst1, w0, w1], axis=1)


def _dot_t(a, b):
    return jax.lax.dot_general(
        a, b, (((1,), (1,)), ((), ())), preferred_element_type=jnp.float32)


def _group_body(cnt_ref, xg_ref, w1_ref, w3_ref, w2_ref, yg_ref):
    cb = pl.program_id(1)

    @pl.when(cb * _B < cnt_ref[0, pl.program_id(0)])
    def _():
        xgb = xg_ref[...].astype(jnp.bfloat16)
        g = _dot_t(xgb, w1_ref[0].astype(jnp.bfloat16))
        u = _dot_t(xgb, w3_ref[0].astype(jnp.bfloat16))
        h = (g * jax.nn.sigmoid(g) * u).astype(jnp.bfloat16)
        yg_ref[...] = _dot_t(h, w2_ref[0].astype(jnp.bfloat16))


def _dispatch_body(x_hbm, idx_hbm, xg_hbm, i_v, rows_v, semi, semr):
    c = jax.lax.axis_index("c")
    s = jax.lax.axis_index("s")
    wid = c * _NS + s
    j0 = wid * (2 * _T // _NW)
    r = j0 // _T
    t0 = j0 % _T

    def load(cc):
        tb = t0 + cc * 32
        ldi = pltpu.async_copy(
            idx_hbm.at[r, pl.ds(tb, 32)], i_v.at[cc % 2], semi)
        ldr = pltpu.async_copy(
            x_hbm.at[pl.ds(tb, 32)], rows_v.at[cc % 2], semr)
        return ldi, ldr

    pend = [load(0), load(1)]
    for cc in range(4):
        ldi, ldr = pend[cc % 2]
        ldi.wait()
        ldr.wait()
        pltpu.sync_copy(rows_v.at[cc % 2], xg_hbm.at[i_v.at[cc % 2]])
        if cc + 2 < 4:
            pend[cc % 2] = load(cc + 2)


def _combine_body(yg_hbm, idx_hbm, wexp_hbm, sh_hbm, out_hbm,
                  i_v, w_v, sh_v, y0_v, y1_v, sems):
    c = jax.lax.axis_index("c")
    s = jax.lax.axis_index("s")
    wid = c * _NS + s
    t0 = wid * (_T // _NW)

    pltpu.sync_copy(idx_hbm.at[0, pl.ds(t0, 64)], i_v.at[0])
    pltpu.sync_copy(idx_hbm.at[1, pl.ds(t0, 64)], i_v.at[1])
    pltpu.sync_copy(wexp_hbm.at[0, pl.ds(t0, 64)], w_v.at[0])
    pltpu.sync_copy(wexp_hbm.at[1, pl.ds(t0, 64)], w_v.at[1])
    for h in range(2):
        tb = t0 + h * 32
        g0 = pltpu.async_copy(yg_hbm.at[i_v.at[0, pl.ds(h * 32, 32)]],
                              y0_v, sems.at[0])
        g1 = pltpu.async_copy(yg_hbm.at[i_v.at[1, pl.ds(h * 32, 32)]],
                              y1_v, sems.at[1])
        pltpu.sync_copy(sh_hbm.at[pl.ds(tb, 32)], sh_v)
        g0.wait()
        g1.wait()

        def tok_body(i, carry):
            w0s = w_v[0, h * 32 + i]
            w1s = w_v[1, h * 32 + i]

            def col_body(k, carry2):
                sl = pl.ds(k * 16, 16)
                sh_v[i, sl] = (sh_v[i, sl] + w0s * y0_v[i, sl]
                               + w1s * y1_v[i, sl])
                return carry2

            return jax.lax.fori_loop(0, _D // 16, col_body, carry, unroll=4)

        jax.lax.fori_loop(0, 32, tok_body, 0)
        pltpu.sync_copy(sh_v, out_hbm.at[pl.ds(tb, 32)])


def _sc_mesh():
    return plsc.VectorSubcoreMesh(
        core_axis_name="c", subcore_axis_name="s",
        num_cores=_NC, num_subcores=_NS)


def _sc_dispatch(x, idx):
    return pl.kernel(
        _dispatch_body,
        out_type=jax.ShapeDtypeStruct((_XG_ROWS, _D), jnp.float32),
        mesh=_sc_mesh(),
        scratch_types=[pltpu.VMEM((2, 32), jnp.int32),
                       pltpu.VMEM((2, 32, _D), jnp.float32),
                       pltpu.SemaphoreType.DMA,
                       pltpu.SemaphoreType.DMA],
    )(x, idx)


def _sc_combine(yg, idx, wexp, shared):
    return pl.kernel(
        _combine_body,
        out_type=jax.ShapeDtypeStruct((_T, _D), jnp.float32),
        mesh=_sc_mesh(),
        scratch_types=[pltpu.VMEM((2, 64), jnp.int32),
                       pltpu.VMEM((2, 64, 16), jnp.float32),
                       pltpu.VMEM((32, _D), jnp.float32),
                       pltpu.VMEM((32, _D), jnp.float32),
                       pltpu.VMEM((32, _D), jnp.float32),
                       pltpu.SemaphoreType.DMA((2,))],
    )(yg, idx, wexp, shared)


def kernel(hidden_states, gate_w, expert_bias, w1, w3, w2, sw1, sw3, sw2):
    x = hidden_states.reshape(_T, _D)
    eb = expert_bias.reshape(1, _E)
    meta, cnts, shared = pl.pallas_call(
        _router_body,
        out_shape=(jax.ShapeDtypeStruct((_T, 128), jnp.float32),
                   jax.ShapeDtypeStruct((1, _E), jnp.float32),
                   jax.ShapeDtypeStruct((_T, _D), jnp.float32)),
    )(x, gate_w, eb, sw1, sw3, sw2)
    idx = jnp.transpose(meta[:, 0:2]).astype(jnp.int32)
    wexp = jnp.broadcast_to(
        jnp.transpose(meta[:, 2:4])[:, :, None], (2, _T, 16))
    counts = cnts.astype(jnp.int32)

    xg = _sc_dispatch(x, idx)

    yg = pl.pallas_call(
        _group_body,
        grid=(_E, _C // _B),
        in_specs=[
            pl.BlockSpec(memory_space=pltpu.SMEM),
            pl.BlockSpec((_B, _D), lambda e, cb: (e * (_C // _B) + cb, 0)),
            pl.BlockSpec((1, _DFF, _D), lambda e, cb: (e, 0, 0)),
            pl.BlockSpec((1, _DFF, _D), lambda e, cb: (e, 0, 0)),
            pl.BlockSpec((1, _D, _DFF), lambda e, cb: (e, 0, 0)),
        ],
        out_specs=pl.BlockSpec((_B, _D), lambda e, cb: (e * (_C // _B) + cb, 0)),
        out_shape=jax.ShapeDtypeStruct((_XG_ROWS, _D), jnp.float32),
    )(counts, xg, w1, w3, w2)

    out = _sc_combine(yg, idx, wexp, shared)
    return out

# --- scband reference (transcript-rebuilt; emitter-appended) ---
"""Pipeline reference for scband-afmoe-mo-e-75737453297753 (READ-ONLY COPY).

The authoritative reference and input builder live on the scoring server;
editing this copy changes nothing except your own understanding.
"""

import jax, jax.numpy as jnp
import numpy as np

T = 2048
D = 1024
E = 16
TOPK = 2
NG = 4
TG = 2
DFF = 512
DFFS = 512  # moe_intermediate_size * num_shared_experts
ROUTE_SCALE = 2.5


def _silu(x):
    return x * jax.nn.sigmoid(x)


def setup_inputs(seed: int = 0) -> dict:
    key = jax.random.key(seed)
    ks = jax.random.split(key, 10)
    return {
        "hidden_states": jax.random.normal(ks[0], (T, D), dtype=jnp.float32),
        "gate_w": jax.random.normal(ks[1], (E, D), dtype=jnp.float32) * 0.02,
        "expert_bias": jax.random.normal(ks[2], (E,), dtype=jnp.float32) * 0.01,
        "w1": jax.random.normal(ks[3], (E, DFF, D), dtype=jnp.float32) * 0.02,
        "w3": jax.random.normal(ks[4], (E, DFF, D), dtype=jnp.float32) * 0.02,
        "w2": jax.random.normal(ks[5], (E, D, DFF), dtype=jnp.float32) * 0.02,
        "sw1": jax.random.normal(ks[6], (DFFS, D), dtype=jnp.float32) * 0.02,
        "sw3": jax.random.normal(ks[7], (DFFS, D), dtype=jnp.float32) * 0.02,
        "sw2": jax.random.normal(ks[8], (D, DFFS), dtype=jnp.float32) * 0.02,
    }


def reference(hidden_states, gate_w, expert_bias, w1, w3, w2, sw1, sw3, sw2):
    x = hidden_states.reshape(-1, D)
    # router in float32 (gate is an fp32 Linear)
    logits = x.astype(jnp.float32) @ gate_w.T  # [T, E]
    scores = jax.nn.sigmoid(logits)            # score_func == 'sigmoid'
    original_scores = scores
    # e_score_correction_bias (grouped topk, DeepSeek-V3 style as in vLLM)
    scores_for_choice = scores + expert_bias[None, :]
    grouped = scores_for_choice.reshape(T, NG, E // NG)
    group_scores = jnp.sum(jax.lax.top_k(grouped, 2)[0], axis=-1)  # [T, NG]
    _, gidx = jax.lax.top_k(group_scores, TG)                      # [T, TG]
    gmask = jnp.zeros((T, NG), dtype=scores.dtype).at[jnp.arange(T)[:, None], gidx].set(1.0)
    emask = jnp.repeat(gmask, E // NG, axis=1)                     # [T, E]
    tmp_scores = jnp.where(emask > 0, scores_for_choice, 0.0)
    _, topk_ids = jax.lax.top_k(tmp_scores, TOPK)                  # [T, K]
    topk_w = jnp.take_along_axis(original_scores, topk_ids, axis=1)
    # renormalize (route_norm with sigmoid scoring)
    topk_w = topk_w / (jnp.sum(topk_w, axis=-1, keepdims=True) + 1e-20)
    topk_w = topk_w * ROUTE_SCALE                                  # routed_scaling_factor
    # dense combine weights [T, E] via scatter-add
    combine = jnp.zeros((T, E), dtype=x.dtype).at[jnp.arange(T)[:, None], topk_ids].add(topk_w)
    # routed experts: SiLU-gated MLP per expert, combined by routing weights
    g = jnp.einsum('td,efd->tef', x, w1)
    u = jnp.einsum('td,efd->tef', x, w3)
    h = _silu(g) * u
    y = jnp.einsum('tef,edf->ted', h, w2)
    routed = jnp.einsum('ted,te->td', y, combine)
    # shared expert (AfmoeMLP)
    shared = (_silu(x @ sw1.T) * (x @ sw3.T)) @ sw2.T
    out = routed + shared
    return out.reshape(T, D)

if __name__ == "__main__":
    import jax
    _d = setup_inputs()
    print(jax.jit(kernel)(*tuple(_d.values())))

</pallas_src>

<mosaic_0001>
#map = affine_map<(d0, d1) -> (0, 0)>
#map1 = affine_map<(d0, d1) -> (0, 0, 0)>
module attributes {stable_mosaic.version = 14 : i64} {
  func.func @_combine_body(%arg0: i32, %arg1: i32, %arg2: memref<8704x1024xf32, #tpu.memory_space<hbm>>, %arg3: memref<2x2048xi32, #tpu.memory_space<hbm>>, %arg4: memref<2x2048x16xf32, #tpu.memory_space<hbm>>, %arg5: memref<2048x1024xf32, #tpu.memory_space<hbm>>, %arg6: memref<2048x1024xf32, #tpu.memory_space<hbm>>, %arg7: memref<2x64xi32, #tpu.memory_space<vmem>>, %arg8: memref<2x64x16xf32, #tpu.memory_space<vmem>>, %arg9: memref<32x1024xf32, #tpu.memory_space<vmem>>, %arg10: memref<32x1024xf32, #tpu.memory_space<vmem>>, %arg11: memref<32x1024xf32, #tpu.memory_space<vmem>>, %arg12: memref<2x!tpu.dma_semaphore, #tpu.memory_space<semaphore_mem>>) attributes {dimension_semantics = [#tpu.dimension_semantics<core_parallel>, #tpu.dimension_semantics<subcore_parallel>], iteration_bounds = array<i64: 2, 16>, scalar_prefetch = 0 : i64, scratch_operands = 6 : i64, tpu.core_type = #tpu.core_type<sc_vector_subcore>, window_params = [{transform_indices = #map}, {transform_indices = #map}, {transform_indices = #map1}, {transform_indices = #map}, {transform_indices = #map}]} {
    %mul3A = arith.constant 16 : i32
    %mul3A_0 = arith.muli %arg0, %mul3A : i32
    %add3A = arith.addi %mul3A_0, %arg1 : i32
    %mul3A_1 = arith.constant 64 : i32
    %mul3A_2 = arith.muli %add3A, %mul3A_1 : i32
    %run_scoped3A = arith.constant 0 : i32
    %run_scoped3A_3 = arith.constant 0 : i32
    "tpu.region"() ({
      %run_scoped3A_103 = tpu.sem_alloc : memref<!tpu.dma_semaphore, #tpu.memory_space<semaphore_mem>>
      %dma_start3A_104 = arith.constant 0 : i32
      %dma_start3A_105 = tpu.memref_slice %arg7[%run_scoped3A_3, %dma_start3A_104] : memref<2x64xi32, #tpu.memory_space<vmem>> -> memref<1x64xi32, #tpu.memory_space<vmem>>
      %dma_start3A_106 = tpu.memref_squeeze %dma_start3A_105 : memref<1x64xi32, #tpu.memory_space<vmem>> -> memref<64xi32, #tpu.memory_space<vmem>>
      %dma_start3A_107 = tpu.memref_slice %arg3[%run_scoped3A, %mul3A_2] : memref<2x2048xi32, #tpu.memory_space<hbm>> -> memref<1x64xi32, #tpu.memory_space<hbm>>
      %dma_start3A_108 = tpu.memref_squeeze %dma_start3A_107 : memref<1x64xi32, #tpu.memory_space<hbm>> -> memref<64xi32, #tpu.memory_space<hbm>>
      %dma_start3A_109 = arith.constant 0 : i32
      %dma_start3A_110 = tpu.memref_slice %arg7[%run_scoped3A_3, %dma_start3A_109] : memref<2x64xi32, #tpu.memory_space<vmem>> -> memref<1x64xi32, #tpu.memory_space<vmem>>
      %dma_start3A_111 = tpu.memref_squeeze %dma_start3A_110 : memref<1x64xi32, #tpu.memory_space<vmem>> -> memref<64xi32, #tpu.memory_space<vmem>>
      %dma_start3A_112 = tpu.memref_slice %arg3[%run_scoped3A, %mul3A_2] : memref<2x2048xi32, #tpu.memory_space<hbm>> -> memref<1x64xi32, #tpu.memory_space<hbm>>
      %dma_start3A_113 = tpu.memref_squeeze %dma_start3A_112 : memref<1x64xi32, #tpu.memory_space<hbm>> -> memref<64xi32, #tpu.memory_space<hbm>>
      tpu.enqueue_dma source(%dma_start3A_113 : memref<64xi32, #tpu.memory_space<hbm>>) target(%dma_start3A_111 : memref<64xi32, #tpu.memory_space<vmem>>) target_semaphore(%run_scoped3A_103 : memref<!tpu.dma_semaphore, #tpu.memory_space<semaphore_mem>>)
      %dma_wait3A_114 = arith.constant 0 : i32
      %dma_wait3A_115 = tpu.memref_slice %arg7[%run_scoped3A_3, %dma_wait3A_114] : memref<2x64xi32, #tpu.memory_space<vmem>> -> memref<1x64xi32, #tpu.memory_space<vmem>>
      %dma_wait3A_116 = tpu.memref_squeeze %dma_wait3A_115 : memref<1x64xi32, #tpu.memory_space<vmem>> -> memref<64xi32, #tpu.memory_space<vmem>>
      %dma_wait3A_117 = tpu.memref_slice %arg3[%run_scoped3A, %mul3A_2] : memref<2x2048xi32, #tpu.memory_space<hbm>> -> memref<1x64xi32, #tpu.memory_space<hbm>>
      %dma_wait3A_118 = tpu.memref_squeeze %dma_wait3A_117 : memref<1x64xi32, #tpu.memory_space<hbm>> -> memref<64xi32, #tpu.memory_space<hbm>>
      %dma_wait3A_119 = arith.constant 0 : i32
      %dma_wait3A_120 = tpu.memref_slice %arg7[%run_scoped3A_3, %dma_wait3A_119] : memref<2x64xi32, #tpu.memory_space<vmem>> -> memref<1x64xi32, #tpu.memory_space<vmem>>
      %dma_wait3A_121 = tpu.memref_squeeze %dma_wait3A_120 : memref<1x64xi32, #tpu.memory_space<vmem>> -> memref<64xi32, #tpu.memory_space<vmem>>
      %dma_wait3A_122 = tpu.memref_slice %arg3[%run_scoped3A, %mul3A_2] : memref<2x2048xi32, #tpu.memory_space<hbm>> -> memref<1x64xi32, #tpu.memory_space<hbm>>
      %dma_wait3A_123 = tpu.memref_squeeze %dma_wait3A_122 : memref<1x64xi32, #tpu.memory_space<hbm>> -> memref<64xi32, #tpu.memory_space<hbm>>
      tpu.wait_dma2 semaphore(%run_scoped3A_103 : memref<!tpu.dma_semaphore, #tpu.memory_space<semaphore_mem>>) src(%dma_wait3A_123 : memref<64xi32, #tpu.memory_space<hbm>>) dst(%dma_wait3A_121 : memref<64xi32, #tpu.memory_space<vmem>>)
      tpu.yield
    }) : () -> ()
    %run_scoped3A_4 = arith.constant 1 : i32
    %run_scoped3A_5 = arith.constant 1 : i32
    "tpu.region"() ({
      %run_scoped3A_103 = tpu.sem_alloc : memref<!tpu.dma_semaphore, #tpu.memory_space<semaphore_mem>>
      %dma_start3A_104 = arith.constant 0 : i32
      %dma_start3A_105 = tpu.memref_slice %arg7[%run_scoped3A_5, %dma_start3A_104] : memref<2x64xi32, #tpu.memory_space<vmem>> -> memref<1x64xi32, #tpu.memory_space<vmem>>
      %dma_start3A_106 = tpu.memref_squeeze %dma_start3A_105 : memref<1x64xi32, #tpu.memory_space<vmem>> -> memref<64xi32, #tpu.memory_space<vmem>>
      %dma_start3A_107 = tpu.memref_slice %arg3[%run_scoped3A_4, %mul3A_2] : memref<2x2048xi32, #tpu.memory_space<hbm>> -> memref<1x64xi32, #tpu.memory_space<hbm>>
      %dma_start3A_108 = tpu.memref_squeeze %dma_start3A_107 : memref<1x64xi32, #tpu.memory_space<hbm>> -> memref<64xi32, #tpu.memory_space<hbm>>
      %dma_start3A_109 = arith.constant 0 : i32
      %dma_start3A_110 = tpu.memref_slice %arg7[%run_scoped3A_5, %dma_start3A_109] : memref<2x64xi32, #tpu.memory_space<vmem>> -> memref<1x64xi32, #tpu.memory_space<vmem>>
      %dma_start3A_111 = tpu.memref_squeeze %dma_start3A_110 : memref<1x64xi32, #tpu.memory_space<vmem>> -> memref<64xi32, #tpu.memory_space<vmem>>
      %dma_start3A_112 = tpu.memref_slice %arg3[%run_scoped3A_4, %mul3A_2] : memref<2x2048xi32, #tpu.memory_space<hbm>> -> memref<1x64xi32, #tpu.memory_space<hbm>>
      %dma_start3A_113 = tpu.memref_squeeze %dma_start3A_112 : memref<1x64xi32, #tpu.memory_space<hbm>> -> memref<64xi32, #tpu.memory_space<hbm>>
      tpu.enqueue_dma source(%dma_start3A_113 : memref<64xi32, #tpu.memory_space<hbm>>) target(%dma_start3A_111 : memref<64xi32, #tpu.memory_space<vmem>>) target_semaphore(%run_scoped3A_103 : memref<!tpu.dma_semaphore, #tpu.memory_space<semaphore_mem>>)
      %dma_wait3A_114 = arith.constant 0 : i32
      %dma_wait3A_115 = tpu.memref_slice %arg7[%run_scoped3A_5, %dma_wait3A_114] : memref<2x64xi32, #tpu.memory_space<vmem>> -> memref<1x64xi32, #tpu.memory_space<vmem>>
      %dma_wait3A_116 = tpu.memref_squeeze %dma_wait3A_115 : memref<1x64xi32, #tpu.memory_space<vmem>> -> memref<64xi32, #tpu.memory_space<vmem>>
      %dma_wait3A_117 = tpu.memref_slice %arg3[%run_scoped3A_4, %mul3A_2] : memref<2x2048xi32, #tpu.memory_space<hbm>> -> memref<1x64xi32, #tpu.memory_space<hbm>>
      %dma_wait3A_118 = tpu.memref_squeeze %dma_wait3A_117 : memref<1x64xi32, #tpu.memory_space<hbm>> -> memref<64xi32, #tpu.memory_space<hbm>>
      %dma_wait3A_119 = arith.constant 0 : i32
      %dma_wait3A_120 = tpu.memref_slice %arg7[%run_scoped3A_5, %dma_wait3A_119] : memref<2x64xi32, #tpu.memory_space<vmem>> -> memref<1x64xi32, #tpu.memory_space<vmem>>
      %dma_wait3A_121 = tpu.memref_squeeze %dma_wait3A_120 : memref<1x64xi32, #tpu.memory_space<vmem>> -> memref<64xi32, #tpu.memory_space<vmem>>
      %dma_wait3A_122 = tpu.memref_slice %arg3[%run_scoped3A_4, %mul3A_2] : memref<2x2048xi32, #tpu.memory_space<hbm>> -> memref<1x64xi32, #tpu.memory_space<hbm>>
      %dma_wait3A_123 = tpu.memref_squeeze %dma_wait3A_122 : memref<1x64xi32, #tpu.memory_space<hbm>> -> memref<64xi32, #tpu.memory_space<hbm>>
      tpu.wait_dma2 semaphore(%run_scoped3A_103 : memref<!tpu.dma_semaphore, #tpu.memory_space<semaphore_mem>>) src(%dma_wait3A_123 : memref<64xi32, #tpu.memory_space<hbm>>) dst(%dma_wait3A_121 : memref<64xi32, #tpu.memory_space<vmem>>)
      tpu.yield
    }) : () -> ()
    %run_scoped3A_6 = arith.constant 0 : i32
    %run_scoped3A_7 = arith.constant 0 : i32
    "tpu.region"() ({
      %run_scoped3A_103 = tpu.sem_alloc : memref<!tpu.dma_semaphore, #tpu.memory_space<semaphore_mem>>
      %dma_start3A_104 = arith.constant 0 : i32
      %dma_start3A_105 = arith.constant 0 : i32
      %dma_start3A_106 = tpu.memref_slice %arg8[%run_scoped3A_7, %dma_start3A_104, %dma_start3A_105] : memref<2x64x16xf32, #tpu.memory_space<vmem>> -> memref<1x64x16xf32, #tpu.memory_space<vmem>>
      %dma_start3A_107 = tpu.memref_squeeze %dma_start3A_106 : memref<1x64x16xf32, #tpu.memory_space<vmem>> -> memref<64x16xf32, #tpu.memory_space<vmem>>
      %dma_start3A_108 = arith.constant 0 : i32
      %dma_start3A_109 = tpu.memref_slice %arg4[%run_scoped3A_6, %mul3A_2, %dma_start3A_108] : memref<2x2048x16xf32, #tpu.memory_space<hbm>> -> memref<1x64x16xf32, #tpu.memory_space<hbm>>
      %dma_start3A_110 = tpu.memref_squeeze %dma_start3A_109 : memref<1x64x16xf32, #tpu.memory_space<hbm>> -> memref<64x16xf32, #tpu.memory_space<hbm>>
      %dma_start3A_111 = arith.constant 0 : i32
      %dma_start3A_112 = arith.constant 0 : i32
      %dma_start3A_113 = tpu.memref_slice %arg8[%run_scoped3A_7, %dma_start3A_111, %dma_start3A_112] : memref<2x64x16xf32, #tpu.memory_space<vmem>> -> memref<1x64x16xf32, #tpu.memory_space<vmem>>
      %dma_start3A_114 = tpu.memref_squeeze %dma_start3A_113 : memref<1x64x16xf32, #tpu.memory_space<vmem>> -> memref<64x16xf32, #tpu.memory_space<vmem>>
      %dma_start3A_115 = arith.constant 0 : i32
      %dma_start3A_116 = tpu.memref_slice %arg4[%run_scoped3A_6, %mul3A_2, %dma_start3A_115] : memref<2x2048x16xf32, #tpu.memory_space<hbm>> -> memref<1x64x16xf32, #tpu.memory_space<hbm>>
      %dma_start3A_117 = tpu.memref_squeeze %dma_start3A_116 : memref<1x64x16xf32, #tpu.memory_space<hbm>> -> memref<64x16xf32, #tpu.memory_space<hbm>>
      tpu.enqueue_dma source(%dma_start3A_117 : memref<64x16xf32, #tpu.memory_space<hbm>>) target(%dma_start3A_114 : memref<64x16xf32, #tpu.memory_space<vmem>>) target_semaphore(%run_scoped3A_103 : memref<!tpu.dma_semaphore, #tpu.memory_space<semaphore_mem>>)
      %dma_wait3A_118 = arith.constant 0 : i32
      %dma_wait3A_119 = arith.constant 0 : i32
      %dma_wait3A_120 = tpu.memref_slice %arg8[%run_scoped3A_7, %dma_wait3A_118, %dma_wait3A_119] : memref<2x64x16xf32, #tpu.memory_space<vmem>> -> memref<1x64x16xf32, #tpu.memory_space<vmem>>
      %dma_wait3A_121 = tpu.memref_squeeze %dma_wait3A_120 : memref<1x64x16xf32, #tpu.memory_space<vmem>> -> memref<64x16xf32, #tpu.memory_space<vmem>>
      %dma_wait3A_122 = arith.constant 0 : i32
      %dma_wait3A_123 = tpu.memref_slice %arg4[%run_scoped3A_6, %mul3A_2, %dma_wait3A_122] : memref<2x2048x16xf32, #tpu.memory_space<hbm>> -> memref<1x64x16xf32, #tpu.memory_space<hbm>>
      %dma_wait3A_124 = tpu.memref_squeeze %dma_wait3A_123 : memref<1x64x16xf32, #tpu.memory_space<hbm>> -> memref<64x16xf32, #tpu.memory_space<hbm>>
      %dma_wait3A_125 = arith.constant 0 : i32
      %dma_wait3A_126 = arith.constant 0 : i32
      %dma_wait3A_127 = tpu.memref_slice %arg8[%run_scoped3A_7, %dma_wait3A_125, %dma_wait3A_126] : memref<2x64x16xf32, #tpu.memory_space<vmem>> -> memref<1x64x16xf32, #tpu.memory_space<vmem>>
      %dma_wait3A_128 = tpu.memref_squeeze %dma_wait3A_127 : memref<1x64x16xf32, #tpu.memory_space<vmem>> -> memref<64x16xf32, #tpu.memory_space<vmem>>
      %dma_wait3A_129 = arith.constant 0 : i32
      %dma_wait3A_130 = tpu.memref_slice %arg4[%run_scoped3A_6, %mul3A_2, %dma_wait3A_129] : memref<2x2048x16xf32, #tpu.memory_space<hbm>> -> memref<1x64x16xf32, #tpu.memory_space<hbm>>
      %dma_wait3A_131 = tpu.memref_squeeze %dma_wait3A_130 : memref<1x64x16xf32, #tpu.memory_space<hbm>> -> memref<64x16xf32, #tpu.memory_space<hbm>>
      tpu.wait_dma2 semaphore(%run_scoped3A_103 : memref<!tpu.dma_semaphore, #tpu.memory_space<semaphore_mem>>) src(%dma_wait3A_131 : memref<64x16xf32, #tpu.memory_space<hbm>>) dst(%dma_wait3A_128 : memref<64x16xf32, #tpu.memory_space<vmem>>)
      tpu.yield
    }) : () -> ()
    %run_scoped3A_8 = arith.constant 1 : i32
    %run_scoped3A_9 = arith.constant 1 : i32
    "tpu.region"() ({
      %run_scoped3A_103 = tpu.sem_alloc : memref<!tpu.dma_semaphore, #tpu.memory_space<semaphore_mem>>
      %dma_start3A_104 = arith.constant 0 : i32
      %dma_start3A_105 = arith.constant 0 : i32
      %dma_start3A_106 = tpu.memref_slice %arg8[%run_scoped3A_9, %dma_start3A_104, %dma_start3A_105] : memref<2x64x16xf32, #tpu.memory_space<vmem>> -> memref<1x64x16xf32, #tpu.memory_space<vmem>>
      %dma_start3A_107 = tpu.memref_squeeze %dma_start3A_106 : memref<1x64x16xf32, #tpu.memory_space<vmem>> -> memref<64x16xf32, #tpu.memory_space<vmem>>
      %dma_start3A_108 = arith.constant 0 : i32
      %dma_start3A_109 = tpu.memref_slice %arg4[%run_scoped3A_8, %mul3A_2, %dma_start3A_108] : memref<2x2048x16xf32, #tpu.memory_space<hbm>> -> memref<1x64x16xf32, #tpu.memory_space<hbm>>
      %dma_start3A_110 = tpu.memref_squeeze %dma_start3A_109 : memref<1x64x16xf32, #tpu.memory_space<hbm>> -> memref<64x16xf32, #tpu.memory_space<hbm>>
      %dma_start3A_111 = arith.constant 0 : i32
      %dma_start3A_112 = arith.constant 0 : i32
      %dma_start3A_113 = tpu.memref_slice %arg8[%run_scoped3A_9, %dma_start3A_111, %dma_start3A_112] : memref<2x64x16xf32, #tpu.memory_space<vmem>> -> memref<1x64x16xf32, #tpu.memory_space<vmem>>
      %dma_start3A_114 = tpu.memref_squeeze %dma_start3A_113 : memref<1x64x16xf32, #tpu.memory_space<vmem>> -> memref<64x16xf32, #tpu.memory_space<vmem>>
      %dma_start3A_115 = arith.constant 0 : i32
      %dma_start3A_116 = tpu.memref_slice %arg4[%run_scoped3A_8, %mul3A_2, %dma_start3A_115] : memref<2x2048x16xf32, #tpu.memory_space<hbm>> -> memref<1x64x16xf32, #tpu.memory_space<hbm>>
      %dma_start3A_117 = tpu.memref_squeeze %dma_start3A_116 : memref<1x64x16xf32, #tpu.memory_space<hbm>> -> memref<64x16xf32, #tpu.memory_space<hbm>>
      tpu.enqueue_dma source(%dma_start3A_117 : memref<64x16xf32, #tpu.memory_space<hbm>>) target(%dma_start3A_114 : memref<64x16xf32, #tpu.memory_space<vmem>>) target_semaphore(%run_scoped3A_103 : memref<!tpu.dma_semaphore, #tpu.memory_space<semaphore_mem>>)
      %dma_wait3A_118 = arith.constant 0 : i32
      %dma_wait3A_119 = arith.constant 0 : i32
      %dma_wait3A_120 = tpu.memref_slice %arg8[%run_scoped3A_9, %dma_wait3A_118, %dma_wait3A_119] : memref<2x64x16xf32, #tpu.memory_space<vmem>> -> memref<1x64x16xf32, #tpu.memory_space<vmem>>
      %dma_wait3A_121 = tpu.memref_squeeze %dma_wait3A_120 : memref<1x64x16xf32, #tpu.memory_space<vmem>> -> memref<64x16xf32, #tpu.memory_space<vmem>>
      %dma_wait3A_122 = arith.constant 0 : i32
      %dma_wait3A_123 = tpu.memref_slice %arg4[%run_scoped3A_8, %mul3A_2, %dma_wait3A_122] : memref<2x2048x16xf32, #tpu.memory_space<hbm>> -> memref<1x64x16xf32, #tpu.memory_space<hbm>>
      %dma_wait3A_124 = tpu.memref_squeeze %dma_wait3A_123 : memref<1x64x16xf32, #tpu.memory_space<hbm>> -> memref<64x16xf32, #tpu.memory_space<hbm>>
      %dma_wait3A_125 = arith.constant 0 : i32
      %dma_wait3A_126 = arith.constant 0 : i32
      %dma_wait3A_127 = tpu.memref_slice %arg8[%run_scoped3A_9, %dma_wait3A_125, %dma_wait3A_126] : memref<2x64x16xf32, #tpu.memory_space<vmem>> -> memref<1x64x16xf32, #tpu.memory_space<vmem>>
      %dma_wait3A_128 = tpu.memref_squeeze %dma_wait3A_127 : memref<1x64x16xf32, #tpu.memory_space<vmem>> -> memref<64x16xf32, #tpu.memory_space<vmem>>
      %dma_wait3A_129 = arith.constant 0 : i32
      %dma_wait3A_130 = tpu.memref_slice %arg4[%run_scoped3A_8, %mul3A_2, %dma_wait3A_129] : memref<2x2048x16xf32, #tpu.memory_space<hbm>> -> memref<1x64x16xf32, #tpu.memory_space<hbm>>
      %dma_wait3A_131 = tpu.memref_squeeze %dma_wait3A_130 : memref<1x64x16xf32, #tpu.memory_space<hbm>> -> memref<64x16xf32, #tpu.memory_space<hbm>>
      tpu.wait_dma2 semaphore(%run_scoped3A_103 : memref<!tpu.dma_semaphore, #tpu.memory_space<semaphore_mem>>) src(%dma_wait3A_131 : memref<64x16xf32, #tpu.memory_space<hbm>>) dst(%dma_wait3A_128 : memref<64x16xf32, #tpu.memory_space<vmem>>)
      tpu.yield
    }) : () -> ()
    %add3A_10 = arith.constant 0 : i32
    %add3A_11 = arith.addi %mul3A_2, %add3A_10 : i32
    %dma_start3A = arith.constant 0 : i32
    %dma_start3A_12 = arith.constant 0 : i32
    %dma_start3A_13 = arith.constant 0 : i32
    %dma_start3A_14 = tpu.memref_slice %arg7[%dma_start3A, %dma_start3A_13] : memref<2x64xi32, #tpu.memory_space<vmem>> -> memref<1x32xi32, #tpu.memory_space<vmem>>
    %dma_start3A_15 = tpu.memref_squeeze %dma_start3A_14 : memref<1x32xi32, #tpu.memory_space<vmem>> -> memref<32xi32, #tpu.memory_space<vmem>>
    %dma_start3A_16 = arith.constant 0 : i32
    %dma_start3A_17 = arith.constant 0 : i32
    %dma_start3A_18 = tpu.memref_slice %arg2[%dma_start3A_16, %dma_start3A_17] : memref<8704x1024xf32, #tpu.memory_space<hbm>> -> memref<8704x1024xf32, #tpu.memory_space<hbm>>
    %dma_start3A_19 = tpu.memref_slice %arg12[%dma_start3A_12] : memref<2x!tpu.dma_semaphore, #tpu.memory_space<semaphore_mem>> -> memref<1x!tpu.dma_semaphore, #tpu.memory_space<semaphore_mem>>
    %dma_start3A_20 = tpu.memref_squeeze %dma_start3A_19 : memref<1x!tpu.dma_semaphore, #tpu.memory_space<semaphore_mem>> -> memref<!tpu.dma_semaphore, #tpu.memory_space<semaphore_mem>>
    tpu.enqueue_indirect_dma source(%dma_start3A_18 : memref<8704x1024xf32, #tpu.memory_space<hbm>>) target(%arg10 : memref<32x1024xf32, #tpu.memory_space<vmem>>) offsets(%dma_start3A_15 : memref<32xi32, #tpu.memory_space<vmem>>) semaphore(%dma_start3A_20 : memref<!tpu.dma_semaphore, #tpu.memory_space<semaphore_mem>>)
    %dma_start3A_21 = arith.constant 1 : i32
    %dma_start3A_22 = arith.constant 1 : i32
    %dma_start3A_23 = arith.constant 0 : i32
    %dma_start3A_24 = tpu.memref_slice %arg7[%dma_start3A_21, %dma_start3A_23] : memref<2x64xi32, #tpu.memory_space<vmem>> -> memref<1x32xi32, #tpu.memory_space<vmem>>
    %dma_start3A_25 = tpu.memref_squeeze %dma_start3A_24 : memref<1x32xi32, #tpu.memory_space<vmem>> -> memref<32xi32, #tpu.memory_space<vmem>>
    %dma_start3A_26 = arith.constant 0 : i32
    %dma_start3A_27 = arith.constant 0 : i32
    %dma_start3A_28 = tpu.memref_slice %arg2[%dma_start3A_26, %dma_start3A_27] : memref<8704x1024xf32, #tpu.memory_space<hbm>> -> memref<8704x1024xf32, #tpu.memory_space<hbm>>
    %dma_start3A_29 = tpu.memref_slice %arg12[%dma_start3A_22] : memref<2x!tpu.dma_semaphore, #tpu.memory_space<semaphore_mem>> -> memref<1x!tpu.dma_semaphore, #tpu.memory_space<semaphore_mem>>
    %dma_start3A_30 = tpu.memref_squeeze %dma_start3A_29 : memref<1x!tpu.dma_semaphore, #tpu.memory_space<semaphore_mem>> -> memref<!tpu.dma_semaphore, #tpu.memory_space<semaphore_mem>>
    tpu.enqueue_indirect_dma source(%dma_start3A_28 : memref<8704x1024xf32, #tpu.memory_space<hbm>>) target(%arg11 : memref<32x1024xf32, #tpu.memory_space<vmem>>) offsets(%dma_start3A_25 : memref<32xi32, #tpu.memory_space<vmem>>) semaphore(%dma_start3A_30 : memref<!tpu.dma_semaphore, #tpu.memory_space<semaphore_mem>>)
    "tpu.region"() ({
      %run_scoped3A_103 = tpu.sem_alloc : memref<!tpu.dma_semaphore, #tpu.memory_space<semaphore_mem>>
      %dma_start3A_104 = arith.constant 0 : i32
      %dma_start3A_105 = tpu.memref_slice %arg5[%add3A_11, %dma_start3A_104] : memref<2048x1024xf32, #tpu.memory_space<hbm>> -> memref<32x1024xf32, #tpu.memory_space<hbm>>
      %dma_start3A_106 = arith.constant 0 : i32
      %dma_start3A_107 = tpu.memref_slice %arg5[%add3A_11, %dma_start3A_106] : memref<2048x1024xf32, #tpu.memory_space<hbm>> -> memref<32x1024xf32, #tpu.memory_space<hbm>>
      tpu.enqueue_dma source(%dma_start3A_107 : memref<32x1024xf32, #tpu.memory_space<hbm>>) target(%arg9 : memref<32x1024xf32, #tpu.memory_space<vmem>>) target_semaphore(%run_scoped3A_103 : memref<!tpu.dma_semaphore, #tpu.memory_space<semaphore_mem>>)
      %dma_wait3A_108 = arith.constant 0 : i32
      %dma_wait3A_109 = tpu.memref_slice %arg5[%add3A_11, %dma_wait3A_108] : memref<2048x1024xf32, #tpu.memory_space<hbm>> -> memref<32x1024xf32, #tpu.memory_space<hbm>>
      %dma_wait3A_110 = arith.constant 0 : i32
      %dma_wait3A_111 = tpu.memref_slice %arg5[%add3A_11, %dma_wait3A_110] : memref<2048x1024xf32, #tpu.memory_space<hbm>> -> memref<32x1024xf32, #tpu.memory_space<hbm>>
      tpu.wait_dma2 semaphore(%run_scoped3A_103 : memref<!tpu.dma_semaphore, #tpu.memory_space<semaphore_mem>>) src(%dma_wait3A_111 : memref<32x1024xf32, #tpu.memory_space<hbm>>) dst(%arg9 : memref<32x1024xf32, #tpu.memory_space<vmem>>)
      tpu.yield
    }) : () -> ()
    %dma_wait3A = arith.constant 0 : i32
    %dma_wait3A_31 = arith.constant 0 : i32
    %dma_wait3A_32 = arith.constant 0 : i32
    %dma_wait3A_33 = tpu.memref_slice %arg7[%dma_wait3A, %dma_wait3A_32] : memref<2x64xi32, #tpu.memory_space<vmem>> -> memref<1x32xi32, #tpu.memory_space<vmem>>
    %dma_wait3A_34 = tpu.memref_squeeze %dma_wait3A_33 : memref<1x32xi32, #tpu.memory_space<vmem>> -> memref<32xi32, #tpu.memory_space<vmem>>
    %dma_wait3A_35 = arith.constant 0 : i32
    %dma_wait3A_36 = arith.constant 0 : i32
    %dma_wait3A_37 = tpu.memref_slice %arg2[%dma_wait3A_35, %dma_wait3A_36] : memref<8704x1024xf32, #tpu.memory_space<hbm>> -> memref<8704x1024xf32, #tpu.memory_space<hbm>>
    %dma_wait3A_38 = tpu.memref_slice %arg12[%dma_wait3A_31] : memref<2x!tpu.dma_semaphore, #tpu.memory_space<semaphore_mem>> -> memref<1x!tpu.dma_semaphore, #tpu.memory_space<semaphore_mem>>
    %dma_wait3A_39 = tpu.memref_squeeze %dma_wait3A_38 : memref<1x!tpu.dma_semaphore, #tpu.memory_space<semaphore_mem>> -> memref<!tpu.dma_semaphore, #tpu.memory_space<semaphore_mem>>
    tpu.wait_indirect_dma semaphore(%dma_wait3A_39 : memref<!tpu.dma_semaphore, #tpu.memory_space<semaphore_mem>>) src(%dma_wait3A_37 : memref<8704x1024xf32, #tpu.memory_space<hbm>>) dst(%arg10 : memref<32x1024xf32, #tpu.memory_space<vmem>>)
    %dma_wait3A_40 = arith.constant 1 : i32
    %dma_wait3A_41 = arith.constant 1 : i32
    %dma_wait3A_42 = arith.constant 0 : i32
    %dma_wait3A_43 = tpu.memref_slice %arg7[%dma_wait3A_40, %dma_wait3A_42] : memref<2x64xi32, #tpu.memory_space<vmem>> -> memref<1x32xi32, #tpu.memory_space<vmem>>
    %dma_wait3A_44 = tpu.memref_squeeze %dma_wait3A_43 : memref<1x32xi32, #tpu.memory_space<vmem>> -> memref<32xi32, #tpu.memory_space<vmem>>
    %dma_wait3A_45 = arith.constant 0 : i32
    %dma_wait3A_46 = arith.constant 0 : i32
    %dma_wait3A_47 = tpu.memref_slice %arg2[%dma_wait3A_45, %dma_wait3A_46] : memref<8704x1024xf32, #tpu.memory_space<hbm>> -> memref<8704x1024xf32, #tpu.memory_space<hbm>>
    %dma_wait3A_48 = tpu.memref_slice %arg12[%dma_wait3A_41] : memref<2x!tpu.dma_semaphore, #tpu.memory_space<semaphore_mem>> -> memref<1x!tpu.dma_semaphore, #tpu.memory_space<semaphore_mem>>
    %dma_wait3A_49 = tpu.memref_squeeze %dma_wait3A_48 : memref<1x!tpu.dma_semaphore, #tpu.memory_space<semaphore_mem>> -> memref<!tpu.dma_semaphore, #tpu.memory_space<semaphore_mem>>
    tpu.wait_indirect_dma semaphore(%dma_wait3A_49 : memref<!tpu.dma_semaphore, #tpu.memory_space<semaphore_mem>>) src(%dma_wait3A_47 : memref<8704x1024xf32, #tpu.memory_space<hbm>>) dst(%arg11 : memref<32x1024xf32, #tpu.memory_space<vmem>>)
    %scan3A = arith.constant 0 : i32
    %scan3A_50 = arith.constant 0 : i32
    %scan3A_51 = arith.constant 32 : i32
    %scan3A_52 = arith.addi %scan3A_50, %scan3A_51 : i32
    %scan3A_53 = arith.constant 1 : i32
    scf.for %scan3A_103 = %scan3A_50 to %scan3A_52 step %scan3A_53  : i32 {
      %add3A_104 = arith.constant 0 : i32
      %add3A_105 = arith.addi %add3A_104, %scan3A_103 : i32
      %get3A = arith.constant 0 : i32
      %get3A_106 = arith.index_cast %get3A : i32 to index
      %get3A_107 = arith.index_cast %add3A_105 : i32 to index
      %get3A_108 = arith.constant 0 : index
      %get3A_109 = tpu.vector_load %arg8[%get3A_106, %get3A_107, %get3A_108] {strides = array<i32>} : memref<2x64x16xf32, #tpu.memory_space<vmem>>, vector<1x1x16xf32>,
      %get3A_110 = vector.shape_cast %get3A_109 : vector<1x1x16xf32> to vector<16xf32>
      %add3A_111 = arith.constant 0 : i32
      %add3A_112 = arith.addi %add3A_111, %scan3A_103 : i32
      %get3A_113 = arith.constant 1 : i32
      %get3A_114 = arith.index_cast %get3A_113 : i32 to index
      %get3A_115 = arith.index_cast %add3A_112 : i32 to index
      %get3A_116 = arith.constant 0 : index
      %get3A_117 = tpu.vector_load %arg8[%get3A_114, %get3A_115, %get3A_116] {strides = array<i32>} : memref<2x64x16xf32, #tpu.memory_space<vmem>>, vector<1x1x16xf32>,
      %get3A_118 = vector.shape_cast %get3A_117 : vector<1x1x16xf32> to vector<16xf32>
      %scan3A_119 = arith.constant 0 : i32
      %scan3A_120 = arith.constant 64 : i32
      %scan3A_121 = arith.addi %scan3A_119, %scan3A_120 : i32
      %scan3A_122 = arith.constant 4 : i32
      scf.for %scan3A_124 = %scan3A_119 to %scan3A_121 step %scan3A_122  : i32 {
        %mul3A_125 = arith.constant 16 : i32
        %mul3A_126 = arith.muli %scan3A_124, %mul3A_125 : i32
        %get3A_127 = arith.index_cast %scan3A_103 : i32 to index
        %get3A_128 = arith.index_cast %mul3A_126 : i32 to index
        %get3A_129 = tpu.vector_load %arg9[%get3A_127, %get3A_128] {strides = array<i32>} : memref<32x1024xf32, #tpu.memory_space<vmem>>, vector<1x16xf32>,
        %get3A_130 = vector.shape_cast %get3A_129 : vector<1x16xf32> to vector<16xf32>
        %get3A_131 = arith.index_cast %scan3A_103 : i32 to index
        %get3A_132 = arith.index_cast %mul3A_126 : i32 to index
        %get3A_133 = tpu.vector_load %arg10[%get3A_131, %get3A_132] {strides = array<i32>} : memref<32x1024xf32, #tpu.memory_space<vmem>>, vector<1x16xf32>,
        %get3A_134 = vector.shape_cast %get3A_133 : vector<1x16xf32> to vector<16xf32>
        %mul3A_135 = arith.mulf %get3A_110, %get3A_134 : vector<16xf32>
        %add3A_136 = arith.addf %get3A_130, %mul3A_135 : vector<16xf32>
        %get3A_137 = arith.index_cast %scan3A_103 : i32 to index
        %get3A_138 = arith.index_cast %mul3A_126 : i32 to index
        %get3A_139 = tpu.vector_load %arg11[%get3A_137, %get3A_138] {strides = array<i32>} : memref<32x1024xf32, #tpu.memory_space<vmem>>, vector<1x16xf32>,
        %get3A_140 = vector.shape_cast %get3A_139 : vector<1x16xf32> to vector<16xf32>
        %mul3A_141 = arith.mulf %get3A_118, %get3A_140 : vector<16xf32>
        %add3A_142 = arith.addf %add3A_136, %mul3A_141 : vector<16xf32>
        %swap3A = arith.index_cast %scan3A_103 : i32 to index
        %swap3A_143 = arith.index_cast %mul3A_126 : i32 to index
        %swap3A_144 = tpu.vector_load %arg9[%swap3A, %swap3A_143] {strides = array<i32>} : memref<32x1024xf32, #tpu.memory_space<vmem>>, vector<1x16xf32>,
        %swap3A_145 = vector.shape_cast %swap3A_144 : vector<1x16xf32> to vector<16xf32>
        %swap3A_146 = vector.shape_cast %add3A_142 : vector<16xf32> to vector<1x16xf32>
        tpu.vector_store %arg9[%swap3A, %swap3A_143], %swap3A_146 {strides = array<i32>} : memref<32x1024xf32, #tpu.memory_space<vmem>>, vector<1x16xf32>,
        %scan3A_147 = arith.constant 1 : i32
        %scan3A_148 = arith.addi %scan3A_124, %scan3A_147 : i32
        %mul3A_149 = arith.constant 16 : i32
        %mul3A_150 = arith.muli %scan3A_148, %mul3A_149 : i32
        %get3A_151 = arith.index_cast %scan3A_103 : i32 to index
        %get3A_152 = arith.index_cast %mul3A_150 : i32 to index
        %get3A_153 = tpu.vector_load %arg9[%get3A_151, %get3A_152] {strides = array<i32>} : memref<32x1024xf32, #tpu.memory_space<vmem>>, vector<1x16xf32>,
        %get3A_154 = vector.shape_cast %get3A_153 : vector<1x16xf32> to vector<16xf32>
        %get3A_155 = arith.index_cast %scan3A_103 : i32 to index
        %get3A_156 = arith.index_cast %mul3A_150 : i32 to index
        %get3A_157 = tpu.vector_load %arg10[%get3A_155, %get3A_156] {strides = array<i32>} : memref<32x1024xf32, #tpu.memory_space<vmem>>, vector<1x16xf32>,
        %get3A_158 = vector.shape_cast %get3A_157 : vector<1x16xf32> to vector<16xf32>
        %mul3A_159 = arith.mulf %get3A_110, %get3A_158 : vector<16xf32>
        %add3A_160 = arith.addf %get3A_154, %mul3A_159 : vector<16xf32>
        %get3A_161 = arith.index_cast %scan3A_103 : i32 to index
        %get3A_162 = arith.index_cast %mul3A_150 : i32 to index
        %get3A_163 = tpu.vector_load %arg11[%get3A_161, %get3A_162] {strides = array<i32>} : memref<32x1024xf32, #tpu.memory_space<vmem>>, vector<1x16xf32>,
        %get3A_164 = vector.shape_cast %get3A_163 : vector<1x16xf32> to vector<16xf32>
        %mul3A_165 = arith.mulf %get3A_118, %get3A_164 : vector<16xf32>
        %add3A_166 = arith.addf %add3A_160, %mul3A_165 : vector<16xf32>
        %swap3A_167 = arith.index_cast %scan3A_103 : i32 to index
        %swap3A_168 = arith.index_cast %mul3A_150 : i32 to index
        %swap3A_169 = tpu.vector_load %arg9[%swap3A_167, %swap3A_168] {strides = array<i32>} : memref<32x1024xf32, #tpu.memory_space<vmem>>, vector<1x16xf32>,
        %swap3A_170 = vector.shape_cast %swap3A_169 : vector<1x16xf32> to vector<16xf32>
        %swap3A_171 = vector.shape_cast %add3A_166 : vector<16xf32> to vector<1x16xf32>
        tpu.vector_store %arg9[%swap3A_167, %swap3A_168], %swap3A_171 {strides = array<i32>} : memref<32x1024xf32, #tpu.memory_space<vmem>>, vector<1x16xf32>,
        %scan3A_172 = arith.constant 2 : i32
        %scan3A_173 = arith.addi %scan3A_124, %scan3A_172 : i32
        %mul3A_174 = arith.constant 16 : i32
        %mul3A_175 = arith.muli %scan3A_173, %mul3A_174 : i32
        %get3A_176 = arith.index_cast %scan3A_103 : i32 to index
        %get3A_177 = arith.index_cast %mul3A_175 : i32 to index
        %get3A_178 = tpu.vector_load %arg9[%get3A_176, %get3A_177] {strides = array<i32>} : memref<32x1024xf32, #tpu.memory_space<vmem>>, vector<1x16xf32>,
        %get3A_179 = vector.shape_cast %get3A_178 : vector<1x16xf32> to vector<16xf32>
        %get3A_180 = arith.index_cast %scan3A_103 : i32 to index
        %get3A_181 = arith.index_cast %mul3A_175 : i32 to index
        %get3A_182 = tpu.vector_load %arg10[%get3A_180, %get3A_181] {strides = array<i32>} : memref<32x1024xf32, #tpu.memory_space<vmem>>, vector<1x16xf32>,
        %get3A_183 = vector.shape_cast %get3A_182 : vector<1x16xf32> to vector<16xf32>
        %mul3A_184 = arith.mulf %get3A_110, %get3A_183 : vector<16xf32>
        %add3A_185 = arith.addf %get3A_179, %mul3A_184 : vector<16xf32>
        %get3A_186 = arith.index_cast %scan3A_103 : i32 to index
        %get3A_187 = arith.index_cast %mul3A_175 : i32 to index
        %get3A_188 = tpu.vector_load %arg11[%get3A_186, %get3A_187] {strides = array<i32>} : memref<32x1024xf32, #tpu.memory_space<vmem>>, vector<1x16xf32>,
        %get3A_189 = vector.shape_cast %get3A_188 : vector<1x16xf32> to vector<16xf32>
        %mul3A_190 = arith.mulf %get3A_118, %get3A_189 : vector<16xf32>
        %add3A_191 = arith.addf %add3A_185, %mul3A_190 : vector<16xf32>
        %swap3A_192 = arith.index_cast %scan3A_103 : i32 to index
        %swap3A_193 = arith.index_cast %mul3A_175 : i32 to index
        %swap3A_194 = tpu.vector_load %arg9[%swap3A_192, %swap3A_193] {strides = array<i32>} : memref<32x1024xf32, #tpu.memory_space<vmem>>, vector<1x16xf32>,
        %swap3A_195 = vector.shape_cast %swap3A_194 : vector<1x16xf32> to vector<16xf32>
        %swap3A_196 = vector.shape_cast %add3A_191 : vector<16xf32> to vector<1x16xf32>
        tpu.vector_store %arg9[%swap3A_192, %swap3A_193], %swap3A_196 {strides = array<i32>} : memref<32x1024xf32, #tpu.memory_space<vmem>>, vector<1x16xf32>,
        %scan3A_197 = arith.constant 3 : i32
        %scan3A_198 = arith.addi %scan3A_124, %scan3A_197 : i32
        %mul3A_199 = arith.constant 16 : i32
        %mul3A_200 = arith.muli %scan3A_198, %mul3A_199 : i32
        %get3A_201 = arith.index_cast %scan3A_103 : i32 to index
        %get3A_202 = arith.index_cast %mul3A_200 : i32 to index
        %get3A_203 = tpu.vector_load %arg9[%get3A_201, %get3A_202] {strides = array<i32>} : memref<32x1024xf32, #tpu.memory_space<vmem>>, vector<1x16xf32>,
        %get3A_204 = vector.shape_cast %get3A_203 : vector<1x16xf32> to vector<16xf32>
        %get3A_205 = arith.index_cast %scan3A_103 : i32 to index
        %get3A_206 = arith.index_cast %mul3A_200 : i32 to index
        %get3A_207 = tpu.vector_load %arg10[%get3A_205, %get3A_206] {strides = array<i32>} : memref<32x1024xf32, #tpu.memory_space<vmem>>, vector<1x16xf32>,
        %get3A_208 = vector.shape_cast %get3A_207 : vector<1x16xf32> to vector<16xf32>
        %mul3A_209 = arith.mulf %get3A_110, %get3A_208 : vector<16xf32>
        %add3A_210 = arith.addf %get3A_204, %mul3A_209 : vector<16xf32>
        %get3A_211 = arith.index_cast %scan3A_103 : i32 to index
        %get3A_212 = arith.index_cast %mul3A_200 : i32 to index
        %get3A_213 = tpu.vector_load %arg11[%get3A_211, %get3A_212] {strides = array<i32>} : memref<32x1024xf32, #tpu.memory_space<vmem>>, vector<1x16xf32>,
        %get3A_214 = vector.shape_cast %get3A_213 : vector<1x16xf32> to vector<16xf32>
        %mul3A_215 = arith.mulf %get3A_118, %get3A_214 : vector<16xf32>
        %add3A_216 = arith.addf %add3A_210, %mul3A_215 : vector<16xf32>
        %swap3A_217 = arith.index_cast %scan3A_103 : i32 to index
        %swap3A_218 = arith.index_cast %mul3A_200 : i32 to index
        %swap3A_219 = tpu.vector_load %arg9[%swap3A_217, %swap3A_218] {strides = array<i32>} : memref<32x1024xf32, #tpu.memory_space<vmem>>, vector<1x16xf32>,
        %swap3A_220 = vector.shape_cast %swap3A_219 : vector<1x16xf32> to vector<16xf32>
        %swap3A_221 = vector.shape_cast %add3A_216 : vector<16xf32> to vector<1x16xf32>
        tpu.vector_store %arg9[%swap3A_217, %swap3A_218], %swap3A_221 {strides = array<i32>} : memref<32x1024xf32, #tpu.memory_space<vmem>>, vector<1x16xf32>,
      }
      %scan3A_123 = arith.constant 64 : i32
    }
    %scan3A_54 = arith.constant 32 : i32
    "tpu.region"() ({
      %run_scoped3A_103 = tpu.sem_alloc : memref<!tpu.dma_semaphore, #tpu.memory_space<semaphore_mem>>
      %dma_start3A_104 = arith.constant 0 : i32
      %dma_start3A_105 = tpu.memref_slice %arg6[%add3A_11, %dma_start3A_104] : memref<2048x1024xf32, #tpu.memory_space<hbm>> -> memref<32x1024xf32, #tpu.memory_space<hbm>>
      %dma_start3A_106 = arith.constant 0 : i32
      %dma_start3A_107 = tpu.memref_slice %arg6[%add3A_11, %dma_start3A_106] : memref<2048x1024xf32, #tpu.memory_space<hbm>> -> memref<32x1024xf32, #tpu.memory_space<hbm>>
      tpu.enqueue_dma source(%arg9 : memref<32x1024xf32, #tpu.memory_space<vmem>>) target(%dma_start3A_107 : memref<32x1024xf32, #tpu.memory_space<hbm>>) target_semaphore(%run_scoped3A_103 : memref<!tpu.dma_semaphore, #tpu.memory_space<semaphore_mem>>)
      %dma_wait3A_108 = arith.constant 0 : i32
      %dma_wait3A_109 = tpu.memref_slice %arg6[%add3A_11, %dma_wait3A_108] : memref<2048x1024xf32, #tpu.memory_space<hbm>> -> memref<32x1024xf32, #tpu.memory_space<hbm>>
      %dma_wait3A_110 = arith.constant 0 : i32
      %dma_wait3A_111 = tpu.memref_slice %arg6[%add3A_11, %dma_wait3A_110] : memref<2048x1024xf32, #tpu.memory_space<hbm>> -> memref<32x1024xf32, #tpu.memory_space<hbm>>
      tpu.wait_dma2 semaphore(%run_scoped3A_103 : memref<!tpu.dma_semaphore, #tpu.memory_space<semaphore_mem>>) src(%arg9 : memref<32x1024xf32, #tpu.memory_space<vmem>>) dst(%dma_wait3A_111 : memref<32x1024xf32, #tpu.memory_space<hbm>>)
      tpu.yield
    }) : () -> ()
    %add3A_55 = arith.constant 32 : i32
    %add3A_56 = arith.addi %mul3A_2, %add3A_55 : i32
    %dma_start3A_57 = arith.constant 0 : i32
    %dma_start3A_58 = arith.constant 0 : i32
    %dma_start3A_59 = arith.constant 32 : i32
    %dma_start3A_60 = tpu.memref_slice %arg7[%dma_start3A_57, %dma_start3A_59] : memref<2x64xi32, #tpu.memory_space<vmem>> -> memref<1x32xi32, #tpu.memory_space<vmem>>
    %dma_start3A_61 = tpu.memref_squeeze %dma_start3A_60 : memref<1x32xi32, #tpu.memory_space<vmem>> -> memref<32xi32, #tpu.memory_space<vmem>>
    %dma_start3A_62 = arith.constant 0 : i32
    %dma_start3A_63 = arith.constant 0 : i32
    %dma_start3A_64 = tpu.memref_slice %arg2[%dma_start3A_62, %dma_start3A_63] : memref<8704x1024xf32, #tpu.memory_space<hbm>> -> memref<8704x1024xf32, #tpu.memory_space<hbm>>
    %dma_start3A_65 = tpu.memref_slice %arg12[%dma_start3A_58] : memref<2x!tpu.dma_semaphore, #tpu.memory_space<semaphore_mem>> -> memref<1x!tpu.dma_semaphore, #tpu.memory_space<semaphore_mem>>
    %dma_start3A_66 = tpu.memref_squeeze %dma_start3A_65 : memref<1x!tpu.dma_semaphore, #tpu.memory_space<semaphore_mem>> -> memref<!tpu.dma_semaphore, #tpu.memory_space<semaphore_mem>>
    tpu.enqueue_indirect_dma source(%dma_start3A_64 : memref<8704x1024xf32, #tpu.memory_space<hbm>>) target(%arg10 : memref<32x1024xf32, #tpu.memory_space<vmem>>) offsets(%dma_start3A_61 : memref<32xi32, #tpu.memory_space<vmem>>) semaphore(%dma_start3A_66 : memref<!tpu.dma_semaphore, #tpu.memory_space<semaphore_mem>>)
    %dma_start3A_67 = arith.constant 1 : i32
    %dma_start3A_68 = arith.constant 1 : i32
    %dma_start3A_69 = arith.constant 32 : i32
    %dma_start3A_70 = tpu.memref_slice %arg7[%dma_start3A_67, %dma_start3A_69] : memref<2x64xi32, #tpu.memory_space<vmem>> -> memref<1x32xi32, #tpu.memory_space<vmem>>
    %dma_start3A_71 = tpu.memref_squeeze %dma_start3A_70 : memref<1x32xi32, #tpu.memory_space<vmem>> -> memref<32xi32, #tpu.memory_space<vmem>>
    %dma_start3A_72 = arith.constant 0 : i32
    %dma_start3A_73 = arith.constant 0 : i32
    %dma_start3A_74 = tpu.memref_slice %arg2[%dma_start3A_72, %dma_start3A_73] : memref<8704x1024xf32, #tpu.memory_space<hbm>> -> memref<8704x1024xf32, #tpu.memory_space<hbm>>
    %dma_start3A_75 = tpu.memref_slice %arg12[%dma_start3A_68] : memref<2x!tpu.dma_semaphore, #tpu.memory_space<semaphore_mem>> -> memref<1x!tpu.dma_semaphore, #tpu.memory_space<semaphore_mem>>
    %dma_start3A_76 = tpu.memref_squeeze %dma_start3A_75 : memref<1x!tpu.dma_semaphore, #tpu.memory_space<semaphore_mem>> -> memref<!tpu.dma_semaphore, #tpu.memory_space<semaphore_mem>>
    tpu.enqueue_indirect_dma source(%dma_start3A_74 : memref<8704x1024xf32, #tpu.memory_space<hbm>>) target(%arg11 : memref<32x1024xf32, #tpu.memory_space<vmem>>) offsets(%dma_start3A_71 : memref<32xi32, #tpu.memory_space<vmem>>) semaphore(%dma_start3A_76 : memref<!tpu.dma_semaphore, #tpu.memory_space<semaphore_mem>>)
    "tpu.region"() ({
      %run_scoped3A_103 = tpu.sem_alloc : memref<!tpu.dma_semaphore, #tpu.memory_space<semaphore_mem>>
      %dma_start3A_104 = arith.constant 0 : i32
      %dma_start3A_105 = tpu.memref_slice %arg5[%add3A_56, %dma_start3A_104] : memref<2048x1024xf32, #tpu.memory_space<hbm>> -> memref<32x1024xf32, #tpu.memory_space<hbm>>
      %dma_start3A_106 = arith.constant 0 : i32
      %dma_start3A_107 = tpu.memref_slice %arg5[%add3A_56, %dma_start3A_106] : memref<2048x1024xf32, #tpu.memory_space<hbm>> -> memref<32x1024xf32, #tpu.memory_space<hbm>>
      tpu.enqueue_dma source(%dma_start3A_107 : memref<32x1024xf32, #tpu.memory_space<hbm>>) target(%arg9 : memref<32x1024xf32, #tpu.memory_space<vmem>>) target_semaphore(%run_scoped3A_103 : memref<!tpu.dma_semaphore, #tpu.memory_space<semaphore_mem>>)
      %dma_wait3A_108 = arith.constant 0 : i32
      %dma_wait3A_109 = tpu.memref_slice %arg5[%add3A_56, %dma_wait3A_108] : memref<2048x1024xf32, #tpu.memory_space<hbm>> -> memref<32x1024xf32, #tpu.memory_space<hbm>>
      %dma_wait3A_110 = arith.constant 0 : i32
      %dma_wait3A_111 = tpu.memref_slice %arg5[%add3A_56, %dma_wait3A_110] : memref<2048x1024xf32, #tpu.memory_space<hbm>> -> memref<32x1024xf32, #tpu.memory_space<hbm>>
      tpu.wait_dma2 semaphore(%run_scoped3A_103 : memref<!tpu.dma_semaphore, #tpu.memory_space<semaphore_mem>>) src(%dma_wait3A_111 : memref<32x1024xf32, #tpu.memory_space<hbm>>) dst(%arg9 : memref<32x1024xf32, #tpu.memory_space<vmem>>)
      tpu.yield
    }) : () -> ()
    %dma_wait3A_77 = arith.constant 0 : i32
    %dma_wait3A_78 = arith.constant 0 : i32
    %dma_wait3A_79 = arith.constant 32 : i32
    %dma_wait3A_80 = tpu.memref_slice %arg7[%dma_wait3A_77, %dma_wait3A_79] : memref<2x64xi32, #tpu.memory_space<vmem>> -> memref<1x32xi32, #tpu.memory_space<vmem>>
    %dma_wait3A_81 = tpu.memref_squeeze %dma_wait3A_80 : memref<1x32xi32, #tpu.memory_space<vmem>> -> memref<32xi32, #tpu.memory_space<vmem>>
    %dma_wait3A_82 = arith.constant 0 : i32
    %dma_wait3A_83 = arith.constant 0 : i32
    %dma_wait3A_84 = tpu.memref_slice %arg2[%dma_wait3A_82, %dma_wait3A_83] : memref<8704x1024xf32, #tpu.memory_space<hbm>> -> memref<8704x1024xf32, #tpu.memory_space<hbm>>
    %dma_wait3A_85 = tpu.memref_slice %arg12[%dma_wait3A_78] : memref<2x!tpu.dma_semaphore, #tpu.memory_space<semaphore_mem>> -> memref<1x!tpu.dma_semaphore, #tpu.memory_space<semaphore_mem>>
    %dma_wait3A_86 = tpu.memref_squeeze %dma_wait3A_85 : memref<1x!tpu.dma_semaphore, #tpu.memory_space<semaphore_mem>> -> memref<!tpu.dma_semaphore, #tpu.memory_space<semaphore_mem>>
    tpu.wait_indirect_dma semaphore(%dma_wait3A_86 : memref<!tpu.dma_semaphore, #tpu.memory_space<semaphore_mem>>) src(%dma_wait3A_84 : memref<8704x1024xf32, #tpu.memory_space<hbm>>) dst(%arg10 : memref<32x1024xf32, #tpu.memory_space<vmem>>)
    %dma_wait3A_87 = arith.constant 1 : i32
    %dma_wait3A_88 = arith.constant 1 : i32
    %dma_wait3A_89 = arith.constant 32 : i32
    %dma_wait3A_90 = tpu.memref_slice %arg7[%dma_wait3A_87, %dma_wait3A_89] : memref<2x64xi32, #tpu.memory_space<vmem>> -> memref<1x32xi32, #tpu.memory_space<vmem>>
    %dma_wait3A_91 = tpu.memref_squeeze %dma_wait3A_90 : memref<1x32xi32, #tpu.memory_space<vmem>> -> memref<32xi32, #tpu.memory_space<vmem>>
    %dma_wait3A_92 = arith.constant 0 : i32
    %dma_wait3A_93 = arith.constant 0 : i32
    %dma_wait3A_94 = tpu.memref_slice %arg2[%dma_wait3A_92, %dma_wait3A_93] : memref<8704x1024xf32, #tpu.memory_space<hbm>> -> memref<8704x1024xf32, #tpu.memory_space<hbm>>
    %dma_wait3A_95 = tpu.memref_slice %arg12[%dma_wait3A_88] : memref<2x!tpu.dma_semaphore, #tpu.memory_space<semaphore_mem>> -> memref<1x!tpu.dma_semaphore, #tpu.memory_space<semaphore_mem>>
    %dma_wait3A_96 = tpu.memref_squeeze %dma_wait3A_95 : memref<1x!tpu.dma_semaphore, #tpu.memory_space<semaphore_mem>> -> memref<!tpu.dma_semaphore, #tpu.memory_space<semaphore_mem>>
    tpu.wait_indirect_dma semaphore(%dma_wait3A_96 : memref<!tpu.dma_semaphore, #tpu.memory_space<semaphore_mem>>) src(%dma_wait3A_94 : memref<8704x1024xf32, #tpu.memory_space<hbm>>) dst(%arg11 : memref<32x1024xf32, #tpu.memory_space<vmem>>)
    %scan3A_97 = arith.constant 0 : i32
    %scan3A_98 = arith.constant 0 : i32
    %scan3A_99 = arith.constant 32 : i32
    %scan3A_100 = arith.addi %scan3A_98, %scan3A_99 : i32
    %scan3A_101 = arith.constant 1 : i32
    scf.for %scan3A_103 = %scan3A_98 to %scan3A_100 step %scan3A_101  : i32 {
      %add3A_104 = arith.constant 32 : i32
      %add3A_105 = arith.addi %add3A_104, %scan3A_103 : i32
      %get3A = arith.constant 0 : i32
      %get3A_106 = arith.index_cast %get3A : i32 to index
      %get3A_107 = arith.index_cast %add3A_105 : i32 to index
      %get3A_108 = arith.constant 0 : index
      %get3A_109 = tpu.vector_load %arg8[%get3A_106, %get3A_107, %get3A_108] {strides = array<i32>} : memref<2x64x16xf32, #tpu.memory_space<vmem>>, vector<1x1x16xf32>,
      %get3A_110 = vector.shape_cast %get3A_109 : vector<1x1x16xf32> to vector<16xf32>
      %add3A_111 = arith.constant 32 : i32
      %add3A_112 = arith.addi %add3A_111, %scan3A_103 : i32
      %get3A_113 = arith.constant 1 : i32
      %get3A_114 = arith.index_cast %get3A_113 : i32 to index
      %get3A_115 = arith.index_cast %add3A_112 : i32 to index
      %get3A_116 = arith.constant 0 : index
      %get3A_117 = tpu.vector_load %arg8[%get3A_114, %get3A_115, %get3A_116] {strides = array<i32>} : memref<2x64x16xf32, #tpu.memory_space<vmem>>, vector<1x1x16xf32>,
      %get3A_118 = vector.shape_cast %get3A_117 : vector<1x1x16xf32> to vector<16xf32>
      %scan3A_119 = arith.constant 0 : i32
      %scan3A_120 = arith.constant 64 : i32
      %scan3A_121 = arith.addi %scan3A_119, %scan3A_120 : i32
      %scan3A_122 = arith.constant 4 : i32
      scf.for %scan3A_124 = %scan3A_119 to %scan3A_121 step %scan3A_122  : i32 {
        %mul3A_125 = arith.constant 16 : i32
        %mul3A_126 = arith.muli %scan3A_124, %mul3A_125 : i32
        %get3A_127 = arith.index_cast %scan3A_103 : i32 to index
        %get3A_128 = arith.index_cast %mul3A_126 : i32 to index
        %get3A_129 = tpu.vector_load %arg9[%get3A_127, %get3A_128] {strides = array<i32>} : memref<32x1024xf32, #tpu.memory_space<vmem>>, vector<1x16xf32>,
        %get3A_130 = vector.shape_cast %get3A_129 : vector<1x16xf32> to vector<16xf32>
        %get3A_131 = arith.index_cast %scan3A_103 : i32 to index
        %get3A_132 = arith.index_cast %mul3A_126 : i32 to index
        %get3A_133 = tpu.vector_load %arg10[%get3A_131, %get3A_132] {strides = array<i32>} : memref<32x1024xf32, #tpu.memory_space<vmem>>, vector<1x16xf32>,
        %get3A_134 = vector.shape_cast %get3A_133 : vector<1x16xf32> to vector<16xf32>
        %mul3A_135 = arith.mulf %get3A_110, %get3A_134 : vector<16xf32>
        %add3A_136 = arith.addf %get3A_130, %mul3A_135 : vector<16xf32>
        %get3A_137 = arith.index_cast %scan3A_103 : i32 to index
        %get3A_138 = arith.index_cast %mul3A_126 : i32 to index
        %get3A_139 = tpu.vector_load %arg11[%get3A_137, %get3A_138] {strides = array<i32>} : memref<32x1024xf32, #tpu.memory_space<vmem>>, vector<1x16xf32>,
        %get3A_140 = vector.shape_cast %get3A_139 : vector<1x16xf32> to vector<16xf32>
        %mul3A_141 = arith.mulf %get3A_118, %get3A_140 : vector<16xf32>
        %add3A_142 = arith.addf %add3A_136, %mul3A_141 : vector<16xf32>
        %swap3A = arith.index_cast %scan3A_103 : i32 to index
        %swap3A_143 = arith.index_cast %mul3A_126 : i32 to index
        %swap3A_144 = tpu.vector_load %arg9[%swap3A, %swap3A_143] {strides = array<i32>} : memref<32x1024xf32, #tpu.memory_space<vmem>>, vector<1x16xf32>,
        %swap3A_145 = vector.shape_cast %swap3A_144 : vector<1x16xf32> to vector<16xf32>
        %swap3A_146 = vector.shape_cast %add3A_142 : vector<16xf32> to vector<1x16xf32>
        tpu.vector_store %arg9[%swap3A, %swap3A_143], %swap3A_146 {strides = array<i32>} : memref<32x1024xf32, #tpu.memory_space<vmem>>, vector<1x16xf32>,
        %scan3A_147 = arith.constant 1 : i32
        %scan3A_148 = arith.addi %scan3A_124, %scan3A_147 : i32
        %mul3A_149 = arith.constant 16 : i32
        %mul3A_150 = arith.muli %scan3A_148, %mul3A_149 : i32
        %get3A_151 = arith.index_cast %scan3A_103 : i32 to index
        %get3A_152 = arith.index_cast %mul3A_150 : i32 to index
        %get3A_153 = tpu.vector_load %arg9[%get3A_151, %get3A_152] {strides = array<i32>} : memref<32x1024xf32, #tpu.memory_space<vmem>>, vector<1x16xf32>,
        %get3A_154 = vector.shape_cast %get3A_153 : vector<1x16xf32> to vector<16xf32>
        %get3A_155 = arith.index_cast %scan3A_103 : i32 to index
        %get3A_156 = arith.index_cast %mul3A_150 : i32 to index
        %get3A_157 = tpu.vector_load %arg10[%get3A_155, %get3A_156] {strides = array<i32>} : memref<32x1024xf32, #tpu.memory_space<vmem>>, vector<1x16xf32>,
        %get3A_158 = vector.shape_cast %get3A_157 : vector<1x16xf32> to vector<16xf32>
        %mul3A_159 = arith.mulf %get3A_110, %get3A_158 : vector<16xf32>
        %add3A_160 = arith.addf %get3A_154, %mul3A_159 : vector<16xf32>
        %get3A_161 = arith.index_cast %scan3A_103 : i32 to index
        %get3A_162 = arith.index_cast %mul3A_150 : i32 to index
        %get3A_163 = tpu.vector_load %arg11[%get3A_161, %get3A_162] {strides = array<i32>} : memref<32x1024xf32, #tpu.memory_space<vmem>>, vector<1x16xf32>,
        %get3A_164 = vector.shape_cast %get3A_163 : vector<1x16xf32> to vector<16xf32>
        %mul3A_165 = arith.mulf %get3A_118, %get3A_164 : vector<16xf32>
        %add3A_166 = arith.addf %add3A_160, %mul3A_165 : vector<16xf32>
        %swap3A_167 = arith.index_cast %scan3A_103 : i32 to index
        %swap3A_168 = arith.index_cast %mul3A_150 : i32 to index
        %swap3A_169 = tpu.vector_load %arg9[%swap3A_167, %swap3A_168] {strides = array<i32>} : memref<32x1024xf32, #tpu.memory_space<vmem>>, vector<1x16xf32>,
        %swap3A_170 = vector.shape_cast %swap3A_169 : vector<1x16xf32> to vector<16xf32>
        %swap3A_171 = vector.shape_cast %add3A_166 : vector<16xf32> to vector<1x16xf32>
        tpu.vector_store %arg9[%swap3A_167, %swap3A_168], %swap3A_171 {strides = array<i32>} : memref<32x1024xf32, #tpu.memory_space<vmem>>, vector<1x16xf32>,
        %scan3A_172 = arith.constant 2 : i32
        %scan3A_173 = arith.addi %scan3A_124, %scan3A_172 : i32
        %mul3A_174 = arith.constant 16 : i32
        %mul3A_175 = arith.muli %scan3A_173, %mul3A_174 : i32
        %get3A_176 = arith.index_cast %scan3A_103 : i32 to index
        %get3A_177 = arith.index_cast %mul3A_175 : i32 to index
        %get3A_178 = tpu.vector_load %arg9[%get3A_176, %get3A_177] {strides = array<i32>} : memref<32x1024xf32, #tpu.memory_space<vmem>>, vector<1x16xf32>,
        %get3A_179 = vector.shape_cast %get3A_178 : vector<1x16xf32> to vector<16xf32>
        %get3A_180 = arith.index_cast %scan3A_103 : i32 to index
        %get3A_181 = arith.index_cast %mul3A_175 : i32 to index
        %get3A_182 = tpu.vector_load %arg10[%get3A_180, %get3A_181] {strides = array<i32>} : memref<32x1024xf32, #tpu.memory_space<vmem>>, vector<1x16xf32>,
        %get3A_183 = vector.shape_cast %get3A_182 : vector<1x16xf32> to vector<16xf32>
        %mul3A_184 = arith.mulf %get3A_110, %get3A_183 : vector<16xf32>
        %add3A_185 = arith.addf %get3A_179, %mul3A_184 : vector<16xf32>
        %get3A_186 = arith.index_cast %scan3A_103 : i32 to index
        %get3A_187 = arith.index_cast %mul3A_175 : i32 to index
        %get3A_188 = tpu.vector_load %arg11[%get3A_186, %get3A_187] {strides = array<i32>} : memref<32x1024xf32, #tpu.memory_space<vmem>>, vector<1x16xf32>,
        %get3A_189 = vector.shape_cast %get3A_188 : vector<1x16xf32> to vector<16xf32>
        %mul3A_190 = arith.mulf %get3A_118, %get3A_189 : vector<16xf32>
        %add3A_191 = arith.addf %add3A_185, %mul3A_190 : vector<16xf32>
        %swap3A_192 = arith.index_cast %scan3A_103 : i32 to index
        %swap3A_193 = arith.index_cast %mul3A_175 : i32 to index
        %swap3A_194 = tpu.vector_load %arg9[%swap3A_192, %swap3A_193] {strides = array<i32>} : memref<32x1024xf32, #tpu.memory_space<vmem>>, vector<1x16xf32>,
        %swap3A_195 = vector.shape_cast %swap3A_194 : vector<1x16xf32> to vector<16xf32>
        %swap3A_196 = vector.shape_cast %add3A_191 : vector<16xf32> to vector<1x16xf32>
        tpu.vector_store %arg9[%swap3A_192, %swap3A_193], %swap3A_196 {strides = array<i32>} : memref<32x1024xf32, #tpu.memory_space<vmem>>, vector<1x16xf32>,
        %scan3A_197 = arith.constant 3 : i32
        %scan3A_198 = arith.addi %scan3A_124, %scan3A_197 : i32
        %mul3A_199 = arith.constant 16 : i32
        %mul3A_200 = arith.muli %scan3A_198, %mul3A_199 : i32
        %get3A_201 = arith.index_cast %scan3A_103 : i32 to index
        %get3A_202 = arith.index_cast %mul3A_200 : i32 to index
        %get3A_203 = tpu.vector_load %arg9[%get3A_201, %get3A_202] {strides = array<i32>} : memref<32x1024xf32, #tpu.memory_space<vmem>>, vector<1x16xf32>,
        %get3A_204 = vector.shape_cast %get3A_203 : vector<1x16xf32> to vector<16xf32>
        %get3A_205 = arith.index_cast %scan3A_103 : i32 to index
        %get3A_206 = arith.index_cast %mul3A_200 : i32 to index
        %get3A_207 = tpu.vector_load %arg10[%get3A_205, %get3A_206] {strides = array<i32>} : memref<32x1024xf32, #tpu.memory_space<vmem>>, vector<1x16xf32>,
        %get3A_208 = vector.shape_cast %get3A_207 : vector<1x16xf32> to vector<16xf32>
        %mul3A_209 = arith.mulf %get3A_110, %get3A_208 : vector<16xf32>
        %add3A_210 = arith.addf %get3A_204, %mul3A_209 : vector<16xf32>
        %get3A_211 = arith.index_cast %scan3A_103 : i32 to index
        %get3A_212 = arith.index_cast %mul3A_200 : i32 to index
        %get3A_213 = tpu.vector_load %arg11[%get3A_211, %get3A_212] {strides = array<i32>} : memref<32x1024xf32, #tpu.memory_space<vmem>>, vector<1x16xf32>,
        %get3A_214 = vector.shape_cast %get3A_213 : vector<1x16xf32> to vector<16xf32>
        %mul3A_215 = arith.mulf %get3A_118, %get3A_214 : vector<16xf32>
        %add3A_216 = arith.addf %add3A_210, %mul3A_215 : vector<16xf32>
        %swap3A_217 = arith.index_cast %scan3A_103 : i32 to index
        %swap3A_218 = arith.index_cast %mul3A_200 : i32 to index
        %swap3A_219 = tpu.vector_load %arg9[%swap3A_217, %swap3A_218] {strides = array<i32>} : memref<32x1024xf32, #tpu.memory_space<vmem>>, vector<1x16xf32>,
        %swap3A_220 = vector.shape_cast %swap3A_219 : vector<1x16xf32> to vector<16xf32>
        %swap3A_221 = vector.shape_cast %add3A_216 : vector<16xf32> to vector<1x16xf32>
        tpu.vector_store %arg9[%swap3A_217, %swap3A_218], %swap3A_221 {strides = array<i32>} : memref<32x1024xf32, #tpu.memory_space<vmem>>, vector<1x16xf32>,
      }
      %scan3A_123 = arith.constant 64 : i32
    }
    %scan3A_102 = arith.constant 32 : i32
    "tpu.region"() ({
      %run_scoped3A_103 = tpu.sem_alloc : memref<!tpu.dma_semaphore, #tpu.memory_space<semaphore_mem>>
      %dma_start3A_104 = arith.constant 0 : i32
      %dma_start3A_105 = tpu.memref_slice %arg6[%add3A_56, %dma_start3A_104] : memref<2048x1024xf32, #tpu.memory_space<hbm>> -> memref<32x1024xf32, #tpu.memory_space<hbm>>
      %dma_start3A_106 = arith.constant 0 : i32
      %dma_start3A_107 = tpu.memref_slice %arg6[%add3A_56, %dma_start3A_106] : memref<2048x1024xf32, #tpu.memory_space<hbm>> -> memref<32x1024xf32, #tpu.memory_space<hbm>>
      tpu.enqueue_dma source(%arg9 : memref<32x1024xf32, #tpu.memory_space<vmem>>) target(%dma_start3A_107 : memref<32x1024xf32, #tpu.memory_space<hbm>>) target_semaphore(%run_scoped3A_103 : memref<!tpu.dma_semaphore, #tpu.memory_space<semaphore_mem>>)
      %dma_wait3A_108 = arith.constant 0 : i32
      %dma_wait3A_109 = tpu.memref_slice %arg6[%add3A_56, %dma_wait3A_108] : memref<2048x1024xf32, #tpu.memory_space<hbm>> -> memref<32x1024xf32, #tpu.memory_space<hbm>>
      %dma_wait3A_110 = arith.constant 0 : i32
      %dma_wait3A_111 = tpu.memref_slice %arg6[%add3A_56, %dma_wait3A_110] : memref<2048x1024xf32, #tpu.memory_space<hbm>> -> memref<32x1024xf32, #tpu.memory_space<hbm>>
      tpu.wait_dma2 semaphore(%run_scoped3A_103 : memref<!tpu.dma_semaphore, #tpu.memory_space<semaphore_mem>>) src(%arg9 : memref<32x1024xf32, #tpu.memory_space<vmem>>) dst(%dma_wait3A_111 : memref<32x1024xf32, #tpu.memory_space<hbm>>)
      tpu.yield
    }) : () -> ()
    return
  }
}

#map = affine_map<(d0, d1) -> (0, 0)>
module attributes {stable_mosaic.version = 14 : i64} {
  func.func @_dispatch_body(%arg0: i32, %arg1: i32, %arg2: memref<2048x1024xf32, #tpu.memory_space<hbm>>, %arg3: memref<2x2048xi32, #tpu.memory_space<hbm>>, %arg4: memref<8704x1024xf32, #tpu.memory_space<hbm>>, %arg5: memref<2x32xi32, #tpu.memory_space<vmem>>, %arg6: memref<2x32x1024xf32, #tpu.memory_space<vmem>>, %arg7: memref<!tpu.dma_semaphore, #tpu.memory_space<semaphore_mem>>, %arg8: memref<!tpu.dma_semaphore, #tpu.memory_space<semaphore_mem>>) attributes {dimension_semantics = [#tpu.dimension_semantics<core_parallel>, #tpu.dimension_semantics<subcore_parallel>], iteration_bounds = array<i64: 2, 16>, scalar_prefetch = 0 : i64, scratch_operands = 4 : i64, tpu.core_type = #tpu.core_type<sc_vector_subcore>, window_params = [{transform_indices = #map}, {transform_indices = #map}, {transform_indices = #map}]} {
    %mul3A = arith.constant 16 : i32
    %mul3A_0 = arith.muli %arg0, %mul3A : i32
    %add3A = arith.addi %mul3A_0, %arg1 : i32
    %mul3A_1 = arith.constant 128 : i32
    %mul3A_2 = arith.muli %add3A, %mul3A_1 : i32
    %jit3A = arith.constant 2048 : i32
    %div3A = arith.divsi %mul3A_2, %jit3A : i32
    %sign3A = arith.constant 0 : i32
    %sign3A_3 = arith.cmpi sgt, %mul3A_2, %sign3A : i32
    %sign3A_4 = arith.extui %sign3A_3 : i1 to i32
    %sign3A_5 = arith.constant 0 : i32
    %sign3A_6 = arith.cmpi slt, %mul3A_2, %sign3A_5 : i32
    %sign3A_7 = arith.extui %sign3A_6 : i1 to i32
    %sign3A_8 = arith.subi %sign3A_4, %sign3A_7 : i32
    %sign3A_9 = arith.constant 0 : i32
    %sign3A_10 = arith.cmpi sgt, %jit3A, %sign3A_9 : i32
    %sign3A_11 = arith.extui %sign3A_10 : i1 to i32
    %sign3A_12 = arith.constant 0 : i32
    %sign3A_13 = arith.cmpi slt, %jit3A, %sign3A_12 : i32
    %sign3A_14 = arith.extui %sign3A_13 : i1 to i32
    %sign3A_15 = arith.subi %sign3A_11, %sign3A_14 : i32
    %ne3A = arith.cmpi ne, %sign3A_8, %sign3A_15 : i32
    %rem3A = arith.remsi %mul3A_2, %jit3A : i32
    %ne3A_16 = arith.constant 0 : i32
    %ne3A_17 = arith.cmpi ne, %rem3A, %ne3A_16 : i32
    %and3A = arith.andi %ne3A, %ne3A_17 : i1
    %sub3A = arith.constant 1 : i32
    %sub3A_18 = arith.subi %div3A, %sub3A : i32
    %select_n3A = arith.select %and3A, %sub3A_18, %div3A : i32
    %jit3A_19 = arith.constant 2048 : i32
    %eq3A = arith.constant 0 : i32
    %eq3A_20 = arith.cmpi eq, %jit3A_19, %eq3A : i32
    %jit3A_21 = arith.constant 1 : i32
    %select_n3A_22 = arith.select %eq3A_20, %jit3A_21, %jit3A_19 : i32
    %rem3A_23 = arith.remsi %mul3A_2, %select_n3A_22 : i32
    %ne3A_24 = arith.constant 0 : i32
    %ne3A_25 = arith.cmpi ne, %rem3A_23, %ne3A_24 : i32
    %lt3A = arith.constant 0 : i32
    %lt3A_26 = arith.cmpi slt, %rem3A_23, %lt3A : i32
    %lt3A_27 = arith.constant 0 : i32
    %lt3A_28 = arith.cmpi slt, %select_n3A_22, %lt3A_27 : i32
    %ne3A_29 = arith.xori %lt3A_26, %lt3A_28 : i1
    %and3A_30 = arith.andi %ne3A_29, %ne3A_25 : i1
    %add3A_31 = arith.addi %rem3A_23, %select_n3A_22 : i32
    %select_n3A_32 = arith.select %and3A_30, %add3A_31, %rem3A_23 : i32
    %add3A_33 = arith.constant 0 : i32
    %add3A_34 = arith.addi %select_n3A_32, %add3A_33 : i32
    %dma_start3A = arith.constant 0 : i32
    %dma_start3A_35 = arith.constant 0 : i32
    %dma_start3A_36 = tpu.memref_slice %arg5[%dma_start3A, %dma_start3A_35] : memref<2x32xi32, #tpu.memory_space<vmem>> -> memref<1x32xi32, #tpu.memory_space<vmem>>
    %dma_start3A_37 = tpu.memref_squeeze %dma_start3A_36 : memref<1x32xi32, #tpu.memory_space<vmem>> -> memref<32xi32, #tpu.memory_space<vmem>>
    %dma_start3A_38 = tpu.memref_slice %arg3[%select_n3A, %add3A_34] : memref<2x2048xi32, #tpu.memory_space<hbm>> -> memref<1x32xi32, #tpu.memory_space<hbm>>
    %dma_start3A_39 = tpu.memref_squeeze %dma_start3A_38 : memref<1x32xi32, #tpu.memory_space<hbm>> -> memref<32xi32, #tpu.memory_space<hbm>>
    %dma_start3A_40 = arith.constant 0 : i32
    %dma_start3A_41 = tpu.memref_slice %arg5[%dma_start3A, %dma_start3A_40] : memref<2x32xi32, #tpu.memory_space<vmem>> -> memref<1x32xi32, #tpu.memory_space<vmem>>
    %dma_start3A_42 = tpu.memref_squeeze %dma_start3A_41 : memref<1x32xi32, #tpu.memory_space<vmem>> -> memref<32xi32, #tpu.memory_space<vmem>>
    %dma_start3A_43 = tpu.memref_slice %arg3[%select_n3A, %add3A_34] : memref<2x2048xi32, #tpu.memory_space<hbm>> -> memref<1x32xi32, #tpu.memory_space<hbm>>
    %dma_start3A_44 = tpu.memref_squeeze %dma_start3A_43 : memref<1x32xi32, #tpu.memory_space<hbm>> -> memref<32xi32, #tpu.memory_space<hbm>>
    tpu.enqueue_dma source(%dma_start3A_44 : memref<32xi32, #tpu.memory_space<hbm>>) target(%dma_start3A_42 : memref<32xi32, #tpu.memory_space<vmem>>) target_semaphore(%arg7 : memref<!tpu.dma_semaphore, #tpu.memory_space<semaphore_mem>>)
    %dma_start3A_45 = arith.constant 0 : i32
    %dma_start3A_46 = arith.constant 0 : i32
    %dma_start3A_47 = arith.constant 0 : i32
    %dma_start3A_48 = tpu.memref_slice %arg6[%dma_start3A_45, %dma_start3A_46, %dma_start3A_47] : memref<2x32x1024xf32, #tpu.memory_space<vmem>> -> memref<1x32x1024xf32, #tpu.memory_space<vmem>>
    %dma_start3A_49 = tpu.memref_squeeze %dma_start3A_48 : memref<1x32x1024xf32, #tpu.memory_space<vmem>> -> memref<32x1024xf32, #tpu.memory_space<vmem>>
    %dma_start3A_50 = arith.constant 0 : i32
    %dma_start3A_51 = tpu.memref_slice %arg2[%add3A_34, %dma_start3A_50] : memref<2048x1024xf32, #tpu.memory_space<hbm>> -> memref<32x1024xf32, #tpu.memory_space<hbm>>
    %dma_start3A_52 = arith.constant 0 : i32
    %dma_start3A_53 = arith.constant 0 : i32
    %dma_start3A_54 = tpu.memref_slice %arg6[%dma_start3A_45, %dma_start3A_52, %dma_start3A_53] : memref<2x32x1024xf32, #tpu.memory_space<vmem>> -> memref<1x32x1024xf32, #tpu.memory_space<vmem>>
    %dma_start3A_55 = tpu.memref_squeeze %dma_start3A_54 : memref<1x32x1024xf32, #tpu.memory_space<vmem>> -> memref<32x1024xf32, #tpu.memory_space<vmem>>
    %dma_start3A_56 = arith.constant 0 : i32
    %dma_start3A_57 = tpu.memref_slice %arg2[%add3A_34, %dma_start3A_56] : memref<2048x1024xf32, #tpu.memory_space<hbm>> -> memref<32x1024xf32, #tpu.memory_space<hbm>>
    tpu.enqueue_dma source(%dma_start3A_57 : memref<32x1024xf32, #tpu.memory_space<hbm>>) target(%dma_start3A_55 : memref<32x1024xf32, #tpu.memory_space<vmem>>) target_semaphore(%arg8 : memref<!tpu.dma_semaphore, #tpu.memory_space<semaphore_mem>>)
    %add3A_58 = arith.constant 32 : i32
    %add3A_59 = arith.addi %select_n3A_32, %add3A_58 : i32
    %dma_start3A_60 = arith.constant 1 : i32
    %dma_start3A_61 = arith.constant 0 : i32
    %dma_start3A_62 = tpu.memref_slice %arg5[%dma_start3A_60, %dma_start3A_61] : memref<2x32xi32, #tpu.memory_space<vmem>> -> memref<1x32xi32, #tpu.memory_space<vmem>>
    %dma_start3A_63 = tpu.memref_squeeze %dma_start3A_62 : memref<1x32xi32, #tpu.memory_space<vmem>> -> memref<32xi32, #tpu.memory_space<vmem>>
    %dma_start3A_64 = tpu.memref_slice %arg3[%select_n3A, %add3A_59] : memref<2x2048xi32, #tpu.memory_space<hbm>> -> memref<1x32xi32, #tpu.memory_space<hbm>>
    %dma_start3A_65 = tpu.memref_squeeze %dma_start3A_64 : memref<1x32xi32, #tpu.memory_space<hbm>> -> memref<32xi32, #tpu.memory_space<hbm>>
    %dma_start3A_66 = arith.constant 0 : i32
    %dma_start3A_67 = tpu.memref_slice %arg5[%dma_start3A_60, %dma_start3A_66] : memref<2x32xi32, #tpu.memory_space<vmem>> -> memref<1x32xi32, #tpu.memory_space<vmem>>
    %dma_start3A_68 = tpu.memref_squeeze %dma_start3A_67 : memref<1x32xi32, #tpu.memory_space<vmem>> -> memref<32xi32, #tpu.memory_space<vmem>>
    %dma_start3A_69 = tpu.memref_slice %arg3[%select_n3A, %add3A_59] : memref<2x2048xi32, #tpu.memory_space<hbm>> -> memref<1x32xi32, #tpu.memory_space<hbm>>
    %dma_start3A_70 = tpu.memref_squeeze %dma_start3A_69 : memref<1x32xi32, #tpu.memory_space<hbm>> -> memref<32xi32, #tpu.memory_space<hbm>>
    tpu.enqueue_dma source(%dma_start3A_70 : memref<32xi32, #tpu.memory_space<hbm>>) target(%dma_start3A_68 : memref<32xi32, #tpu.memory_space<vmem>>) target_semaphore(%arg7 : memref<!tpu.dma_semaphore, #tpu.memory_space<semaphore_mem>>)
    %dma_start3A_71 = arith.constant 1 : i32
    %dma_start3A_72 = arith.constant 0 : i32
    %dma_start3A_73 = arith.constant 0 : i32
    %dma_start3A_74 = tpu.memref_slice %arg6[%dma_start3A_71, %dma_start3A_72, %dma_start3A_73] : memref<2x32x1024xf32, #tpu.memory_space<vmem>> -> memref<1x32x1024xf32, #tpu.memory_space<vmem>>
    %dma_start3A_75 = tpu.memref_squeeze %dma_start3A_74 : memref<1x32x1024xf32, #tpu.memory_space<vmem>> -> memref<32x1024xf32, #tpu.memory_space<vmem>>
    %dma_start3A_76 = arith.constant 0 : i32
    %dma_start3A_77 = tpu.memref_slice %arg2[%add3A_59, %dma_start3A_76] : memref<2048x1024xf32, #tpu.memory_space<hbm>> -> memref<32x1024xf32, #tpu.memory_space<hbm>>
    %dma_start3A_78 = arith.constant 0 : i32
    %dma_start3A_79 = arith.constant 0 : i32
    %dma_start3A_80 = tpu.memref_slice %arg6[%dma_start3A_71, %dma_start3A_78, %dma_start3A_79] : memref<2x32x1024xf32, #tpu.memory_space<vmem>> -> memref<1x32x1024xf32, #tpu.memory_space<vmem>>
    %dma_start3A_81 = tpu.memref_squeeze %dma_start3A_80 : memref<1x32x1024xf32, #tpu.memory_space<vmem>> -> memref<32x1024xf32, #tpu.memory_space<vmem>>
    %dma_start3A_82 = arith.constant 0 : i32
    %dma_start3A_83 = tpu.memref_slice %arg2[%add3A_59, %dma_start3A_82] : memref<2048x1024xf32, #tpu.memory_space<hbm>> -> memref<32x1024xf32, #tpu.memory_space<hbm>>
    tpu.enqueue_dma source(%dma_start3A_83 : memref<32x1024xf32, #tpu.memory_space<hbm>>) target(%dma_start3A_81 : memref<32x1024xf32, #tpu.memory_space<vmem>>) target_semaphore(%arg8 : memref<!tpu.dma_semaphore, #tpu.memory_space<semaphore_mem>>)
    %dma_wait3A = arith.constant 0 : i32
    %dma_wait3A_84 = arith.constant 0 : i32
    %dma_wait3A_85 = tpu.memref_slice %arg5[%dma_wait3A, %dma_wait3A_84] : memref<2x32xi32, #tpu.memory_space<vmem>> -> memref<1x32xi32, #tpu.memory_space<vmem>>
    %dma_wait3A_86 = tpu.memref_squeeze %dma_wait3A_85 : memref<1x32xi32, #tpu.memory_space<vmem>> -> memref<32xi32, #tpu.memory_space<vmem>>
    %dma_wait3A_87 = tpu.memref_slice %arg3[%select_n3A, %add3A_34] : memref<2x2048xi32, #tpu.memory_space<hbm>> -> memref<1x32xi32, #tpu.memory_space<hbm>>
    %dma_wait3A_88 = tpu.memref_squeeze %dma_wait3A_87 : memref<1x32xi32, #tpu.memory_space<hbm>> -> memref<32xi32, #tpu.memory_space<hbm>>
    %dma_wait3A_89 = arith.constant 0 : i32
    %dma_wait3A_90 = tpu.memref_slice %arg5[%dma_wait3A, %dma_wait3A_89] : memref<2x32xi32, #tpu.memory_space<vmem>> -> memref<1x32xi32, #tpu.memory_space<vmem>>
    %dma_wait3A_91 = tpu.memref_squeeze %dma_wait3A_90 : memref<1x32xi32, #tpu.memory_space<vmem>> -> memref<32xi32, #tpu.memory_space<vmem>>
    %dma_wait3A_92 = tpu.memref_slice %arg3[%select_n3A, %add3A_34] : memref<2x2048xi32, #tpu.memory_space<hbm>> -> memref<1x32xi32, #tpu.memory_space<hbm>>
    %dma_wait3A_93 = tpu.memref_squeeze %dma_wait3A_92 : memref<1x32xi32, #tpu.memory_space<hbm>> -> memref<32xi32, #tpu.memory_space<hbm>>
    tpu.wait_dma2 semaphore(%arg7 : memref<!tpu.dma_semaphore, #tpu.memory_space<semaphore_mem>>) src(%dma_wait3A_93 : memref<32xi32, #tpu.memory_space<hbm>>) dst(%dma_wait3A_91 : memref<32xi32, #tpu.memory_space<vmem>>)
    %dma_wait3A_94 = arith.constant 0 : i32
    %dma_wait3A_95 = arith.constant 0 : i32
    %dma_wait3A_96 = arith.constant 0 : i32
    %dma_wait3A_97 = tpu.memref_slice %arg6[%dma_wait3A_94, %dma_wait3A_95, %dma_wait3A_96] : memref<2x32x1024xf32, #tpu.memory_space<vmem>> -> memref<1x32x1024xf32, #tpu.memory_space<vmem>>
    %dma_wait3A_98 = tpu.memref_squeeze %dma_wait3A_97 : memref<1x32x1024xf32, #tpu.memory_space<vmem>> -> memref<32x1024xf32, #tpu.memory_space<vmem>>
    %dma_wait3A_99 = arith.constant 0 : i32
    %dma_wait3A_100 = tpu.memref_slice %arg2[%add3A_34, %dma_wait3A_99] : memref<2048x1024xf32, #tpu.memory_space<hbm>> -> memref<32x1024xf32, #tpu.memory_space<hbm>>
    %dma_wait3A_101 = arith.constant 0 : i32
    %dma_wait3A_102 = arith.constant 0 : i32
    %dma_wait3A_103 = tpu.memref_slice %arg6[%dma_wait3A_94, %dma_wait3A_101, %dma_wait3A_102] : memref<2x32x1024xf32, #tpu.memory_space<vmem>> -> memref<1x32x1024xf32, #tpu.memory_space<vmem>>
    %dma_wait3A_104 = tpu.memref_squeeze %dma_wait3A_103 : memref<1x32x1024xf32, #tpu.memory_space<vmem>> -> memref<32x1024xf32, #tpu.memory_space<vmem>>
    %dma_wait3A_105 = arith.constant 0 : i32
    %dma_wait3A_106 = tpu.memref_slice %arg2[%add3A_34, %dma_wait3A_105] : memref<2048x1024xf32, #tpu.memory_space<hbm>> -> memref<32x1024xf32, #tpu.memory_space<hbm>>
    tpu.wait_dma2 semaphore(%arg8 : memref<!tpu.dma_semaphore, #tpu.memory_space<semaphore_mem>>) src(%dma_wait3A_106 : memref<32x1024xf32, #tpu.memory_space<hbm>>) dst(%dma_wait3A_104 : memref<32x1024xf32, #tpu.memory_space<vmem>>)
    %run_scoped3A = arith.constant 0 : i32
    %run_scoped3A_107 = arith.constant 0 : i32
    "tpu.region"() ({
      %run_scoped3A_238 = tpu.sem_alloc : memref<!tpu.dma_semaphore, #tpu.memory_space<semaphore_mem>>
      %dma_start3A_239 = arith.constant 0 : i32
      %dma_start3A_240 = arith.constant 0 : i32
      %dma_start3A_241 = tpu.memref_slice %arg6[%run_scoped3A, %dma_start3A_239, %dma_start3A_240] : memref<2x32x1024xf32, #tpu.memory_space<vmem>> -> memref<1x32x1024xf32, #tpu.memory_space<vmem>>
      %dma_start3A_242 = tpu.memref_squeeze %dma_start3A_241 : memref<1x32x1024xf32, #tpu.memory_space<vmem>> -> memref<32x1024xf32, #tpu.memory_space<vmem>>
      %dma_start3A_243 = arith.constant 0 : i32
      %dma_start3A_244 = tpu.memref_slice %arg5[%run_scoped3A_107, %dma_start3A_243] : memref<2x32xi32, #tpu.memory_space<vmem>> -> memref<1x32xi32, #tpu.memory_space<vmem>>
      %dma_start3A_245 = tpu.memref_squeeze %dma_start3A_244 : memref<1x32xi32, #tpu.memory_space<vmem>> -> memref<32xi32, #tpu.memory_space<vmem>>
      %dma_start3A_246 = arith.constant 0 : i32
      %dma_start3A_247 = arith.constant 0 : i32
      %dma_start3A_248 = tpu.memref_slice %arg4[%dma_start3A_246, %dma_start3A_247] : memref<8704x1024xf32, #tpu.memory_space<hbm>> -> memref<8704x1024xf32, #tpu.memory_space<hbm>>
      tpu.enqueue_indirect_dma source(%dma_start3A_242 : memref<32x1024xf32, #tpu.memory_space<vmem>>) target(%dma_start3A_248 : memref<8704x1024xf32, #tpu.memory_space<hbm>>) offsets(%dma_start3A_245 : memref<32xi32, #tpu.memory_space<vmem>>) semaphore(%run_scoped3A_238 : memref<!tpu.dma_semaphore, #tpu.memory_space<semaphore_mem>>)
      %dma_wait3A_249 = arith.constant 0 : i32
      %dma_wait3A_250 = arith.constant 0 : i32
      %dma_wait3A_251 = tpu.memref_slice %arg6[%run_scoped3A, %dma_wait3A_249, %dma_wait3A_250] : memref<2x32x1024xf32, #tpu.memory_space<vmem>> -> memref<1x32x1024xf32, #tpu.memory_space<vmem>>
      %dma_wait3A_252 = tpu.memref_squeeze %dma_wait3A_251 : memref<1x32x1024xf32, #tpu.memory_space<vmem>> -> memref<32x1024xf32, #tpu.memory_space<vmem>>
      %dma_wait3A_253 = arith.constant 0 : i32
      %dma_wait3A_254 = tpu.memref_slice %arg5[%run_scoped3A_107, %dma_wait3A_253] : memref<2x32xi32, #tpu.memory_space<vmem>> -> memref<1x32xi32, #tpu.memory_space<vmem>>
      %dma_wait3A_255 = tpu.memref_squeeze %dma_wait3A_254 : memref<1x32xi32, #tpu.memory_space<vmem>> -> memref<32xi32, #tpu.memory_space<vmem>>
      %dma_wait3A_256 = arith.constant 0 : i32
      %dma_wait3A_257 = arith.constant 0 : i32
      %dma_wait3A_258 = tpu.memref_slice %arg4[%dma_wait3A_256, %dma_wait3A_257] : memref<8704x1024xf32, #tpu.memory_space<hbm>> -> memref<8704x1024xf32, #tpu.memory_space<hbm>>
      tpu.wait_indirect_dma semaphore(%run_scoped3A_238 : memref<!tpu.dma_semaphore, #tpu.memory_space<semaphore_mem>>) src(%dma_wait3A_252 : memref<32x1024xf32, #tpu.memory_space<vmem>>) dst(%dma_wait3A_258 : memref<8704x1024xf32, #tpu.memory_space<hbm>>)
      tpu.yield
    }) : () -> ()
    %add3A_108 = arith.constant 64 : i32
    %add3A_109 = arith.addi %select_n3A_32, %add3A_108 : i32
    %dma_start3A_110 = arith.constant 0 : i32
    %dma_start3A_111 = arith.constant 0 : i32
    %dma_start3A_112 = tpu.memref_slice %arg5[%dma_start3A_110, %dma_start3A_111] : memref<2x32xi32, #tpu.memory_space<vmem>> -> memref<1x32xi32, #tpu.memory_space<vmem>>
    %dma_start3A_113 = tpu.memref_squeeze %dma_start3A_112 : memref<1x32xi32, #tpu.memory_space<vmem>> -> memref<32xi32, #tpu.memory_space<vmem>>
    %dma_start3A_114 = tpu.memref_slice %arg3[%select_n3A, %add3A_109] : memref<2x2048xi32, #tpu.memory_space<hbm>> -> memref<1x32xi32, #tpu.memory_space<hbm>>
    %dma_start3A_115 = tpu.memref_squeeze %dma_start3A_114 : memref<1x32xi32, #tpu.memory_space<hbm>> -> memref<32xi32, #tpu.memory_space<hbm>>
    %dma_start3A_116 = arith.constant 0 : i32
    %dma_start3A_117 = tpu.memref_slice %arg5[%dma_start3A_110, %dma_start3A_116] : memref<2x32xi32, #tpu.memory_space<vmem>> -> memref<1x32xi32, #tpu.memory_space<vmem>>
    %dma_start3A_118 = tpu.memref_squeeze %dma_start3A_117 : memref<1x32xi32, #tpu.memory_space<vmem>> -> memref<32xi32, #tpu.memory_space<vmem>>
    %dma_start3A_119 = tpu.memref_slice %arg3[%select_n3A, %add3A_109] : memref<2x2048xi32, #tpu.memory_space<hbm>> -> memref<1x32xi32, #tpu.memory_space<hbm>>
    %dma_start3A_120 = tpu.memref_squeeze %dma_start3A_119 : memref<1x32xi32, #tpu.memory_space<hbm>> -> memref<32xi32, #tpu.memory_space<hbm>>
    tpu.enqueue_dma source(%dma_start3A_120 : memref<32xi32, #tpu.memory_space<hbm>>) target(%dma_start3A_118 : memref<32xi32, #tpu.memory_space<vmem>>) target_semaphore(%arg7 : memref<!tpu.dma_semaphore, #tpu.memory_space<semaphore_mem>>)
    %dma_start3A_121 = arith.constant 0 : i32
    %dma_start3A_122 = arith.constant 0 : i32
    %dma_start3A_123 = arith.constant 0 : i32
    %dma_start3A_124 = tpu.memref_slice %arg6[%dma_start3A_121, %dma_start3A_122, %dma_start3A_123] : memref<2x32x1024xf32, #tpu.memory_space<vmem>> -> memref<1x32x1024xf32, #tpu.memory_space<vmem>>
    %dma_start3A_125 = tpu.memref_squeeze %dma_start3A_124 : memref<1x32x1024xf32, #tpu.memory_space<vmem>> -> memref<32x1024xf32, #tpu.memory_space<vmem>>
    %dma_start3A_126 = arith.constant 0 : i32
    %dma_start3A_127 = tpu.memref_slice %arg2[%add3A_109, %dma_start3A_126] : memref<2048x1024xf32, #tpu.memory_space<hbm>> -> memref<32x1024xf32, #tpu.memory_space<hbm>>
    %dma_start3A_128 = arith.constant 0 : i32
    %dma_start3A_129 = arith.constant 0 : i32
    %dma_start3A_130 = tpu.memref_slice %arg6[%dma_start3A_121, %dma_start3A_128, %dma_start3A_129] : memref<2x32x1024xf32, #tpu.memory_space<vmem>> -> memref<1x32x1024xf32, #tpu.memory_space<vmem>>
    %dma_start3A_131 = tpu.memref_squeeze %dma_start3A_130 : memref<1x32x1024xf32, #tpu.memory_space<vmem>> -> memref<32x1024xf32, #tpu.memory_space<vmem>>
    %dma_start3A_132 = arith.constant 0 : i32
    %dma_start3A_133 = tpu.memref_slice %arg2[%add3A_109, %dma_start3A_132] : memref<2048x1024xf32, #tpu.memory_space<hbm>> -> memref<32x1024xf32, #tpu.memory_space<hbm>>
    tpu.enqueue_dma source(%dma_start3A_133 : memref<32x1024xf32, #tpu.memory_space<hbm>>) target(%dma_start3A_131 : memref<32x1024xf32, #tpu.memory_space<vmem>>) target_semaphore(%arg8 : memref<!tpu.dma_semaphore, #tpu.memory_space<semaphore_mem>>)
    %dma_wait3A_134 = arith.constant 1 : i32
    %dma_wait3A_135 = arith.constant 0 : i32
    %dma_wait3A_136 = tpu.memref_slice %arg5[%dma_wait3A_134, %dma_wait3A_135] : memref<2x32xi32, #tpu.memory_space<vmem>> -> memref<1x32xi32, #tpu.memory_space<vmem>>
    %dma_wait3A_137 = tpu.memref_squeeze %dma_wait3A_136 : memref<1x32xi32, #tpu.memory_space<vmem>> -> memref<32xi32, #tpu.memory_space<vmem>>
    %dma_wait3A_138 = tpu.memref_slice %arg3[%select_n3A, %add3A_59] : memref<2x2048xi32, #tpu.memory_space<hbm>> -> memref<1x32xi32, #tpu.memory_space<hbm>>
    %dma_wait3A_139 = tpu.memref_squeeze %dma_wait3A_138 : memref<1x32xi32, #tpu.memory_space<hbm>> -> memref<32xi32, #tpu.memory_space<hbm>>
    %dma_wait3A_140 = arith.constant 0 : i32
    %dma_wait3A_141 = tpu.memref_slice %arg5[%dma_wait3A_134, %dma_wait3A_140] : memref<2x32xi32, #tpu.memory_space<vmem>> -> memref<1x32xi32, #tpu.memory_space<vmem>>
    %dma_wait3A_142 = tpu.memref_squeeze %dma_wait3A_141 : memref<1x32xi32, #tpu.memory_space<vmem>> -> memref<32xi32, #tpu.memory_space<vmem>>
    %dma_wait3A_143 = tpu.memref_slice %arg3[%select_n3A, %add3A_59] : memref<2x2048xi32, #tpu.memory_space<hbm>> -> memref<1x32xi32, #tpu.memory_space<hbm>>
    %dma_wait3A_144 = tpu.memref_squeeze %dma_wait3A_143 : memref<1x32xi32, #tpu.memory_space<hbm>> -> memref<32xi32, #tpu.memory_space<hbm>>
    tpu.wait_dma2 semaphore(%arg7 : memref<!tpu.dma_semaphore, #tpu.memory_space<semaphore_mem>>) src(%dma_wait3A_144 : memref<32xi32, #tpu.memory_space<hbm>>) dst(%dma_wait3A_142 : memref<32xi32, #tpu.memory_space<vmem>>)
    %dma_wait3A_145 = arith.constant 1 : i32
    %dma_wait3A_146 = arith.constant 0 : i32
    %dma_wait3A_147 = arith.constant 0 : i32
    %dma_wait3A_148 = tpu.memref_slice %arg6[%dma_wait3A_145, %dma_wait3A_146, %dma_wait3A_147] : memref<2x32x1024xf32, #tpu.memory_space<vmem>> -> memref<1x32x1024xf32, #tpu.memory_space<vmem>>
    %dma_wait3A_149 = tpu.memref_squeeze %dma_wait3A_148 : memref<1x32x1024xf32, #tpu.memory_space<vmem>> -> memref<32x1024xf32, #tpu.memory_space<vmem>>
    %dma_wait3A_150 = arith.constant 0 : i32
    %dma_wait3A_151 = tpu.memref_slice %arg2[%add3A_59, %dma_wait3A_150] : memref<2048x1024xf32, #tpu.memory_space<hbm>> -> memref<32x1024xf32, #tpu.memory_space<hbm>>
    %dma_wait3A_152 = arith.constant 0 : i32
    %dma_wait3A_153 = arith.constant 0 : i32
    %dma_wait3A_154 = tpu.memref_slice %arg6[%dma_wait3A_145, %dma_wait3A_152, %dma_wait3A_153] : memref<2x32x1024xf32, #tpu.memory_space<vmem>> -> memref<1x32x1024xf32, #tpu.memory_space<vmem>>
    %dma_wait3A_155 = tpu.memref_squeeze %dma_wait3A_154 : memref<1x32x1024xf32, #tpu.memory_space<vmem>> -> memref<32x1024xf32, #tpu.memory_space<vmem>>
    %dma_wait3A_156 = arith.constant 0 : i32
    %dma_wait3A_157 = tpu.memref_slice %arg2[%add3A_59, %dma_wait3A_156] : memref<2048x1024xf32, #tpu.memory_space<hbm>> -> memref<32x1024xf32, #tpu.memory_space<hbm>>
    tpu.wait_dma2 semaphore(%arg8 : memref<!tpu.dma_semaphore, #tpu.memory_space<semaphore_mem>>) src(%dma_wait3A_157 : memref<32x1024xf32, #tpu.memory_space<hbm>>) dst(%dma_wait3A_155 : memref<32x1024xf32, #tpu.memory_space<vmem>>)
    %run_scoped3A_158 = arith.constant 1 : i32
    %run_scoped3A_159 = arith.constant 1 : i32
    "tpu.region"() ({
      %run_scoped3A_238 = tpu.sem_alloc : memref<!tpu.dma_semaphore, #tpu.memory_space<semaphore_mem>>
      %dma_start3A_239 = arith.constant 0 : i32
      %dma_start3A_240 = arith.constant 0 : i32
      %dma_start3A_241 = tpu.memref_slice %arg6[%run_scoped3A_158, %dma_start3A_239, %dma_start3A_240] : memref<2x32x1024xf32, #tpu.memory_space<vmem>> -> memref<1x32x1024xf32, #tpu.memory_space<vmem>>
      %dma_start3A_242 = tpu.memref_squeeze %dma_start3A_241 : memref<1x32x1024xf32, #tpu.memory_space<vmem>> -> memref<32x1024xf32, #tpu.memory_space<vmem>>
      %dma_start3A_243 = arith.constant 0 : i32
      %dma_start3A_244 = tpu.memref_slice %arg5[%run_scoped3A_159, %dma_start3A_243] : memref<2x32xi32, #tpu.memory_space<vmem>> -> memref<1x32xi32, #tpu.memory_space<vmem>>
      %dma_start3A_245 = tpu.memref_squeeze %dma_start3A_244 : memref<1x32xi32, #tpu.memory_space<vmem>> -> memref<32xi32, #tpu.memory_space<vmem>>
      %dma_start3A_246 = arith.constant 0 : i32
      %dma_start3A_247 = arith.constant 0 : i32
      %dma_start3A_248 = tpu.memref_slice %arg4[%dma_start3A_246, %dma_start3A_247] : memref<8704x1024xf32, #tpu.memory_space<hbm>> -> memref<8704x1024xf32, #tpu.memory_space<hbm>>
      tpu.enqueue_indirect_dma source(%dma_start3A_242 : memref<32x1024xf32, #tpu.memory_space<vmem>>) target(%dma_start3A_248 : memref<8704x1024xf32, #tpu.memory_space<hbm>>) offsets(%dma_start3A_245 : memref<32xi32, #tpu.memory_space<vmem>>) semaphore(%run_scoped3A_238 : memref<!tpu.dma_semaphore, #tpu.memory_space<semaphore_mem>>)
      %dma_wait3A_249 = arith.constant 0 : i32
      %dma_wait3A_250 = arith.constant 0 : i32
      %dma_wait3A_251 = tpu.memref_slice %arg6[%run_scoped3A_158, %dma_wait3A_249, %dma_wait3A_250] : memref<2x32x1024xf32, #tpu.memory_space<vmem>> -> memref<1x32x1024xf32, #tpu.memory_space<vmem>>
      %dma_wait3A_252 = tpu.memref_squeeze %dma_wait3A_251 : memref<1x32x1024xf32, #tpu.memory_space<vmem>> -> memref<32x1024xf32, #tpu.memory_space<vmem>>
      %dma_wait3A_253 = arith.constant 0 : i32
      %dma_wait3A_254 = tpu.memref_slice %arg5[%run_scoped3A_159, %dma_wait3A_253] : memref<2x32xi32, #tpu.memory_space<vmem>> -> memref<1x32xi32, #tpu.memory_space<vmem>>
      %dma_wait3A_255 = tpu.memref_squeeze %dma_wait3A_254 : memref<1x32xi32, #tpu.memory_space<vmem>> -> memref<32xi32, #tpu.memory_space<vmem>>
      %dma_wait3A_256 = arith.constant 0 : i32
      %dma_wait3A_257 = arith.constant 0 : i32
      %dma_wait3A_258 = tpu.memref_slice %arg4[%dma_wait3A_256, %dma_wait3A_257] : memref<8704x1024xf32, #tpu.memory_space<hbm>> -> memref<8704x1024xf32, #tpu.memory_space<hbm>>
      tpu.wait_indirect_dma semaphore(%run_scoped3A_238 : memref<!tpu.dma_semaphore, #tpu.memory_space<semaphore_mem>>) src(%dma_wait3A_252 : memref<32x1024xf32, #tpu.memory_space<vmem>>) dst(%dma_wait3A_258 : memref<8704x1024xf32, #tpu.memory_space<hbm>>)
      tpu.yield
    }) : () -> ()
    %add3A_160 = arith.constant 96 : i32
    %add3A_161 = arith.addi %select_n3A_32, %add3A_160 : i32
    %dma_start3A_162 = arith.constant 1 : i32
    %dma_start3A_163 = arith.constant 0 : i32
    %dma_start3A_164 = tpu.memref_slice %arg5[%dma_start3A_162, %dma_start3A_163] : memref<2x32xi32, #tpu.memory_space<vmem>> -> memref<1x32xi32, #tpu.memory_space<vmem>>
    %dma_start3A_165 = tpu.memref_squeeze %dma_start3A_164 : memref<1x32xi32, #tpu.memory_space<vmem>> -> memref<32xi32, #tpu.memory_space<vmem>>
    %dma_start3A_166 = tpu.memref_slice %arg3[%select_n3A, %add3A_161] : memref<2x2048xi32, #tpu.memory_space<hbm>> -> memref<1x32xi32, #tpu.memory_space<hbm>>
    %dma_start3A_167 = tpu.memref_squeeze %dma_start3A_166 : memref<1x32xi32, #tpu.memory_space<hbm>> -> memref<32xi32, #tpu.memory_space<hbm>>
    %dma_start3A_168 = arith.constant 0 : i32
    %dma_start3A_169 = tpu.memref_slice %arg5[%dma_start3A_162, %dma_start3A_168] : memref<2x32xi32, #tpu.memory_space<vmem>> -> memref<1x32xi32, #tpu.memory_space<vmem>>
    %dma_start3A_170 = tpu.memref_squeeze %dma_start3A_169 : memref<1x32xi32, #tpu.memory_space<vmem>> -> memref<32xi32, #tpu.memory_space<vmem>>
    %dma_start3A_171 = tpu.memref_slice %arg3[%select_n3A, %add3A_161] : memref<2x2048xi32, #tpu.memory_space<hbm>> -> memref<1x32xi32, #tpu.memory_space<hbm>>
    %dma_start3A_172 = tpu.memref_squeeze %dma_start3A_171 : memref<1x32xi32, #tpu.memory_space<hbm>> -> memref<32xi32, #tpu.memory_space<hbm>>
    tpu.enqueue_dma source(%dma_start3A_172 : memref<32xi32, #tpu.memory_space<hbm>>) target(%dma_start3A_170 : memref<32xi32, #tpu.memory_space<vmem>>) target_semaphore(%arg7 : memref<!tpu.dma_semaphore, #tpu.memory_space<semaphore_mem>>)
    %dma_start3A_173 = arith.constant 1 : i32
    %dma_start3A_174 = arith.constant 0 : i32
    %dma_start3A_175 = arith.constant 0 : i32
    %dma_start3A_176 = tpu.memref_slice %arg6[%dma_start3A_173, %dma_start3A_174, %dma_start3A_175] : memref<2x32x1024xf32, #tpu.memory_space<vmem>> -> memref<1x32x1024xf32, #tpu.memory_space<vmem>>
    %dma_start3A_177 = tpu.memref_squeeze %dma_start3A_176 : memref<1x32x1024xf32, #tpu.memory_space<vmem>> -> memref<32x1024xf32, #tpu.memory_space<vmem>>
    %dma_start3A_178 = arith.constant 0 : i32
    %dma_start3A_179 = tpu.memref_slice %arg2[%add3A_161, %dma_start3A_178] : memref<2048x1024xf32, #tpu.memory_space<hbm>> -> memref<32x1024xf32, #tpu.memory_space<hbm>>
    %dma_start3A_180 = arith.constant 0 : i32
    %dma_start3A_181 = arith.constant 0 : i32
    %dma_start3A_182 = tpu.memref_slice %arg6[%dma_start3A_173, %dma_start3A_180, %dma_start3A_181] : memref<2x32x1024xf32, #tpu.memory_space<vmem>> -> memref<1x32x1024xf32, #tpu.memory_space<vmem>>
    %dma_start3A_183 = tpu.memref_squeeze %dma_start3A_182 : memref<1x32x1024xf32, #tpu.memory_space<vmem>> -> memref<32x1024xf32, #tpu.memory_space<vmem>>
    %dma_start3A_184 = arith.constant 0 : i32
    %dma_start3A_185 = tpu.memref_slice %arg2[%add3A_161, %dma_start3A_184] : memref<2048x1024xf32, #tpu.memory_space<hbm>> -> memref<32x1024xf32, #tpu.memory_space<hbm>>
    tpu.enqueue_dma source(%dma_start3A_185 : memref<32x1024xf32, #tpu.memory_space<hbm>>) target(%dma_start3A_183 : memref<32x1024xf32, #tpu.memory_space<vmem>>) target_semaphore(%arg8 : memref<!tpu.dma_semaphore, #tpu.memory_space<semaphore_mem>>)
    %dma_wait3A_186 = arith.constant 0 : i32
    %dma_wait3A_187 = arith.constant 0 : i32
    %dma_wait3A_188 = tpu.memref_slice %arg5[%dma_wait3A_186, %dma_wait3A_187] : memref<2x32xi32, #tpu.memory_space<vmem>> -> memref<1x32xi32, #tpu.memory_space<vmem>>
    %dma_wait3A_189 = tpu.memref_squeeze %dma_wait3A_188 : memref<1x32xi32, #tpu.memory_space<vmem>> -> memref<32xi32, #tpu.memory_space<vmem>>
    %dma_wait3A_190 = tpu.memref_slice %arg3[%select_n3A, %add3A_109] : memref<2x2048xi32, #tpu.memory_space<hbm>> -> memref<1x32xi32, #tpu.memory_space<hbm>>
    %dma_wait3A_191 = tpu.memref_squeeze %dma_wait3A_190 : memref<1x32xi32, #tpu.memory_space<hbm>> -> memref<32xi32, #tpu.memory_space<hbm>>
    %dma_wait3A_192 = arith.constant 0 : i32
    %dma_wait3A_193 = tpu.memref_slice %arg5[%dma_wait3A_186, %dma_wait3A_192] : memref<2x32xi32, #tpu.memory_space<vmem>> -> memref<1x32xi32, #tpu.memory_space<vmem>>
    %dma_wait3A_194 = tpu.memref_squeeze %dma_wait3A_193 : memref<1x32xi32, #tpu.memory_space<vmem>> -> memref<32xi32, #tpu.memory_space<vmem>>
    %dma_wait3A_195 = tpu.memref_slice %arg3[%select_n3A, %add3A_109] : memref<2x2048xi32, #tpu.memory_space<hbm>> -> memref<1x32xi32, #tpu.memory_space<hbm>>
    %dma_wait3A_196 = tpu.memref_squeeze %dma_wait3A_195 : memref<1x32xi32, #tpu.memory_space<hbm>> -> memref<32xi32, #tpu.memory_space<hbm>>
    tpu.wait_dma2 semaphore(%arg7 : memref<!tpu.dma_semaphore, #tpu.memory_space<semaphore_mem>>) src(%dma_wait3A_196 : memref<32xi32, #tpu.memory_space<hbm>>) dst(%dma_wait3A_194 : memref<32xi32, #tpu.memory_space<vmem>>)
    %dma_wait3A_197 = arith.constant 0 : i32
    %dma_wait3A_198 = arith.constant 0 : i32
    %dma_wait3A_199 = arith.constant 0 : i32
    %dma_wait3A_200 = tpu.memref_slice %arg6[%dma_wait3A_197, %dma_wait3A_198, %dma_wait3A_199] : memref<2x32x1024xf32, #tpu.memory_space<vmem>> -> memref<1x32x1024xf32, #tpu.memory_space<vmem>>
    %dma_wait3A_201 = tpu.memref_squeeze %dma_wait3A_200 : memref<1x32x1024xf32, #tpu.memory_space<vmem>> -> memref<32x1024xf32, #tpu.memory_space<vmem>>
    %dma_wait3A_202 = arith.constant 0 : i32
    %dma_wait3A_203 = tpu.memref_slice %arg2[%add3A_109, %dma_wait3A_202] : memref<2048x1024xf32, #tpu.memory_space<hbm>> -> memref<32x1024xf32, #tpu.memory_space<hbm>>
    %dma_wait3A_204 = arith.constant 0 : i32
    %dma_wait3A_205 = arith.constant 0 : i32
    %dma_wait3A_206 = tpu.memref_slice %arg6[%dma_wait3A_197, %dma_wait3A_204, %dma_wait3A_205] : memref<2x32x1024xf32, #tpu.memory_space<vmem>> -> memref<1x32x1024xf32, #tpu.memory_space<vmem>>
    %dma_wait3A_207 = tpu.memref_squeeze %dma_wait3A_206 : memref<1x32x1024xf32, #tpu.memory_space<vmem>> -> memref<32x1024xf32, #tpu.memory_space<vmem>>
    %dma_wait3A_208 = arith.constant 0 : i32
    %dma_wait3A_209 = tpu.memref_slice %arg2[%add3A_109, %dma_wait3A_208] : memref<2048x1024xf32, #tpu.memory_space<hbm>> -> memref<32x1024xf32, #tpu.memory_space<hbm>>
    tpu.wait_dma2 semaphore(%arg8 : memref<!tpu.dma_semaphore, #tpu.memory_space<semaphore_mem>>) src(%dma_wait3A_209 : memref<32x1024xf32, #tpu.memory_space<hbm>>) dst(%dma_wait3A_207 : memref<32x1024xf32, #tpu.memory_space<vmem>>)
    %run_scoped3A_210 = arith.constant 0 : i32
    %run_scoped3A_211 = arith.constant 0 : i32
    "tpu.region"() ({
      %run_scoped3A_238 = tpu.sem_alloc : memref<!tpu.dma_semaphore, #tpu.memory_space<semaphore_mem>>
      %dma_start3A_239 = arith.constant 0 : i32
      %dma_start3A_240 = arith.constant 0 : i32
      %dma_start3A_241 = tpu.memref_slice %arg6[%run_scoped3A_210, %dma_start3A_239, %dma_start3A_240] : memref<2x32x1024xf32, #tpu.memory_space<vmem>> -> memref<1x32x1024xf32, #tpu.memory_space<vmem>>
      %dma_start3A_242 = tpu.memref_squeeze %dma_start3A_241 : memref<1x32x1024xf32, #tpu.memory_space<vmem>> -> memref<32x1024xf32, #tpu.memory_space<vmem>>
      %dma_start3A_243 = arith.constant 0 : i32
      %dma_start3A_244 = tpu.memref_slice %arg5[%run_scoped3A_211, %dma_start3A_243] : memref<2x32xi32, #tpu.memory_space<vmem>> -> memref<1x32xi32, #tpu.memory_space<vmem>>
      %dma_start3A_245 = tpu.memref_squeeze %dma_start3A_244 : memref<1x32xi32, #tpu.memory_space<vmem>> -> memref<32xi32, #tpu.memory_space<vmem>>
      %dma_start3A_246 = arith.constant 0 : i32
      %dma_start3A_247 = arith.constant 0 : i32
      %dma_start3A_248 = tpu.memref_slice %arg4[%dma_start3A_246, %dma_start3A_247] : memref<8704x1024xf32, #tpu.memory_space<hbm>> -> memref<8704x1024xf32, #tpu.memory_space<hbm>>
      tpu.enqueue_indirect_dma source(%dma_start3A_242 : memref<32x1024xf32, #tpu.memory_space<vmem>>) target(%dma_start3A_248 : memref<8704x1024xf32, #tpu.memory_space<hbm>>) offsets(%dma_start3A_245 : memref<32xi32, #tpu.memory_space<vmem>>) semaphore(%run_scoped3A_238 : memref<!tpu.dma_semaphore, #tpu.memory_space<semaphore_mem>>)
      %dma_wait3A_249 = arith.constant 0 : i32
      %dma_wait3A_250 = arith.constant 0 : i32
      %dma_wait3A_251 = tpu.memref_slice %arg6[%run_scoped3A_210, %dma_wait3A_249, %dma_wait3A_250] : memref<2x32x1024xf32, #tpu.memory_space<vmem>> -> memref<1x32x1024xf32, #tpu.memory_space<vmem>>
      %dma_wait3A_252 = tpu.memref_squeeze %dma_wait3A_251 : memref<1x32x1024xf32, #tpu.memory_space<vmem>> -> memref<32x1024xf32, #tpu.memory_space<vmem>>
      %dma_wait3A_253 = arith.constant 0 : i32
      %dma_wait3A_254 = tpu.memref_slice %arg5[%run_scoped3A_211, %dma_wait3A_253] : memref<2x32xi32, #tpu.memory_space<vmem>> -> memref<1x32xi32, #tpu.memory_space<vmem>>
      %dma_wait3A_255 = tpu.memref_squeeze %dma_wait3A_254 : memref<1x32xi32, #tpu.memory_space<vmem>> -> memref<32xi32, #tpu.memory_space<vmem>>
      %dma_wait3A_256 = arith.constant 0 : i32
      %dma_wait3A_257 = arith.constant 0 : i32
      %dma_wait3A_258 = tpu.memref_slice %arg4[%dma_wait3A_256, %dma_wait3A_257] : memref<8704x1024xf32, #tpu.memory_space<hbm>> -> memref<8704x1024xf32, #tpu.memory_space<hbm>>
      tpu.wait_indirect_dma semaphore(%run_scoped3A_238 : memref<!tpu.dma_semaphore, #tpu.memory_space<semaphore_mem>>) src(%dma_wait3A_252 : memref<32x1024xf32, #tpu.memory_space<vmem>>) dst(%dma_wait3A_258 : memref<8704x1024xf32, #tpu.memory_space<hbm>>)
      tpu.yield
    }) : () -> ()
    %dma_wait3A_212 = arith.constant 1 : i32
    %dma_wait3A_213 = arith.constant 0 : i32
    %dma_wait3A_214 = tpu.memref_slice %arg5[%dma_wait3A_212, %dma_wait3A_213] : memref<2x32xi32, #tpu.memory_space<vmem>> -> memref<1x32xi32, #tpu.memory_space<vmem>>
    %dma_wait3A_215 = tpu.memref_squeeze %dma_wait3A_214 : memref<1x32xi32, #tpu.memory_space<vmem>> -> memref<32xi32, #tpu.memory_space<vmem>>
    %dma_wait3A_216 = tpu.memref_slice %arg3[%select_n3A, %add3A_161] : memref<2x2048xi32, #tpu.memory_space<hbm>> -> memref<1x32xi32, #tpu.memory_space<hbm>>
    %dma_wait3A_217 = tpu.memref_squeeze %dma_wait3A_216 : memref<1x32xi32, #tpu.memory_space<hbm>> -> memref<32xi32, #tpu.memory_space<hbm>>
    %dma_wait3A_218 = arith.constant 0 : i32
    %dma_wait3A_219 = tpu.memref_slice %arg5[%dma_wait3A_212, %dma_wait3A_218] : memref<2x32xi32, #tpu.memory_space<vmem>> -> memref<1x32xi32, #tpu.memory_space<vmem>>
    %dma_wait3A_220 = tpu.memref_squeeze %dma_wait3A_219 : memref<1x32xi32, #tpu.memory_space<vmem>> -> memref<32xi32, #tpu.memory_space<vmem>>
    %dma_wait3A_221 = tpu.memref_slice %arg3[%select_n3A, %add3A_161] : memref<2x2048xi32, #tpu.memory_space<hbm>> -> memref<1x32xi32, #tpu.memory_space<hbm>>
    %dma_wait3A_222 = tpu.memref_squeeze %dma_wait3A_221 : memref<1x32xi32, #tpu.memory_space<hbm>> -> memref<32xi32, #tpu.memory_space<hbm>>
    tpu.wait_dma2 semaphore(%arg7 : memref<!tpu.dma_semaphore, #tpu.memory_space<semaphore_mem>>) src(%dma_wait3A_222 : memref<32xi32, #tpu.memory_space<hbm>>) dst(%dma_wait3A_220 : memref<32xi32, #tpu.memory_space<vmem>>)
    %dma_wait3A_223 = arith.constant 1 : i32
    %dma_wait3A_224 = arith.constant 0 : i32
    %dma_wait3A_225 = arith.constant 0 : i32
    %dma_wait3A_226 = tpu.memref_slice %arg6[%dma_wait3A_223, %dma_wait3A_224, %dma_wait3A_225] : memref<2x32x1024xf32, #tpu.memory_space<vmem>> -> memref<1x32x1024xf32, #tpu.memory_space<vmem>>
    %dma_wait3A_227 = tpu.memref_squeeze %dma_wait3A_226 : memref<1x32x1024xf32, #tpu.memory_space<vmem>> -> memref<32x1024xf32, #tpu.memory_space<vmem>>
    %dma_wait3A_228 = arith.constant 0 : i32
    %dma_wait3A_229 = tpu.memref_slice %arg2[%add3A_161, %dma_wait3A_228] : memref<2048x1024xf32, #tpu.memory_space<hbm>> -> memref<32x1024xf32, #tpu.memory_space<hbm>>
    %dma_wait3A_230 = arith.constant 0 : i32
    %dma_wait3A_231 = arith.constant 0 : i32
    %dma_wait3A_232 = tpu.memref_slice %arg6[%dma_wait3A_223, %dma_wait3A_230, %dma_wait3A_231] : memref<2x32x1024xf32, #tpu.memory_space<vmem>> -> memref<1x32x1024xf32, #tpu.memory_space<vmem>>
    %dma_wait3A_233 = tpu.memref_squeeze %dma_wait3A_232 : memref<1x32x1024xf32, #tpu.memory_space<vmem>> -> memref<32x1024xf32, #tpu.memory_space<vmem>>
    %dma_wait3A_234 = arith.constant 0 : i32
    %dma_wait3A_235 = tpu.memref_slice %arg2[%add3A_161, %dma_wait3A_234] : memref<2048x1024xf32, #tpu.memory_space<hbm>> -> memref<32x1024xf32, #tpu.memory_space<hbm>>
    tpu.wait_dma2 semaphore(%arg8 : memref<!tpu.dma_semaphore, #tpu.memory_space<semaphore_mem>>) src(%dma_wait3A_235 : memref<32x1024xf32, #tpu.memory_space<hbm>>) dst(%dma_wait3A_233 : memref<32x1024xf32, #tpu.memory_space<vmem>>)
    %run_scoped3A_236 = arith.constant 1 : i32
    %run_scoped3A_237 = arith.constant 1 : i32
    "tpu.region"() ({
      %run_scoped3A_238 = tpu.sem_alloc : memref<!tpu.dma_semaphore, #tpu.memory_space<semaphore_mem>>
      %dma_start3A_239 = arith.constant 0 : i32
      %dma_start3A_240 = arith.constant 0 : i32
      %dma_start3A_241 = tpu.memref_slice %arg6[%run_scoped3A_236, %dma_start3A_239, %dma_start3A_240] : memref<2x32x1024xf32, #tpu.memory_space<vmem>> -> memref<1x32x1024xf32, #tpu.memory_space<vmem>>
      %dma_start3A_242 = tpu.memref_squeeze %dma_start3A_241 : memref<1x32x1024xf32, #tpu.memory_space<vmem>> -> memref<32x1024xf32, #tpu.memory_space<vmem>>
      %dma_start3A_243 = arith.constant 0 : i32
      %dma_start3A_244 = tpu.memref_slice %arg5[%run_scoped3A_237, %dma_start3A_243] : memref<2x32xi32, #tpu.memory_space<vmem>> -> memref<1x32xi32, #tpu.memory_space<vmem>>
      %dma_start3A_245 = tpu.memref_squeeze %dma_start3A_244 : memref<1x32xi32, #tpu.memory_space<vmem>> -> memref<32xi32, #tpu.memory_space<vmem>>
      %dma_start3A_246 = arith.constant 0 : i32
      %dma_start3A_247 = arith.constant 0 : i32
      %dma_start3A_248 = tpu.memref_slice %arg4[%dma_start3A_246, %dma_start3A_247] : memref<8704x1024xf32, #tpu.memory_space<hbm>> -> memref<8704x1024xf32, #tpu.memory_space<hbm>>
      tpu.enqueue_indirect_dma source(%dma_start3A_242 : memref<32x1024xf32, #tpu.memory_space<vmem>>) target(%dma_start3A_248 : memref<8704x1024xf32, #tpu.memory_space<hbm>>) offsets(%dma_start3A_245 : memref<32xi32, #tpu.memory_space<vmem>>) semaphore(%run_scoped3A_238 : memref<!tpu.dma_semaphore, #tpu.memory_space<semaphore_mem>>)
      %dma_wait3A_249 = arith.constant 0 : i32
      %dma_wait3A_250 = arith.constant 0 : i32
      %dma_wait3A_251 = tpu.memref_slice %arg6[%run_scoped3A_236, %dma_wait3A_249, %dma_wait3A_250] : memref<2x32x1024xf32, #tpu.memory_space<vmem>> -> memref<1x32x1024xf32, #tpu.memory_space<vmem>>
      %dma_wait3A_252 = tpu.memref_squeeze %dma_wait3A_251 : memref<1x32x1024xf32, #tpu.memory_space<vmem>> -> memref<32x1024xf32, #tpu.memory_space<vmem>>
      %dma_wait3A_253 = arith.constant 0 : i32
      %dma_wait3A_254 = tpu.memref_slice %arg5[%run_scoped3A_237, %dma_wait3A_253] : memref<2x32xi32, #tpu.memory_space<vmem>> -> memref<1x32xi32, #tpu.memory_space<vmem>>
      %dma_wait3A_255 = tpu.memref_squeeze %dma_wait3A_254 : memref<1x32xi32, #tpu.memory_space<vmem>> -> memref<32xi32, #tpu.memory_space<vmem>>
      %dma_wait3A_256 = arith.constant 0 : i32
      %dma_wait3A_257 = arith.constant 0 : i32
      %dma_wait3A_258 = tpu.memref_slice %arg4[%dma_wait3A_256, %dma_wait3A_257] : memref<8704x1024xf32, #tpu.memory_space<hbm>> -> memref<8704x1024xf32, #tpu.memory_space<hbm>>
      tpu.wait_indirect_dma semaphore(%run_scoped3A_238 : memref<!tpu.dma_semaphore, #tpu.memory_space<semaphore_mem>>) src(%dma_wait3A_252 : memref<32x1024xf32, #tpu.memory_space<vmem>>) dst(%dma_wait3A_258 : memref<8704x1024xf32, #tpu.memory_space<hbm>>)
      tpu.yield
    }) : () -> ()
    return
  }
}

module attributes {stable_mosaic.version = 14 : i64} {
  func.func @_router_body(%arg0: memref<2048x1024xf32, #tpu.memory_space<vmem>>, %arg1: memref<16x1024xf32, #tpu.memory_space<vmem>>, %arg2: memref<1x16xf32, #tpu.memory_space<vmem>>, %arg3: memref<512x1024xf32, #tpu.memory_space<vmem>>, %arg4: memref<512x1024xf32, #tpu.memory_space<vmem>>, %arg5: memref<1024x512xf32, #tpu.memory_space<vmem>>, %arg6: memref<2048x128xf32, #tpu.memory_space<vmem>>, %arg7: memref<1x16xf32, #tpu.memory_space<vmem>>, %arg8: memref<2048x1024xf32, #tpu.memory_space<vmem>>) attributes {dimension_semantics = [], scalar_prefetch = 0 : i64, scratch_operands = 0 : i64, tpu.core_type = #tpu.core_type<tc>} {
    %get3A = arith.constant 0 : index
    %get3A_0 = arith.constant 0 : index
    %get3A_1 = vector.load %arg0[%get3A, %get3A_0] : memref<2048x1024xf32, #tpu.memory_space<vmem>>, vector<2048x1024xf32>
    %convert_element_type3A = arith.truncf %get3A_1 : vector<2048x1024xf32> to vector<2048x1024xbf16>
    %get3A_2 = arith.constant 0 : index
    %get3A_3 = arith.constant 0 : index
    %get3A_4 = vector.load %arg3[%get3A_2, %get3A_3] : memref<512x1024xf32, #tpu.memory_space<vmem>>, vector<512x1024xf32>
    %convert_element_type3A_5 = arith.truncf %get3A_4 : vector<512x1024xf32> to vector<512x1024xbf16>
    %dot_general3A = arith.constant dense<0.000000e+00> : vector<2048x512xf32>
    %dot_general3A_6 = tpu.matmul %convert_element_type3A, %convert_element_type3A_5, %dot_general3A {dimension_numbers = #tpu.dot_dimension_numbers<[1], [1], [0], [0], [0, 0, 1, 0], [], []>, transpose_lhs_hint = false} : vector<2048x1024xbf16>, vector<512x1024xbf16>, vector<2048x512xf32> -> vector<2048x512xf32>
    %get3A_7 = arith.constant 0 : index
    %get3A_8 = arith.constant 0 : index
    %get3A_9 = vector.load %arg4[%get3A_7, %get3A_8] : memref<512x1024xf32, #tpu.memory_space<vmem>>, vector<512x1024xf32>
    %convert_element_type3A_10 = arith.truncf %get3A_9 : vector<512x1024xf32> to vector<512x1024xbf16>
    %dot_general3A_11 = arith.constant dense<0.000000e+00> : vector<2048x512xf32>
    %dot_general3A_12 = tpu.matmul %convert_element_type3A, %convert_element_type3A_10, %dot_general3A_11 {dimension_numbers = #tpu.dot_dimension_numbers<[1], [1], [0], [0], [0, 0, 1, 0], [], []>, transpose_lhs_hint = false} : vector<2048x1024xbf16>, vector<512x1024xbf16>, vector<2048x512xf32> -> vector<2048x512xf32>
    %logistic3A = arith.negf %dot_general3A_6 : vector<2048x512xf32>
    %logistic3A_13 = math.exp %logistic3A : vector<2048x512xf32>
    %logistic3A_14 = arith.constant 1.000000e+00 : f32
    %logistic3A_15 = vector.broadcast %logistic3A_14 : f32 to vector<2048x512xf32>
    %logistic3A_16 = arith.addf %logistic3A_15, %logistic3A_13 : vector<2048x512xf32>
    %logistic3A_17 = arith.divf %logistic3A_15, %logistic3A_16 : vector<2048x512xf32>
    %mul3A = arith.mulf %dot_general3A_6, %logistic3A_17 : vector<2048x512xf32>
    %mul3A_18 = arith.mulf %mul3A, %dot_general3A_12 : vector<2048x512xf32>
    %convert_element_type3A_19 = arith.truncf %mul3A_18 : vector<2048x512xf32> to vector<2048x512xbf16>
    %get3A_20 = arith.constant 0 : index
    %get3A_21 = arith.constant 0 : index
    %get3A_22 = vector.load %arg5[%get3A_20, %get3A_21] : memref<1024x512xf32, #tpu.memory_space<vmem>>, vector<1024x512xf32>
    %convert_element_type3A_23 = arith.truncf %get3A_22 : vector<1024x512xf32> to vector<1024x512xbf16>
    %dot_general3A_24 = arith.constant dense<0.000000e+00> : vector<2048x1024xf32>
    %dot_general3A_25 = tpu.matmul %convert_element_type3A_19, %convert_element_type3A_23, %dot_general3A_24 {dimension_numbers = #tpu.dot_dimension_numbers<[1], [1], [0], [0], [0, 0, 1, 0], [], []>, transpose_lhs_hint = false} : vector<2048x512xbf16>, vector<1024x512xbf16>, vector<2048x1024xf32> -> vector<2048x1024xf32>
    %swap3A = arith.constant 0 : index
    %swap3A_26 = arith.constant 0 : index
    %swap3A_27 = vector.load %arg8[%swap3A, %swap3A_26] : memref<2048x1024xf32, #tpu.memory_space<vmem>>, vector<2048x1024xf32>
    tpu.vector_store %arg8[%swap3A, %swap3A_26], %dot_general3A_25 {strides = array<i32>} : memref<2048x1024xf32, #tpu.memory_space<vmem>>, vector<2048x1024xf32>,
    %get3A_28 = arith.constant 0 : index
    %get3A_29 = arith.constant 0 : index
    %get3A_30 = vector.load %arg1[%get3A_28, %get3A_29] : memref<16x1024xf32, #tpu.memory_space<vmem>>, vector<16x1024xf32>
    %dot_general3A_31 = arith.constant dense<0.000000e+00> : vector<2048x16xf32>
    %dot_general3A_32 = tpu.matmul %get3A_1, %get3A_30, %dot_general3A_31 {dimension_numbers = #tpu.dot_dimension_numbers<[1], [1], [0], [0], [0, 0, 1, 0], [], []>, transpose_lhs_hint = false} : vector<2048x1024xf32>, vector<16x1024xf32>, vector<2048x16xf32> -> vector<2048x16xf32>
    %logistic3A_33 = arith.negf %dot_general3A_32 : vector<2048x16xf32>
    %logistic3A_34 = math.exp %logistic3A_33 : vector<2048x16xf32>
    %logistic3A_35 = arith.constant 1.000000e+00 : f32
    %logistic3A_36 = vector.broadcast %logistic3A_35 : f32 to vector<2048x16xf32>
    %logistic3A_37 = arith.addf %logistic3A_36, %logistic3A_34 : vector<2048x16xf32>
    %logistic3A_38 = arith.divf %logistic3A_36, %logistic3A_37 : vector<2048x16xf32>
    %get3A_39 = arith.constant 0 : index
    %get3A_40 = arith.constant 0 : index
    %get3A_41 = vector.load %arg2[%get3A_39, %get3A_40] : memref<1x16xf32, #tpu.memory_space<vmem>>, vector<1x16xf32>
    %add3A = vector.broadcast %get3A_41 : vector<1x16xf32> to vector<2048x16xf32>
    %add3A_42 = arith.addf %logistic3A_38, %add3A : vector<2048x16xf32>
    %slice3A = vector.extract_strided_slice %add3A_42 {offsets = [0, 0], sizes = [2048, 1], strides = [1, 1]} : vector<2048x16xf32> to vector<2048x1xf32>
    %slice3A_43 = vector.extract_strided_slice %add3A_42 {offsets = [0, 1], sizes = [2048, 1], strides = [1, 1]} : vector<2048x16xf32> to vector<2048x1xf32>
    %slice3A_44 = vector.extract_strided_slice %add3A_42 {offsets = [0, 2], sizes = [2048, 1], strides = [1, 1]} : vector<2048x16xf32> to vector<2048x1xf32>
    %slice3A_45 = vector.extract_strided_slice %add3A_42 {offsets = [0, 3], sizes = [2048, 1], strides = [1, 1]} : vector<2048x16xf32> to vector<2048x1xf32>
    %add3A_46 = arith.addf %slice3A, %slice3A_43 : vector<2048x1xf32>
    %add3A_47 = arith.addf %slice3A, %slice3A_44 : vector<2048x1xf32>
    %max3A = arith.maximumf %add3A_46, %add3A_47 : vector<2048x1xf32>
    %add3A_48 = arith.addf %slice3A, %slice3A_45 : vector<2048x1xf32>
    %max3A_49 = arith.maximumf %max3A, %add3A_48 : vector<2048x1xf32>
    %add3A_50 = arith.addf %slice3A_43, %slice3A_44 : vector<2048x1xf32>
    %max3A_51 = arith.maximumf %max3A_49, %add3A_50 : vector<2048x1xf32>
    %add3A_52 = arith.addf %slice3A_43, %slice3A_45 : vector<2048x1xf32>
    %max3A_53 = arith.maximumf %max3A_51, %add3A_52 : vector<2048x1xf32>
    %add3A_54 = arith.addf %slice3A_44, %slice3A_45 : vector<2048x1xf32>
    %max3A_55 = arith.maximumf %max3A_53, %add3A_54 : vector<2048x1xf32>
    %slice3A_56 = vector.extract_strided_slice %add3A_42 {offsets = [0, 4], sizes = [2048, 1], strides = [1, 1]} : vector<2048x16xf32> to vector<2048x1xf32>
    %slice3A_57 = vector.extract_strided_slice %add3A_42 {offsets = [0, 5], sizes = [2048, 1], strides = [1, 1]} : vector<2048x16xf32> to vector<2048x1xf32>
    %slice3A_58 = vector.extract_strided_slice %add3A_42 {offsets = [0, 6], sizes = [2048, 1], strides = [1, 1]} : vector<2048x16xf32> to vector<2048x1xf32>
    %slice3A_59 = vector.extract_strided_slice %add3A_42 {offsets = [0, 7], sizes = [2048, 1], strides = [1, 1]} : vector<2048x16xf32> to vector<2048x1xf32>
    %add3A_60 = arith.addf %slice3A_56, %slice3A_57 : vector<2048x1xf32>
    %add3A_61 = arith.addf %slice3A_56, %slice3A_58 : vector<2048x1xf32>
    %max3A_62 = arith.maximumf %add3A_60, %add3A_61 : vector<2048x1xf32>
    %add3A_63 = arith.addf %slice3A_56, %slice3A_59 : vector<2048x1xf32>
    %max3A_64 = arith.maximumf %max3A_62, %add3A_63 : vector<2048x1xf32>
    %add3A_65 = arith.addf %slice3A_57, %slice3A_58 : vector<2048x1xf32>
    %max3A_66 = arith.maximumf %max3A_64, %add3A_65 : vector<2048x1xf32>
    %add3A_67 = arith.addf %slice3A_57, %slice3A_59 : vector<2048x1xf32>
    %max3A_68 = arith.maximumf %max3A_66, %add3A_67 : vector<2048x1xf32>
    %add3A_69 = arith.addf %slice3A_58, %slice3A_59 : vector<2048x1xf32>
    %max3A_70 = arith.maximumf %max3A_68, %add3A_69 : vector<2048x1xf32>
    %slice3A_71 = vector.extract_strided_slice %add3A_42 {offsets = [0, 8], sizes = [2048, 1], strides = [1, 1]} : vector<2048x16xf32> to vector<2048x1xf32>
    %slice3A_72 = vector.extract_strided_slice %add3A_42 {offsets = [0, 9], sizes = [2048, 1], strides = [1, 1]} : vector<2048x16xf32> to vector<2048x1xf32>
    %slice3A_73 = vector.extract_strided_slice %add3A_42 {offsets = [0, 10], sizes = [2048, 1], strides = [1, 1]} : vector<2048x16xf32> to vector<2048x1xf32>
    %slice3A_74 = vector.extract_strided_slice %add3A_42 {offsets = [0, 11], sizes = [2048, 1], strides = [1, 1]} : vector<2048x16xf32> to vector<2048x1xf32>
    %add3A_75 = arith.addf %slice3A_71, %slice3A_72 : vector<2048x1xf32>
    %add3A_76 = arith.addf %slice3A_71, %slice3A_73 : vector<2048x1xf32>
    %max3A_77 = arith.maximumf %add3A_75, %add3A_76 : vector<2048x1xf32>
    %add3A_78 = arith.addf %slice3A_71, %slice3A_74 : vector<2048x1xf32>
    %max3A_79 = arith.maximumf %max3A_77, %add3A_78 : vector<2048x1xf32>
    %add3A_80 = arith.addf %slice3A_72, %slice3A_73 : vector<2048x1xf32>
    %max3A_81 = arith.maximumf %max3A_79, %add3A_80 : vector<2048x1xf32>
    %add3A_82 = arith.addf %slice3A_72, %slice3A_74 : vector<2048x1xf32>
    %max3A_83 = arith.maximumf %max3A_81, %add3A_82 : vector<2048x1xf32>
    %add3A_84 = arith.addf %slice3A_73, %slice3A_74 : vector<2048x1xf32>
    %max3A_85 = arith.maximumf %max3A_83, %add3A_84 : vector<2048x1xf32>
    %slice3A_86 = vector.extract_strided_slice %add3A_42 {offsets = [0, 12], sizes = [2048, 1], strides = [1, 1]} : vector<2048x16xf32> to vector<2048x1xf32>
    %slice3A_87 = vector.extract_strided_slice %add3A_42 {offsets = [0, 13], sizes = [2048, 1], strides = [1, 1]} : vector<2048x16xf32> to vector<2048x1xf32>
    %slice3A_88 = vector.extract_strided_slice %add3A_42 {offsets = [0, 14], sizes = [2048, 1], strides = [1, 1]} : vector<2048x16xf32> to vector<2048x1xf32>
    %slice3A_89 = vector.extract_strided_slice %add3A_42 {offsets = [0, 15], sizes = [2048, 1], strides = [1, 1]} : vector<2048x16xf32> to vector<2048x1xf32>
    %add3A_90 = arith.addf %slice3A_86, %slice3A_87 : vector<2048x1xf32>
    %add3A_91 = arith.addf %slice3A_86, %slice3A_88 : vector<2048x1xf32>
    %max3A_92 = arith.maximumf %add3A_90, %add3A_91 : vector<2048x1xf32>
    %add3A_93 = arith.addf %slice3A_86, %slice3A_89 : vector<2048x1xf32>
    %max3A_94 = arith.maximumf %max3A_92, %add3A_93 : vector<2048x1xf32>
    %add3A_95 = arith.addf %slice3A_87, %slice3A_88 : vector<2048x1xf32>
    %max3A_96 = arith.maximumf %max3A_94, %add3A_95 : vector<2048x1xf32>
    %add3A_97 = arith.addf %slice3A_87, %slice3A_89 : vector<2048x1xf32>
    %max3A_98 = arith.maximumf %max3A_96, %add3A_97 : vector<2048x1xf32>
    %add3A_99 = arith.addf %slice3A_88, %slice3A_89 : vector<2048x1xf32>
    %max3A_100 = arith.maximumf %max3A_98, %add3A_99 : vector<2048x1xf32>
    %concatenate3A = tpu.concatenate %max3A_55, %max3A_70, %max3A_85, %max3A_100 in 1 : vector<2048x1xf32>, vector<2048x1xf32>, vector<2048x1xf32>, vector<2048x1xf32> -> vector<2048x4xf32>
    %iota3A = tpu.iota {dimensions = array<i32: 1>} : vector<2048x4xi32>
    %broadcast_in_dim3A = arith.constant 0.000000e+00 : f32
    %broadcast_in_dim3A_101 = vector.broadcast %broadcast_in_dim3A : f32 to vector<2048x4xf32>
    %slice3A_102 = vector.extract_strided_slice %concatenate3A {offsets = [0, 0], sizes = [2048, 1], strides = [1, 1]} : vector<2048x4xf32> to vector<2048x1xf32>
    %gt3A = vector.broadcast %slice3A_102 : vector<2048x1xf32> to vector<2048x4xf32>
    %gt3A_103 = arith.cmpf ogt, %gt3A, %concatenate3A : vector<2048x4xf32>
    %eq3A = vector.broadcast %slice3A_102 : vector<2048x1xf32> to vector<2048x4xf32>
    %eq3A_104 = arith.cmpf oeq, %eq3A, %concatenate3A : vector<2048x4xf32>
    %gt3A_105 = arith.constant 0 : i32
    %gt3A_106 = vector.broadcast %gt3A_105 : i32 to vector<2048x4xi32>
    %gt3A_107 = arith.cmpi sgt, %iota3A, %gt3A_106 : vector<2048x4xi32>
    %and3A = arith.andi %eq3A_104, %gt3A_107 : vector<2048x4xi1>
    %or3A = arith.ori %gt3A_103, %and3A : vector<2048x4xi1>
    %jit3A = arith.constant 1.000000e+00 : f32
    %jit3A_108 = arith.constant 0.000000e+00 : f32
    %broadcast_in_dim3A_109 = vector.broadcast %jit3A : f32 to vector<2048x4xf32>
    %broadcast_in_dim3A_110 = vector.broadcast %jit3A_108 : f32 to vector<2048x4xf32>
    %select_n3A = arith.select %or3A, %broadcast_in_dim3A_109, %broadcast_in_dim3A_110 : vector<2048x4xi1>, vector<2048x4xf32>
    %add3A_111 = arith.addf %broadcast_in_dim3A_101, %select_n3A : vector<2048x4xf32>
    %slice3A_112 = vector.extract_strided_slice %concatenate3A {offsets = [0, 1], sizes = [2048, 1], strides = [1, 1]} : vector<2048x4xf32> to vector<2048x1xf32>
    %gt3A_113 = vector.broadcast %slice3A_112 : vector<2048x1xf32> to vector<2048x4xf32>
    %gt3A_114 = arith.cmpf ogt, %gt3A_113, %concatenate3A : vector<2048x4xf32>
    %eq3A_115 = vector.broadcast %slice3A_112 : vector<2048x1xf32> to vector<2048x4xf32>
    %eq3A_116 = arith.cmpf oeq, %eq3A_115, %concatenate3A : vector<2048x4xf32>
    %gt3A_117 = arith.constant 1 : i32
    %gt3A_118 = vector.broadcast %gt3A_117 : i32 to vector<2048x4xi32>
    %gt3A_119 = arith.cmpi sgt, %iota3A, %gt3A_118 : vector<2048x4xi32>
    %and3A_120 = arith.andi %eq3A_116, %gt3A_119 : vector<2048x4xi1>
    %or3A_121 = arith.ori %gt3A_114, %and3A_120 : vector<2048x4xi1>
    %jit3A_122 = arith.constant 1.000000e+00 : f32
    %jit3A_123 = arith.constant 0.000000e+00 : f32
    %broadcast_in_dim3A_124 = vector.broadcast %jit3A_122 : f32 to vector<2048x4xf32>
    %broadcast_in_dim3A_125 = vector.broadcast %jit3A_123 : f32 to vector<2048x4xf32>
    %select_n3A_126 = arith.select %or3A_121, %broadcast_in_dim3A_124, %broadcast_in_dim3A_125 : vector<2048x4xi1>, vector<2048x4xf32>
    %add3A_127 = arith.addf %add3A_111, %select_n3A_126 : vector<2048x4xf32>
    %slice3A_128 = vector.extract_strided_slice %concatenate3A {offsets = [0, 2], sizes = [2048, 1], strides = [1, 1]} : vector<2048x4xf32> to vector<2048x1xf32>
    %gt3A_129 = vector.broadcast %slice3A_128 : vector<2048x1xf32> to vector<2048x4xf32>
    %gt3A_130 = arith.cmpf ogt, %gt3A_129, %concatenate3A : vector<2048x4xf32>
    %eq3A_131 = vector.broadcast %slice3A_128 : vector<2048x1xf32> to vector<2048x4xf32>
    %eq3A_132 = arith.cmpf oeq, %eq3A_131, %concatenate3A : vector<2048x4xf32>
    %gt3A_133 = arith.constant 2 : i32
    %gt3A_134 = vector.broadcast %gt3A_133 : i32 to vector<2048x4xi32>
    %gt3A_135 = arith.cmpi sgt, %iota3A, %gt3A_134 : vector<2048x4xi32>
    %and3A_136 = arith.andi %eq3A_132, %gt3A_135 : vector<2048x4xi1>
    %or3A_137 = arith.ori %gt3A_130, %and3A_136 : vector<2048x4xi1>
    %jit3A_138 = arith.constant 1.000000e+00 : f32
    %jit3A_139 = arith.constant 0.000000e+00 : f32
    %broadcast_in_dim3A_140 = vector.broadcast %jit3A_138 : f32 to vector<2048x4xf32>
    %broadcast_in_dim3A_141 = vector.broadcast %jit3A_139 : f32 to vector<2048x4xf32>
    %select_n3A_142 = arith.select %or3A_137, %broadcast_in_dim3A_140, %broadcast_in_dim3A_141 : vector<2048x4xi1>, vector<2048x4xf32>
    %add3A_143 = arith.addf %add3A_127, %select_n3A_142 : vector<2048x4xf32>
    %slice3A_144 = vector.extract_strided_slice %concatenate3A {offsets = [0, 3], sizes = [2048, 1], strides = [1, 1]} : vector<2048x4xf32> to vector<2048x1xf32>
    %gt3A_145 = vector.broadcast %slice3A_144 : vector<2048x1xf32> to vector<2048x4xf32>
    %gt3A_146 = arith.cmpf ogt, %gt3A_145, %concatenate3A : vector<2048x4xf32>
    %eq3A_147 = vector.broadcast %slice3A_144 : vector<2048x1xf32> to vector<2048x4xf32>
    %eq3A_148 = arith.cmpf oeq, %eq3A_147, %concatenate3A : vector<2048x4xf32>
    %gt3A_149 = arith.constant 3 : i32
    %gt3A_150 = vector.broadcast %gt3A_149 : i32 to vector<2048x4xi32>
    %gt3A_151 = arith.cmpi sgt, %iota3A, %gt3A_150 : vector<2048x4xi32>
    %and3A_152 = arith.andi %eq3A_148, %gt3A_151 : vector<2048x4xi1>
    %or3A_153 = arith.ori %gt3A_146, %and3A_152 : vector<2048x4xi1>
    %jit3A_154 = arith.constant 1.000000e+00 : f32
    %jit3A_155 = arith.constant 0.000000e+00 : f32
    %broadcast_in_dim3A_156 = vector.broadcast %jit3A_154 : f32 to vector<2048x4xf32>
    %broadcast_in_dim3A_157 = vector.broadcast %jit3A_155 : f32 to vector<2048x4xf32>
    %select_n3A_158 = arith.select %or3A_153, %broadcast_in_dim3A_156, %broadcast_in_dim3A_157 : vector<2048x4xi1>, vector<2048x4xf32>
    %add3A_159 = arith.addf %add3A_143, %select_n3A_158 : vector<2048x4xf32>
    %lt3A = arith.constant 2.000000e+00 : f32
    %lt3A_160 = vector.broadcast %lt3A : f32 to vector<2048x4xf32>
    %lt3A_161 = arith.cmpf olt, %add3A_159, %lt3A_160 : vector<2048x4xf32>
    %convert_element_type3A_162 = arith.extui %lt3A_161 : vector<2048x4xi1> to vector<2048x4xi32>
    %convert_element_type3A_163 = arith.sitofp %convert_element_type3A_162 : vector<2048x4xi32> to vector<2048x4xf32>
    %slice3A_164 = vector.extract_strided_slice %convert_element_type3A_163 {offsets = [0, 0], sizes = [2048, 1], strides = [1, 1]} : vector<2048x4xf32> to vector<2048x1xf32>
    %slice3A_165 = vector.extract_strided_slice %convert_element_type3A_163 {offsets = [0, 0], sizes = [2048, 1], strides = [1, 1]} : vector<2048x4xf32> to vector<2048x1xf32>
    %slice3A_166 = vector.extract_strided_slice %convert_element_type3A_163 {offsets = [0, 0], sizes = [2048, 1], strides = [1, 1]} : vector<2048x4xf32> to vector<2048x1xf32>
    %slice3A_167 = vector.extract_strided_slice %convert_element_type3A_163 {offsets = [0, 0], sizes = [2048, 1], strides = [1, 1]} : vector<2048x4xf32> to vector<2048x1xf32>
    %slice3A_168 = vector.extract_strided_slice %convert_element_type3A_163 {offsets = [0, 1], sizes = [2048, 1], strides = [1, 1]} : vector<2048x4xf32> to vector<2048x1xf32>
    %slice3A_169 = vector.extract_strided_slice %convert_element_type3A_163 {offsets = [0, 1], sizes = [2048, 1], strides = [1, 1]} : vector<2048x4xf32> to vector<2048x1xf32>
    %slice3A_170 = vector.extract_strided_slice %convert_element_type3A_163 {offsets = [0, 1], sizes = [2048, 1], strides = [1, 1]} : vector<2048x4xf32> to vector<2048x1xf32>
    %slice3A_171 = vector.extract_strided_slice %convert_element_type3A_163 {offsets = [0, 1], sizes = [2048, 1], strides = [1, 1]} : vector<2048x4xf32> to vector<2048x1xf32>
    %slice3A_172 = vector.extract_strided_slice %convert_element_type3A_163 {offsets = [0, 2], sizes = [2048, 1], strides = [1, 1]} : vector<2048x4xf32> to vector<2048x1xf32>
    %slice3A_173 = vector.extract_strided_slice %convert_element_type3A_163 {offsets = [0, 2], sizes = [2048, 1], strides = [1, 1]} : vector<2048x4xf32> to vector<2048x1xf32>
    %slice3A_174 = vector.extract_strided_slice %convert_element_type3A_163 {offsets = [0, 2], sizes = [2048, 1], strides = [1, 1]} : vector<2048x4xf32> to vector<2048x1xf32>
    %slice3A_175 = vector.extract_strided_slice %convert_element_type3A_163 {offsets = [0, 2], sizes = [2048, 1], strides = [1, 1]} : vector<2048x4xf32> to vector<2048x1xf32>
    %slice3A_176 = vector.extract_strided_slice %convert_element_type3A_163 {offsets = [0, 3], sizes = [2048, 1], strides = [1, 1]} : vector<2048x4xf32> to vector<2048x1xf32>
    %slice3A_177 = vector.extract_strided_slice %convert_element_type3A_163 {offsets = [0, 3], sizes = [2048, 1], strides = [1, 1]} : vector<2048x4xf32> to vector<2048x1xf32>
    %slice3A_178 = vector.extract_strided_slice %convert_element_type3A_163 {offsets = [0, 3], sizes = [2048, 1], strides = [1, 1]} : vector<2048x4xf32> to vector<2048x1xf32>
    %slice3A_179 = vector.extract_strided_slice %convert_element_type3A_163 {offsets = [0, 3], sizes = [2048, 1], strides = [1, 1]} : vector<2048x4xf32> to vector<2048x1xf32>
    %concatenate3A_180 = tpu.concatenate %slice3A_164, %slice3A_165, %slice3A_166, %slice3A_167, %slice3A_168, %slice3A_169, %slice3A_170, %slice3A_171, %slice3A_172, %slice3A_173, %slice3A_174, %slice3A_175, %slice3A_176, %slice3A_177, %slice3A_178, %slice3A_179 in 1 : vector<2048x1xf32>, vector<2048x1xf32>, vector<2048x1xf32>, vector<2048x1xf32>, vector<2048x1xf32>, vector<2048x1xf32>, vector<2048x1xf32>, vector<2048x1xf32>, vector<2048x1xf32>, vector<2048x1xf32>, vector<2048x1xf32>, vector<2048x1xf32>, vector<2048x1xf32>, vector<2048x1xf32>, vector<2048x1xf32>, vector<2048x1xf32> -> vector<2048x16xf32>
    %mul3A_181 = arith.mulf %add3A_42, %concatenate3A_180 : vector<2048x16xf32>
    %iota3A_182 = tpu.iota {dimensions = array<i32: 1>} : vector<2048x16xi32>
    %broadcast_in_dim3A_183 = arith.constant 0.000000e+00 : f32
    %broadcast_in_dim3A_184 = vector.broadcast %broadcast_in_dim3A_183 : f32 to vector<2048x16xf32>
    %slice3A_185 = vector.extract_strided_slice %mul3A_181 {offsets = [0, 0], sizes = [2048, 1], strides = [1, 1]} : vector<2048x16xf32> to vector<2048x1xf32>
    %gt3A_186 = vector.broadcast %slice3A_185 : vector<2048x1xf32> to vector<2048x16xf32>
    %gt3A_187 = arith.cmpf ogt, %gt3A_186, %mul3A_181 : vector<2048x16xf32>
    %eq3A_188 = vector.broadcast %slice3A_185 : vector<2048x1xf32> to vector<2048x16xf32>
    %eq3A_189 = arith.cmpf oeq, %eq3A_188, %mul3A_181 : vector<2048x16xf32>
    %gt3A_190 = arith.constant 0 : i32
    %gt3A_191 = vector.broadcast %gt3A_190 : i32 to vector<2048x16xi32>
    %gt3A_192 = arith.cmpi sgt, %iota3A_182, %gt3A_191 : vector<2048x16xi32>
    %and3A_193 = arith.andi %eq3A_189, %gt3A_192 : vector<2048x16xi1>
    %or3A_194 = arith.ori %gt3A_187, %and3A_193 : vector<2048x16xi1>
    %jit3A_195 = arith.constant 1.000000e+00 : f32
    %jit3A_196 = arith.constant 0.000000e+00 : f32
    %broadcast_in_dim3A_197 = vector.broadcast %jit3A_195 : f32 to vector<2048x16xf32>
    %broadcast_in_dim3A_198 = vector.broadcast %jit3A_196 : f32 to vector<2048x16xf32>
    %select_n3A_199 = arith.select %or3A_194, %broadcast_in_dim3A_197, %broadcast_in_dim3A_198 : vector<2048x16xi1>, vector<2048x16xf32>
    %add3A_200 = arith.addf %broadcast_in_dim3A_184, %select_n3A_199 : vector<2048x16xf32>
    %slice3A_201 = vector.extract_strided_slice %mul3A_181 {offsets = [0, 1], sizes = [2048, 1], strides = [1, 1]} : vector<2048x16xf32> to vector<2048x1xf32>
    %gt3A_202 = vector.broadcast %slice3A_201 : vector<2048x1xf32> to vector<2048x16xf32>
    %gt3A_203 = arith.cmpf ogt, %gt3A_202, %mul3A_181 : vector<2048x16xf32>
    %eq3A_204 = vector.broadcast %slice3A_201 : vector<2048x1xf32> to vector<2048x16xf32>
    %eq3A_205 = arith.cmpf oeq, %eq3A_204, %mul3A_181 : vector<2048x16xf32>
    %gt3A_206 = arith.constant 1 : i32
    %gt3A_207 = vector.broadcast %gt3A_206 : i32 to vector<2048x16xi32>
    %gt3A_208 = arith.cmpi sgt, %iota3A_182, %gt3A_207 : vector<2048x16xi32>
    %and3A_209 = arith.andi %eq3A_205, %gt3A_208 : vector<2048x16xi1>
    %or3A_210 = arith.ori %gt3A_203, %and3A_209 : vector<2048x16xi1>
    %jit3A_211 = arith.constant 1.000000e+00 : f32
    %jit3A_212 = arith.constant 0.000000e+00 : f32
    %broadcast_in_dim3A_213 = vector.broadcast %jit3A_211 : f32 to vector<2048x16xf32>
    %broadcast_in_dim3A_214 = vector.broadcast %jit3A_212 : f32 to vector<2048x16xf32>
    %select_n3A_215 = arith.select %or3A_210, %broadcast_in_dim3A_213, %broadcast_in_dim3A_214 : vector<2048x16xi1>, vector<2048x16xf32>
    %add3A_216 = arith.addf %add3A_200, %select_n3A_215 : vector<2048x16xf32>
    %slice3A_217 = vector.extract_strided_slice %mul3A_181 {offsets = [0, 2], sizes = [2048, 1], strides = [1, 1]} : vector<2048x16xf32> to vector<2048x1xf32>
    %gt3A_218 = vector.broadcast %slice3A_217 : vector<2048x1xf32> to vector<2048x16xf32>
    %gt3A_219 = arith.cmpf ogt, %gt3A_218, %mul3A_181 : vector<2048x16xf32>
    %eq3A_220 = vector.broadcast %slice3A_217 : vector<2048x1xf32> to vector<2048x16xf32>
    %eq3A_221 = arith.cmpf oeq, %eq3A_220, %mul3A_181 : vector<2048x16xf32>
    %gt3A_222 = arith.constant 2 : i32
    %gt3A_223 = vector.broadcast %gt3A_222 : i32 to vector<2048x16xi32>
    %gt3A_224 = arith.cmpi sgt, %iota3A_182, %gt3A_223 : vector<2048x16xi32>
    %and3A_225 = arith.andi %eq3A_221, %gt3A_224 : vector<2048x16xi1>
    %or3A_226 = arith.ori %gt3A_219, %and3A_225 : vector<2048x16xi1>
    %jit3A_227 = arith.constant 1.000000e+00 : f32
    %jit3A_228 = arith.constant 0.000000e+00 : f32
    %broadcast_in_dim3A_229 = vector.broadcast %jit3A_227 : f32 to vector<2048x16xf32>
    %broadcast_in_dim3A_230 = vector.broadcast %jit3A_228 : f32 to vector<2048x16xf32>
    %select_n3A_231 = arith.select %or3A_226, %broadcast_in_dim3A_229, %broadcast_in_dim3A_230 : vector<2048x16xi1>, vector<2048x16xf32>
    %add3A_232 = arith.addf %add3A_216, %select_n3A_231 : vector<2048x16xf32>
    %slice3A_233 = vector.extract_strided_slice %mul3A_181 {offsets = [0, 3], sizes = [2048, 1], strides = [1, 1]} : vector<2048x16xf32> to vector<2048x1xf32>
    %gt3A_234 = vector.broadcast %slice3A_233 : vector<2048x1xf32> to vector<2048x16xf32>
    %gt3A_235 = arith.cmpf ogt, %gt3A_234, %mul3A_181 : vector<2048x16xf32>
    %eq3A_236 = vector.broadcast %slice3A_233 : vector<2048x1xf32> to vector<2048x16xf32>
    %eq3A_237 = arith.cmpf oeq, %eq3A_236, %mul3A_181 : vector<2048x16xf32>
    %gt3A_238 = arith.constant 3 : i32
    %gt3A_239 = vector.broadcast %gt3A_238 : i32 to vector<2048x16xi32>
    %gt3A_240 = arith.cmpi sgt, %iota3A_182, %gt3A_239 : vector<2048x16xi32>
    %and3A_241 = arith.andi %eq3A_237, %gt3A_240 : vector<2048x16xi1>
    %or3A_242 = arith.ori %gt3A_235, %and3A_241 : vector<2048x16xi1>
    %jit3A_243 = arith.constant 1.000000e+00 : f32
    %jit3A_244 = arith.constant 0.000000e+00 : f32
    %broadcast_in_dim3A_245 = vector.broadcast %jit3A_243 : f32 to vector<2048x16xf32>
    %broadcast_in_dim3A_246 = vector.broadcast %jit3A_244 : f32 to vector<2048x16xf32>
    %select_n3A_247 = arith.select %or3A_242, %broadcast_in_dim3A_245, %broadcast_in_dim3A_246 : vector<2048x16xi1>, vector<2048x16xf32>
    %add3A_248 = arith.addf %add3A_232, %select_n3A_247 : vector<2048x16xf32>
    %slice3A_249 = vector.extract_strided_slice %mul3A_181 {offsets = [0, 4], sizes = [2048, 1], strides = [1, 1]} : vector<2048x16xf32> to vector<2048x1xf32>
    %gt3A_250 = vector.broadcast %slice3A_249 : vector<2048x1xf32> to vector<2048x16xf32>
    %gt3A_251 = arith.cmpf ogt, %gt3A_250, %mul3A_181 : vector<2048x16xf32>
    %eq3A_252 = vector.broadcast %slice3A_249 : vector<2048x1xf32> to vector<2048x16xf32>
    %eq3A_253 = arith.cmpf oeq, %eq3A_252, %mul3A_181 : vector<2048x16xf32>
    %gt3A_254 = arith.constant 4 : i32
    %gt3A_255 = vector.broadcast %gt3A_254 : i32 to vector<2048x16xi32>
    %gt3A_256 = arith.cmpi sgt, %iota3A_182, %gt3A_255 : vector<2048x16xi32>
    %and3A_257 = arith.andi %eq3A_253, %gt3A_256 : vector<2048x16xi1>
    %or3A_258 = arith.ori %gt3A_251, %and3A_257 : vector<2048x16xi1>
    %jit3A_259 = arith.constant 1.000000e+00 : f32
    %jit3A_260 = arith.constant 0.000000e+00 : f32
    %broadcast_in_dim3A_261 = vector.broadcast %jit3A_259 : f32 to vector<2048x16xf32>
    %broadcast_in_dim3A_262 = vector.broadcast %jit3A_260 : f32 to vector<2048x16xf32>
    %select_n3A_263 = arith.select %or3A_258, %broadcast_in_dim3A_261, %broadcast_in_dim3A_262 : vector<2048x16xi1>, vector<2048x16xf32>
    %add3A_264 = arith.addf %add3A_248, %select_n3A_263 : vector<2048x16xf32>
    %slice3A_265 = vector.extract_strided_slice %mul3A_181 {offsets = [0, 5], sizes = [2048, 1], strides = [1, 1]} : vector<2048x16xf32> to vector<2048x1xf32>
    %gt3A_266 = vector.broadcast %slice3A_265 : vector<2048x1xf32> to vector<2048x16xf32>
    %gt3A_267 = arith.cmpf ogt, %gt3A_266, %mul3A_181 : vector<2048x16xf32>
    %eq3A_268 = vector.broadcast %slice3A_265 : vector<2048x1xf32> to vector<2048x16xf32>
    %eq3A_269 = arith.cmpf oeq, %eq3A_268, %mul3A_181 : vector<2048x16xf32>
    %gt3A_270 = arith.constant 5 : i32
    %gt3A_271 = vector.broadcast %gt3A_270 : i32 to vector<2048x16xi32>
    %gt3A_272 = arith.cmpi sgt, %iota3A_182, %gt3A_271 : vector<2048x16xi32>
    %and3A_273 = arith.andi %eq3A_269, %gt3A_272 : vector<2048x16xi1>
    %or3A_274 = arith.ori %gt3A_267, %and3A_273 : vector<2048x16xi1>
    %jit3A_275 = arith.constant 1.000000e+00 : f32
    %jit3A_276 = arith.constant 0.000000e+00 : f32
    %broadcast_in_dim3A_277 = vector.broadcast %jit3A_275 : f32 to vector<2048x16xf32>
    %broadcast_in_dim3A_278 = vector.broadcast %jit3A_276 : f32 to vector<2048x16xf32>
    %select_n3A_279 = arith.select %or3A_274, %broadcast_in_dim3A_277, %broadcast_in_dim3A_278 : vector<2048x16xi1>, vector<2048x16xf32>
    %add3A_280 = arith.addf %add3A_264, %select_n3A_279 : vector<2048x16xf32>
    %slice3A_281 = vector.extract_strided_slice %mul3A_181 {offsets = [0, 6], sizes = [2048, 1], strides = [1, 1]} : vector<2048x16xf32> to vector<2048x1xf32>
    %gt3A_282 = vector.broadcast %slice3A_281 : vector<2048x1xf32> to vector<2048x16xf32>
    %gt3A_283 = arith.cmpf ogt, %gt3A_282, %mul3A_181 : vector<2048x16xf32>
    %eq3A_284 = vector.broadcast %slice3A_281 : vector<2048x1xf32> to vector<2048x16xf32>
    %eq3A_285 = arith.cmpf oeq, %eq3A_284, %mul3A_181 : vector<2048x16xf32>
    %gt3A_286 = arith.constant 6 : i32
    %gt3A_287 = vector.broadcast %gt3A_286 : i32 to vector<2048x16xi32>
    %gt3A_288 = arith.cmpi sgt, %iota3A_182, %gt3A_287 : vector<2048x16xi32>
    %and3A_289 = arith.andi %eq3A_285, %gt3A_288 : vector<2048x16xi1>
    %or3A_290 = arith.ori %gt3A_283, %and3A_289 : vector<2048x16xi1>
    %jit3A_291 = arith.constant 1.000000e+00 : f32
    %jit3A_292 = arith.constant 0.000000e+00 : f32
    %broadcast_in_dim3A_293 = vector.broadcast %jit3A_291 : f32 to vector<2048x16xf32>
    %broadcast_in_dim3A_294 = vector.broadcast %jit3A_292 : f32 to vector<2048x16xf32>
    %select_n3A_295 = arith.select %or3A_290, %broadcast_in_dim3A_293, %broadcast_in_dim3A_294 : vector<2048x16xi1>, vector<2048x16xf32>
    %add3A_296 = arith.addf %add3A_280, %select_n3A_295 : vector<2048x16xf32>
    %slice3A_297 = vector.extract_strided_slice %mul3A_181 {offsets = [0, 7], sizes = [2048, 1], strides = [1, 1]} : vector<2048x16xf32> to vector<2048x1xf32>
    %gt3A_298 = vector.broadcast %slice3A_297 : vector<2048x1xf32> to vector<2048x16xf32>
    %gt3A_299 = arith.cmpf ogt, %gt3A_298, %mul3A_181 : vector<2048x16xf32>
    %eq3A_300 = vector.broadcast %slice3A_297 : vector<2048x1xf32> to vector<2048x16xf32>
    %eq3A_301 = arith.cmpf oeq, %eq3A_300, %mul3A_181 : vector<2048x16xf32>
    %gt3A_302 = arith.constant 7 : i32
    %gt3A_303 = vector.broadcast %gt3A_302 : i32 to vector<2048x16xi32>
    %gt3A_304 = arith.cmpi sgt, %iota3A_182, %gt3A_303 : vector<2048x16xi32>
    %and3A_305 = arith.andi %eq3A_301, %gt3A_304 : vector<2048x16xi1>
    %or3A_306 = arith.ori %gt3A_299, %and3A_305 : vector<2048x16xi1>
    %jit3A_307 = arith.constant 1.000000e+00 : f32
    %jit3A_308 = arith.constant 0.000000e+00 : f32
    %broadcast_in_dim3A_309 = vector.broadcast %jit3A_307 : f32 to vector<2048x16xf32>
    %broadcast_in_dim3A_310 = vector.broadcast %jit3A_308 : f32 to vector<2048x16xf32>
    %select_n3A_311 = arith.select %or3A_306, %broadcast_in_dim3A_309, %broadcast_in_dim3A_310 : vector<2048x16xi1>, vector<2048x16xf32>
    %add3A_312 = arith.addf %add3A_296, %select_n3A_311 : vector<2048x16xf32>
    %slice3A_313 = vector.extract_strided_slice %mul3A_181 {offsets = [0, 8], sizes = [2048, 1], strides = [1, 1]} : vector<2048x16xf32> to vector<2048x1xf32>
    %gt3A_314 = vector.broadcast %slice3A_313 : vector<2048x1xf32> to vector<2048x16xf32>
    %gt3A_315 = arith.cmpf ogt, %gt3A_314, %mul3A_181 : vector<2048x16xf32>
    %eq3A_316 = vector.broadcast %slice3A_313 : vector<2048x1xf32> to vector<2048x16xf32>
    %eq3A_317 = arith.cmpf oeq, %eq3A_316, %mul3A_181 : vector<2048x16xf32>
    %gt3A_318 = arith.constant 8 : i32
    %gt3A_319 = vector.broadcast %gt3A_318 : i32 to vector<2048x16xi32>
    %gt3A_320 = arith.cmpi sgt, %iota3A_182, %gt3A_319 : vector<2048x16xi32>
    %and3A_321 = arith.andi %eq3A_317, %gt3A_320 : vector<2048x16xi1>
    %or3A_322 = arith.ori %gt3A_315, %and3A_321 : vector<2048x16xi1>
    %jit3A_323 = arith.constant 1.000000e+00 : f32
    %jit3A_324 = arith.constant 0.000000e+00 : f32
    %broadcast_in_dim3A_325 = vector.broadcast %jit3A_323 : f32 to vector<2048x16xf32>
    %broadcast_in_dim3A_326 = vector.broadcast %jit3A_324 : f32 to vector<2048x16xf32>
    %select_n3A_327 = arith.select %or3A_322, %broadcast_in_dim3A_325, %broadcast_in_dim3A_326 : vector<2048x16xi1>, vector<2048x16xf32>
    %add3A_328 = arith.addf %add3A_312, %select_n3A_327 : vector<2048x16xf32>
    %slice3A_329 = vector.extract_strided_slice %mul3A_181 {offsets = [0, 9], sizes = [2048, 1], strides = [1, 1]} : vector<2048x16xf32> to vector<2048x1xf32>
    %gt3A_330 = vector.broadcast %slice3A_329 : vector<2048x1xf32> to vector<2048x16xf32>
    %gt3A_331 = arith.cmpf ogt, %gt3A_330, %mul3A_181 : vector<2048x16xf32>
    %eq3A_332 = vector.broadcast %slice3A_329 : vector<2048x1xf32> to vector<2048x16xf32>
    %eq3A_333 = arith.cmpf oeq, %eq3A_332, %mul3A_181 : vector<2048x16xf32>
    %gt3A_334 = arith.constant 9 : i32
    %gt3A_335 = vector.broadcast %gt3A_334 : i32 to vector<2048x16xi32>
    %gt3A_336 = arith.cmpi sgt, %iota3A_182, %gt3A_335 : vector<2048x16xi32>
    %and3A_337 = arith.andi %eq3A_333, %gt3A_336 : vector<2048x16xi1>
    %or3A_338 = arith.ori %gt3A_331, %and3A_337 : vector<2048x16xi1>
    %jit3A_339 = arith.constant 1.000000e+00 : f32
    %jit3A_340 = arith.constant 0.000000e+00 : f32
    %broadcast_in_dim3A_341 = vector.broadcast %jit3A_339 : f32 to vector<2048x16xf32>
    %broadcast_in_dim3A_342 = vector.broadcast %jit3A_340 : f32 to vector<2048x16xf32>
    %select_n3A_343 = arith.select %or3A_338, %broadcast_in_dim3A_341, %broadcast_in_dim3A_342 : vector<2048x16xi1>, vector<2048x16xf32>
    %add3A_344 = arith.addf %add3A_328, %select_n3A_343 : vector<2048x16xf32>
    %slice3A_345 = vector.extract_strided_slice %mul3A_181 {offsets = [0, 10], sizes = [2048, 1], strides = [1, 1]} : vector<2048x16xf32> to vector<2048x1xf32>
    %gt3A_346 = vector.broadcast %slice3A_345 : vector<2048x1xf32> to vector<2048x16xf32>
    %gt3A_347 = arith.cmpf ogt, %gt3A_346, %mul3A_181 : vector<2048x16xf32>
    %eq3A_348 = vector.broadcast %slice3A_345 : vector<2048x1xf32> to vector<2048x16xf32>
    %eq3A_349 = arith.cmpf oeq, %eq3A_348, %mul3A_181 : vector<2048x16xf32>
    %gt3A_350 = arith.constant 10 : i32
    %gt3A_351 = vector.broadcast %gt3A_350 : i32 to vector<2048x16xi32>
    %gt3A_352 = arith.cmpi sgt, %iota3A_182, %gt3A_351 : vector<2048x16xi32>
    %and3A_353 = arith.andi %eq3A_349, %gt3A_352 : vector<2048x16xi1>
    %or3A_354 = arith.ori %gt3A_347, %and3A_353 : vector<2048x16xi1>
    %jit3A_355 = arith.constant 1.000000e+00 : f32
    %jit3A_356 = arith.constant 0.000000e+00 : f32
    %broadcast_in_dim3A_357 = vector.broadcast %jit3A_355 : f32 to vector<2048x16xf32>
    %broadcast_in_dim3A_358 = vector.broadcast %jit3A_356 : f32 to vector<2048x16xf32>
    %select_n3A_359 = arith.select %or3A_354, %broadcast_in_dim3A_357, %broadcast_in_dim3A_358 : vector<2048x16xi1>, vector<2048x16xf32>
    %add3A_360 = arith.addf %add3A_344, %select_n3A_359 : vector<2048x16xf32>
    %slice3A_361 = vector.extract_strided_slice %mul3A_181 {offsets = [0, 11], sizes = [2048, 1], strides = [1, 1]} : vector<2048x16xf32> to vector<2048x1xf32>
    %gt3A_362 = vector.broadcast %slice3A_361 : vector<2048x1xf32> to vector<2048x16xf32>
    %gt3A_363 = arith.cmpf ogt, %gt3A_362, %mul3A_181 : vector<2048x16xf32>
    %eq3A_364 = vector.broadcast %slice3A_361 : vector<2048x1xf32> to vector<2048x16xf32>
    %eq3A_365 = arith.cmpf oeq, %eq3A_364, %mul3A_181 : vector<2048x16xf32>
    %gt3A_366 = arith.constant 11 : i32
    %gt3A_367 = vector.broadcast %gt3A_366 : i32 to vector<2048x16xi32>
    %gt3A_368 = arith.cmpi sgt, %iota3A_182, %gt3A_367 : vector<2048x16xi32>
    %and3A_369 = arith.andi %eq3A_365, %gt3A_368 : vector<2048x16xi1>
    %or3A_370 = arith.ori %gt3A_363, %and3A_369 : vector<2048x16xi1>
    %jit3A_371 = arith.constant 1.000000e+00 : f32
    %jit3A_372 = arith.constant 0.000000e+00 : f32
    %broadcast_in_dim3A_373 = vector.broadcast %jit3A_371 : f32 to vector<2048x16xf32>
    %broadcast_in_dim3A_374 = vector.broadcast %jit3A_372 : f32 to vector<2048x16xf32>
    %select_n3A_375 = arith.select %or3A_370, %broadcast_in_dim3A_373, %broadcast_in_dim3A_374 : vector<2048x16xi1>, vector<2048x16xf32>
    %add3A_376 = arith.addf %add3A_360, %select_n3A_375 : vector<2048x16xf32>
    %slice3A_377 = vector.extract_strided_slice %mul3A_181 {offsets = [0, 12], sizes = [2048, 1], strides = [1, 1]} : vector<2048x16xf32> to vector<2048x1xf32>
    %gt3A_378 = vector.broadcast %slice3A_377 : vector<2048x1xf32> to vector<2048x16xf32>
    %gt3A_379 = arith.cmpf ogt, %gt3A_378, %mul3A_181 : vector<2048x16xf32>
    %eq3A_380 = vector.broadcast %slice3A_377 : vector<2048x1xf32> to vector<2048x16xf32>
    %eq3A_381 = arith.cmpf oeq, %eq3A_380, %mul3A_181 : vector<2048x16xf32>
    %gt3A_382 = arith.constant 12 : i32
    %gt3A_383 = vector.broadcast %gt3A_382 : i32 to vector<2048x16xi32>
    %gt3A_384 = arith.cmpi sgt, %iota3A_182, %gt3A_383 : vector<2048x16xi32>
    %and3A_385 = arith.andi %eq3A_381, %gt3A_384 : vector<2048x16xi1>
    %or3A_386 = arith.ori %gt3A_379, %and3A_385 : vector<2048x16xi1>
    %jit3A_387 = arith.constant 1.000000e+00 : f32
    %jit3A_388 = arith.constant 0.000000e+00 : f32
    %broadcast_in_dim3A_389 = vector.broadcast %jit3A_387 : f32 to vector<2048x16xf32>
    %broadcast_in_dim3A_390 = vector.broadcast %jit3A_388 : f32 to vector<2048x16xf32>
    %select_n3A_391 = arith.select %or3A_386, %broadcast_in_dim3A_389, %broadcast_in_dim3A_390 : vector<2048x16xi1>, vector<2048x16xf32>
    %add3A_392 = arith.addf %add3A_376, %select_n3A_391 : vector<2048x16xf32>
    %slice3A_393 = vector.extract_strided_slice %mul3A_181 {offsets = [0, 13], sizes = [2048, 1], strides = [1, 1]} : vector<2048x16xf32> to vector<2048x1xf32>
    %gt3A_394 = vector.broadcast %slice3A_393 : vector<2048x1xf32> to vector<2048x16xf32>
    %gt3A_395 = arith.cmpf ogt, %gt3A_394, %mul3A_181 : vector<2048x16xf32>
    %eq3A_396 = vector.broadcast %slice3A_393 : vector<2048x1xf32> to vector<2048x16xf32>
    %eq3A_397 = arith.cmpf oeq, %eq3A_396, %mul3A_181 : vector<2048x16xf32>
    %gt3A_398 = arith.constant 13 : i32
    %gt3A_399 = vector.broadcast %gt3A_398 : i32 to vector<2048x16xi32>
    %gt3A_400 = arith.cmpi sgt, %iota3A_182, %gt3A_399 : vector<2048x16xi32>
    %and3A_401 = arith.andi %eq3A_397, %gt3A_400 : vector<2048x16xi1>
    %or3A_402 = arith.ori %gt3A_395, %and3A_401 : vector<2048x16xi1>
    %jit3A_403 = arith.constant 1.000000e+00 : f32
    %jit3A_404 = arith.constant 0.000000e+00 : f32
    %broadcast_in_dim3A_405 = vector.broadcast %jit3A_403 : f32 to vector<2048x16xf32>
    %broadcast_in_dim3A_406 = vector.broadcast %jit3A_404 : f32 to vector<2048x16xf32>
    %select_n3A_407 = arith.select %or3A_402, %broadcast_in_dim3A_405, %broadcast_in_dim3A_406 : vector<2048x16xi1>, vector<2048x16xf32>
    %add3A_408 = arith.addf %add3A_392, %select_n3A_407 : vector<2048x16xf32>
    %slice3A_409 = vector.extract_strided_slice %mul3A_181 {offsets = [0, 14], sizes = [2048, 1], strides = [1, 1]} : vector<2048x16xf32> to vector<2048x1xf32>
    %gt3A_410 = vector.broadcast %slice3A_409 : vector<2048x1xf32> to vector<2048x16xf32>
    %gt3A_411 = arith.cmpf ogt, %gt3A_410, %mul3A_181 : vector<2048x16xf32>
    %eq3A_412 = vector.broadcast %slice3A_409 : vector<2048x1xf32> to vector<2048x16xf32>
    %eq3A_413 = arith.cmpf oeq, %eq3A_412, %mul3A_181 : vector<2048x16xf32>
    %gt3A_414 = arith.constant 14 : i32
    %gt3A_415 = vector.broadcast %gt3A_414 : i32 to vector<2048x16xi32>
    %gt3A_416 = arith.cmpi sgt, %iota3A_182, %gt3A_415 : vector<2048x16xi32>
    %and3A_417 = arith.andi %eq3A_413, %gt3A_416 : vector<2048x16xi1>
    %or3A_418 = arith.ori %gt3A_411, %and3A_417 : vector<2048x16xi1>
    %jit3A_419 = arith.constant 1.000000e+00 : f32
    %jit3A_420 = arith.constant 0.000000e+00 : f32
    %broadcast_in_dim3A_421 = vector.broadcast %jit3A_419 : f32 to vector<2048x16xf32>
    %broadcast_in_dim3A_422 = vector.broadcast %jit3A_420 : f32 to vector<2048x16xf32>
    %select_n3A_423 = arith.select %or3A_418, %broadcast_in_dim3A_421, %broadcast_in_dim3A_422 : vector<2048x16xi1>, vector<2048x16xf32>
    %add3A_424 = arith.addf %add3A_408, %select_n3A_423 : vector<2048x16xf32>
    %slice3A_425 = vector.extract_strided_slice %mul3A_181 {offsets = [0, 15], sizes = [2048, 1], strides = [1, 1]} : vector<2048x16xf32> to vector<2048x1xf32>
    %gt3A_426 = vector.broadcast %slice3A_425 : vector<2048x1xf32> to vector<2048x16xf32>
    %gt3A_427 = arith.cmpf ogt, %gt3A_426, %mul3A_181 : vector<2048x16xf32>
    %eq3A_428 = vector.broadcast %slice3A_425 : vector<2048x1xf32> to vector<2048x16xf32>
    %eq3A_429 = arith.cmpf oeq, %eq3A_428, %mul3A_181 : vector<2048x16xf32>
    %gt3A_430 = arith.constant 15 : i32
    %gt3A_431 = vector.broadcast %gt3A_430 : i32 to vector<2048x16xi32>
    %gt3A_432 = arith.cmpi sgt, %iota3A_182, %gt3A_431 : vector<2048x16xi32>
    %and3A_433 = arith.andi %eq3A_429, %gt3A_432 : vector<2048x16xi1>
    %or3A_434 = arith.ori %gt3A_427, %and3A_433 : vector<2048x16xi1>
    %jit3A_435 = arith.constant 1.000000e+00 : f32
    %jit3A_436 = arith.constant 0.000000e+00 : f32
    %broadcast_in_dim3A_437 = vector.broadcast %jit3A_435 : f32 to vector<2048x16xf32>
    %broadcast_in_dim3A_438 = vector.broadcast %jit3A_436 : f32 to vector<2048x16xf32>
    %select_n3A_439 = arith.select %or3A_434, %broadcast_in_dim3A_437, %broadcast_in_dim3A_438 : vector<2048x16xi1>, vector<2048x16xf32>
    %add3A_440 = arith.addf %add3A_424, %select_n3A_439 : vector<2048x16xf32>
    %lt3A_441 = arith.constant 2.000000e+00 : f32
    %lt3A_442 = vector.broadcast %lt3A_441 : f32 to vector<2048x16xf32>
    %lt3A_443 = arith.cmpf olt, %add3A_440, %lt3A_442 : vector<2048x16xf32>
    %jit3A_444 = arith.constant 1.000000e+00 : f32
    %jit3A_445 = arith.constant 0.000000e+00 : f32
    %broadcast_in_dim3A_446 = vector.broadcast %jit3A_444 : f32 to vector<2048x16xf32>
    %broadcast_in_dim3A_447 = vector.broadcast %jit3A_445 : f32 to vector<2048x16xf32>
    %select_n3A_448 = arith.select %lt3A_443, %broadcast_in_dim3A_446, %broadcast_in_dim3A_447 : vector<2048x16xi1>, vector<2048x16xf32>
    %mul3A_449 = arith.mulf %logistic3A_38, %select_n3A_448 : vector<2048x16xf32>
    %reduce_sum3A = arith.constant dense<0.000000e+00> : vector<2048xf32>
    %reduce_sum3A_450 = vector.multi_reduction <add>, %mul3A_449, %reduce_sum3A [1] : vector<2048x16xf32> to vector<2048xf32>
    %broadcast_in_dim3A_451 = vector.shape_cast %reduce_sum3A_450 : vector<2048xf32> to vector<2048x1xf32>
    %add3A_452 = arith.constant 9.99999968E-21 : f32
    %add3A_453 = vector.broadcast %add3A_452 : f32 to vector<2048x1xf32>
    %add3A_454 = arith.addf %broadcast_in_dim3A_451, %add3A_453 : vector<2048x1xf32>
    %div3A = arith.constant 2.500000e+00 : f32
    %div3A_455 = vector.broadcast %div3A : f32 to vector<2048x1xf32>
    %div3A_456 = arith.divf %div3A_455, %add3A_454 : vector<2048x1xf32>
    %mul3A_457 = vector.broadcast %div3A_456 : vector<2048x1xf32> to vector<2048x16xf32>
    %mul3A_458 = arith.mulf %mul3A_449, %mul3A_457 : vector<2048x16xf32>
    %convert_element_type3A_459 = arith.truncf %select_n3A_448 : vector<2048x16xf32> to vector<2048x16xbf16>
    %iota3A_460 = tpu.iota {dimensions = array<i32: 0>} : vector<128x1xi32>
    %iota3A_461 = tpu.iota {dimensions = array<i32: 1>} : vector<1x128xi32>
    %ge3A = vector.broadcast %iota3A_460 : vector<128x1xi32> to vector<128x128xi32>
    %ge3A_462 = vector.broadcast %iota3A_461 : vector<1x128xi32> to vector<128x128xi32>
    %ge3A_463 = arith.cmpi sge, %ge3A, %ge3A_462 : vector<128x128xi32>
    %convert_element_type3A_464 = arith.extui %ge3A_463 : vector<128x128xi1> to vector<128x128xi32>
    %convert_element_type3A_465 = arith.sitofp %convert_element_type3A_464 : vector<128x128xi32> to vector<128x128xf32>
    %convert_element_type3A_466 = arith.truncf %convert_element_type3A_465 : vector<128x128xf32> to vector<128x128xbf16>
    %slice3A_467 = vector.extract_strided_slice %convert_element_type3A_459 {offsets = [0, 0], sizes = [128, 16], strides = [1, 1]} : vector<2048x16xbf16> to vector<128x16xbf16>
    %dot_general3A_468 = arith.constant dense<0.000000e+00> : vector<128x16xf32>
    %dot_general3A_469 = tpu.matmul %convert_element_type3A_466, %slice3A_467, %dot_general3A_468 {dimension_numbers = #tpu.dot_dimension_numbers<[1], [0], [0], [1], [0, 0, 1, 1], [], []>, transpose_lhs_hint = false} : vector<128x128xbf16>, vector<128x16xbf16>, vector<128x16xf32> -> vector<128x16xf32>
    %slice3A_470 = vector.extract_strided_slice %dot_general3A_469 {offsets = [127, 0], sizes = [1, 16], strides = [1, 1]} : vector<128x16xf32> to vector<1x16xf32>
    %slice3A_471 = vector.extract_strided_slice %convert_element_type3A_459 {offsets = [128, 0], sizes = [128, 16], strides = [1, 1]} : vector<2048x16xbf16> to vector<128x16xbf16>
    %dot_general3A_472 = arith.constant dense<0.000000e+00> : vector<128x16xf32>
    %dot_general3A_473 = tpu.matmul %convert_element_type3A_466, %slice3A_471, %dot_general3A_472 {dimension_numbers = #tpu.dot_dimension_numbers<[1], [0], [0], [1], [0, 0, 1, 1], [], []>, transpose_lhs_hint = false} : vector<128x128xbf16>, vector<128x16xbf16>, vector<128x16xf32> -> vector<128x16xf32>
    %slice3A_474 = vector.extract_strided_slice %dot_general3A_473 {offsets = [127, 0], sizes = [1, 16], strides = [1, 1]} : vector<128x16xf32> to vector<1x16xf32>
    %slice3A_475 = vector.extract_strided_slice %convert_element_type3A_459 {offsets = [256, 0], sizes = [128, 16], strides = [1, 1]} : vector<2048x16xbf16> to vector<128x16xbf16>
    %dot_general3A_476 = arith.constant dense<0.000000e+00> : vector<128x16xf32>
    %dot_general3A_477 = tpu.matmul %convert_element_type3A_466, %slice3A_475, %dot_general3A_476 {dimension_numbers = #tpu.dot_dimension_numbers<[1], [0], [0], [1], [0, 0, 1, 1], [], []>, transpose_lhs_hint = false} : vector<128x128xbf16>, vector<128x16xbf16>, vector<128x16xf32> -> vector<128x16xf32>
    %slice3A_478 = vector.extract_strided_slice %dot_general3A_477 {offsets = [127, 0], sizes = [1, 16], strides = [1, 1]} : vector<128x16xf32> to vector<1x16xf32>
    %slice3A_479 = vector.extract_strided_slice %convert_element_type3A_459 {offsets = [384, 0], sizes = [128, 16], strides = [1, 1]} : vector<2048x16xbf16> to vector<128x16xbf16>
    %dot_general3A_480 = arith.constant dense<0.000000e+00> : vector<128x16xf32>
    %dot_general3A_481 = tpu.matmul %convert_element_type3A_466, %slice3A_479, %dot_general3A_480 {dimension_numbers = #tpu.dot_dimension_numbers<[1], [0], [0], [1], [0, 0, 1, 1], [], []>, transpose_lhs_hint = false} : vector<128x128xbf16>, vector<128x16xbf16>, vector<128x16xf32> -> vector<128x16xf32>
    %slice3A_482 = vector.extract_strided_slice %dot_general3A_481 {offsets = [127, 0], sizes = [1, 16], strides = [1, 1]} : vector<128x16xf32> to vector<1x16xf32>
    %slice3A_483 = vector.extract_strided_slice %convert_element_type3A_459 {offsets = [512, 0], sizes = [128, 16], strides = [1, 1]} : vector<2048x16xbf16> to vector<128x16xbf16>
    %dot_general3A_484 = arith.constant dense<0.000000e+00> : vector<128x16xf32>
    %dot_general3A_485 = tpu.matmul %convert_element_type3A_466, %slice3A_483, %dot_general3A_484 {dimension_numbers = #tpu.dot_dimension_numbers<[1], [0], [0], [1], [0, 0, 1, 1], [], []>, transpose_lhs_hint = false} : vector<128x128xbf16>, vector<128x16xbf16>, vector<128x16xf32> -> vector<128x16xf32>
    %slice3A_486 = vector.extract_strided_slice %dot_general3A_485 {offsets = [127, 0], sizes = [1, 16], strides = [1, 1]} : vector<128x16xf32> to vector<1x16xf32>
    %slice3A_487 = vector.extract_strided_slice %convert_element_type3A_459 {offsets = [640, 0], sizes = [128, 16], strides = [1, 1]} : vector<2048x16xbf16> to vector<128x16xbf16>
    %dot_general3A_488 = arith.constant dense<0.000000e+00> : vector<128x16xf32>
    %dot_general3A_489 = tpu.matmul %convert_element_type3A_466, %slice3A_487, %dot_general3A_488 {dimension_numbers = #tpu.dot_dimension_numbers<[1], [0], [0], [1], [0, 0, 1, 1], [], []>, transpose_lhs_hint = false} : vector<128x128xbf16>, vector<128x16xbf16>, vector<128x16xf32> -> vector<128x16xf32>
    %slice3A_490 = vector.extract_strided_slice %dot_general3A_489 {offsets = [127, 0], sizes = [1, 16], strides = [1, 1]} : vector<128x16xf32> to vector<1x16xf32>
    %slice3A_491 = vector.extract_strided_slice %convert_element_type3A_459 {offsets = [768, 0], sizes = [128, 16], strides = [1, 1]} : vector<2048x16xbf16> to vector<128x16xbf16>
    %dot_general3A_492 = arith.constant dense<0.000000e+00> : vector<128x16xf32>
    %dot_general3A_493 = tpu.matmul %convert_element_type3A_466, %slice3A_491, %dot_general3A_492 {dimension_numbers = #tpu.dot_dimension_numbers<[1], [0], [0], [1], [0, 0, 1, 1], [], []>, transpose_lhs_hint = false} : vector<128x128xbf16>, vector<128x16xbf16>, vector<128x16xf32> -> vector<128x16xf32>
    %slice3A_494 = vector.extract_strided_slice %dot_general3A_493 {offsets = [127, 0], sizes = [1, 16], strides = [1, 1]} : vector<128x16xf32> to vector<1x16xf32>
    %slice3A_495 = vector.extract_strided_slice %convert_element_type3A_459 {offsets = [896, 0], sizes = [128, 16], strides = [1, 1]} : vector<2048x16xbf16> to vector<128x16xbf16>
    %dot_general3A_496 = arith.constant dense<0.000000e+00> : vector<128x16xf32>
    %dot_general3A_497 = tpu.matmul %convert_element_type3A_466, %slice3A_495, %dot_general3A_496 {dimension_numbers = #tpu.dot_dimension_numbers<[1], [0], [0], [1], [0, 0, 1, 1], [], []>, transpose_lhs_hint = false} : vector<128x128xbf16>, vector<128x16xbf16>, vector<128x16xf32> -> vector<128x16xf32>
    %slice3A_498 = vector.extract_strided_slice %dot_general3A_497 {offsets = [127, 0], sizes = [1, 16], strides = [1, 1]} : vector<128x16xf32> to vector<1x16xf32>
    %slice3A_499 = vector.extract_strided_slice %convert_element_type3A_459 {offsets = [1024, 0], sizes = [128, 16], strides = [1, 1]} : vector<2048x16xbf16> to vector<128x16xbf16>
    %dot_general3A_500 = arith.constant dense<0.000000e+00> : vector<128x16xf32>
    %dot_general3A_501 = tpu.matmul %convert_element_type3A_466, %slice3A_499, %dot_general3A_500 {dimension_numbers = #tpu.dot_dimension_numbers<[1], [0], [0], [1], [0, 0, 1, 1], [], []>, transpose_lhs_hint = false} : vector<128x128xbf16>, vector<128x16xbf16>, vector<128x16xf32> -> vector<128x16xf32>
    %slice3A_502 = vector.extract_strided_slice %dot_general3A_501 {offsets = [127, 0], sizes = [1, 16], strides = [1, 1]} : vector<128x16xf32> to vector<1x16xf32>
    %slice3A_503 = vector.extract_strided_slice %convert_element_type3A_459 {offsets = [1152, 0], sizes = [128, 16], strides = [1, 1]} : vector<2048x16xbf16> to vector<128x16xbf16>
    %dot_general3A_504 = arith.constant dense<0.000000e+00> : vector<128x16xf32>
    %dot_general3A_505 = tpu.matmul %convert_element_type3A_466, %slice3A_503, %dot_general3A_504 {dimension_numbers = #tpu.dot_dimension_numbers<[1], [0], [0], [1], [0, 0, 1, 1], [], []>, transpose_lhs_hint = false} : vector<128x128xbf16>, vector<128x16xbf16>, vector<128x16xf32> -> vector<128x16xf32>
    %slice3A_506 = vector.extract_strided_slice %dot_general3A_505 {offsets = [127, 0], sizes = [1, 16], strides = [1, 1]} : vector<128x16xf32> to vector<1x16xf32>
    %slice3A_507 = vector.extract_strided_slice %convert_element_type3A_459 {offsets = [1280, 0], sizes = [128, 16], strides = [1, 1]} : vector<2048x16xbf16> to vector<128x16xbf16>
    %dot_general3A_508 = arith.constant dense<0.000000e+00> : vector<128x16xf32>
    %dot_general3A_509 = tpu.matmul %convert_element_type3A_466, %slice3A_507, %dot_general3A_508 {dimension_numbers = #tpu.dot_dimension_numbers<[1], [0], [0], [1], [0, 0, 1, 1], [], []>, transpose_lhs_hint = false} : vector<128x128xbf16>, vector<128x16xbf16>, vector<128x16xf32> -> vector<128x16xf32>
    %slice3A_510 = vector.extract_strided_slice %dot_general3A_509 {offsets = [127, 0], sizes = [1, 16], strides = [1, 1]} : vector<128x16xf32> to vector<1x16xf32>
    %slice3A_511 = vector.extract_strided_slice %convert_element_type3A_459 {offsets = [1408, 0], sizes = [128, 16], strides = [1, 1]} : vector<2048x16xbf16> to vector<128x16xbf16>
    %dot_general3A_512 = arith.constant dense<0.000000e+00> : vector<128x16xf32>
    %dot_general3A_513 = tpu.matmul %convert_element_type3A_466, %slice3A_511, %dot_general3A_512 {dimension_numbers = #tpu.dot_dimension_numbers<[1], [0], [0], [1], [0, 0, 1, 1], [], []>, transpose_lhs_hint = false} : vector<128x128xbf16>, vector<128x16xbf16>, vector<128x16xf32> -> vector<128x16xf32>
    %slice3A_514 = vector.extract_strided_slice %dot_general3A_513 {offsets = [127, 0], sizes = [1, 16], strides = [1, 1]} : vector<128x16xf32> to vector<1x16xf32>
    %slice3A_515 = vector.extract_strided_slice %convert_element_type3A_459 {offsets = [1536, 0], sizes = [128, 16], strides = [1, 1]} : vector<2048x16xbf16> to vector<128x16xbf16>
    %dot_general3A_516 = arith.constant dense<0.000000e+00> : vector<128x16xf32>
    %dot_general3A_517 = tpu.matmul %convert_element_type3A_466, %slice3A_515, %dot_general3A_516 {dimension_numbers = #tpu.dot_dimension_numbers<[1], [0], [0], [1], [0, 0, 1, 1], [], []>, transpose_lhs_hint = false} : vector<128x128xbf16>, vector<128x16xbf16>, vector<128x16xf32> -> vector<128x16xf32>
    %slice3A_518 = vector.extract_strided_slice %dot_general3A_517 {offsets = [127, 0], sizes = [1, 16], strides = [1, 1]} : vector<128x16xf32> to vector<1x16xf32>
    %slice3A_519 = vector.extract_strided_slice %convert_element_type3A_459 {offsets = [1664, 0], sizes = [128, 16], strides = [1, 1]} : vector<2048x16xbf16> to vector<128x16xbf16>
    %dot_general3A_520 = arith.constant dense<0.000000e+00> : vector<128x16xf32>
    %dot_general3A_521 = tpu.matmul %convert_element_type3A_466, %slice3A_519, %dot_general3A_520 {dimension_numbers = #tpu.dot_dimension_numbers<[1], [0], [0], [1], [0, 0, 1, 1], [], []>, transpose_lhs_hint = false} : vector<128x128xbf16>, vector<128x16xbf16>, vector<128x16xf32> -> vector<128x16xf32>
    %slice3A_522 = vector.extract_strided_slice %dot_general3A_521 {offsets = [127, 0], sizes = [1, 16], strides = [1, 1]} : vector<128x16xf32> to vector<1x16xf32>
    %slice3A_523 = vector.extract_strided_slice %convert_element_type3A_459 {offsets = [1792, 0], sizes = [128, 16], strides = [1, 1]} : vector<2048x16xbf16> to vector<128x16xbf16>
    %dot_general3A_524 = arith.constant dense<0.000000e+00> : vector<128x16xf32>
    %dot_general3A_525 = tpu.matmul %convert_element_type3A_466, %slice3A_523, %dot_general3A_524 {dimension_numbers = #tpu.dot_dimension_numbers<[1], [0], [0], [1], [0, 0, 1, 1], [], []>, transpose_lhs_hint = false} : vector<128x128xbf16>, vector<128x16xbf16>, vector<128x16xf32> -> vector<128x16xf32>
    %slice3A_526 = vector.extract_strided_slice %dot_general3A_525 {offsets = [127, 0], sizes = [1, 16], strides = [1, 1]} : vector<128x16xf32> to vector<1x16xf32>
    %slice3A_527 = vector.extract_strided_slice %convert_element_type3A_459 {offsets = [1920, 0], sizes = [128, 16], strides = [1, 1]} : vector<2048x16xbf16> to vector<128x16xbf16>
    %dot_general3A_528 = arith.constant dense<0.000000e+00> : vector<128x16xf32>
    %dot_general3A_529 = tpu.matmul %convert_element_type3A_466, %slice3A_527, %dot_general3A_528 {dimension_numbers = #tpu.dot_dimension_numbers<[1], [0], [0], [1], [0, 0, 1, 1], [], []>, transpose_lhs_hint = false} : vector<128x128xbf16>, vector<128x16xbf16>, vector<128x16xf32> -> vector<128x16xf32>
    %slice3A_530 = vector.extract_strided_slice %dot_general3A_529 {offsets = [127, 0], sizes = [1, 16], strides = [1, 1]} : vector<128x16xf32> to vector<1x16xf32>
    %concatenate3A_531 = tpu.concatenate %slice3A_470, %slice3A_474, %slice3A_478, %slice3A_482, %slice3A_486, %slice3A_490, %slice3A_494, %slice3A_498, %slice3A_502, %slice3A_506, %slice3A_510, %slice3A_514, %slice3A_518, %slice3A_522, %slice3A_526, %slice3A_530 in 0 : vector<1x16xf32>, vector<1x16xf32>, vector<1x16xf32>, vector<1x16xf32>, vector<1x16xf32>, vector<1x16xf32>, vector<1x16xf32>, vector<1x16xf32>, vector<1x16xf32>, vector<1x16xf32>, vector<1x16xf32>, vector<1x16xf32>, vector<1x16xf32>, vector<1x16xf32>, vector<1x16xf32>, vector<1x16xf32> -> vector<16x16xf32>
    %convert_element_type3A_532 = arith.truncf %concatenate3A_531 : vector<16x16xf32> to vector<16x16xbf16>
    %iota3A_533 = tpu.iota {dimensions = array<i32: 0>} : vector<16x16xi32>
    %iota3A_534 = tpu.iota {dimensions = array<i32: 1>} : vector<16x16xi32>
    %gt3A_535 = arith.cmpi sgt, %iota3A_533, %iota3A_534 : vector<16x16xi32>
    %convert_element_type3A_536 = arith.extui %gt3A_535 : vector<16x16xi1> to vector<16x16xi32>
    %convert_element_type3A_537 = arith.sitofp %convert_element_type3A_536 : vector<16x16xi32> to vector<16x16xf32>
    %convert_element_type3A_538 = arith.truncf %convert_element_type3A_537 : vector<16x16xf32> to vector<16x16xbf16>
    %dot_general3A_539 = arith.constant dense<0.000000e+00> : vector<16x16xf32>
    %dot_general3A_540 = tpu.matmul %convert_element_type3A_538, %convert_element_type3A_532, %dot_general3A_539 {dimension_numbers = #tpu.dot_dimension_numbers<[1], [0], [0], [1], [0, 0, 1, 1], [], []>, transpose_lhs_hint = false} : vector<16x16xbf16>, vector<16x16xbf16>, vector<16x16xf32> -> vector<16x16xf32>
    %slice3A_541 = vector.extract_strided_slice %dot_general3A_540 {offsets = [0, 0], sizes = [1, 16], strides = [1, 1]} : vector<16x16xf32> to vector<1x16xf32>
    %add3A_542 = vector.broadcast %slice3A_541 : vector<1x16xf32> to vector<128x16xf32>
    %add3A_543 = arith.addf %dot_general3A_469, %add3A_542 : vector<128x16xf32>
    %slice3A_544 = vector.extract_strided_slice %dot_general3A_540 {offsets = [1, 0], sizes = [1, 16], strides = [1, 1]} : vector<16x16xf32> to vector<1x16xf32>
    %add3A_545 = vector.broadcast %slice3A_544 : vector<1x16xf32> to vector<128x16xf32>
    %add3A_546 = arith.addf %dot_general3A_473, %add3A_545 : vector<128x16xf32>
    %slice3A_547 = vector.extract_strided_slice %dot_general3A_540 {offsets = [2, 0], sizes = [1, 16], strides = [1, 1]} : vector<16x16xf32> to vector<1x16xf32>
    %add3A_548 = vector.broadcast %slice3A_547 : vector<1x16xf32> to vector<128x16xf32>
    %add3A_549 = arith.addf %dot_general3A_477, %add3A_548 : vector<128x16xf32>
    %slice3A_550 = vector.extract_strided_slice %dot_general3A_540 {offsets = [3, 0], sizes = [1, 16], strides = [1, 1]} : vector<16x16xf32> to vector<1x16xf32>
    %add3A_551 = vector.broadcast %slice3A_550 : vector<1x16xf32> to vector<128x16xf32>
    %add3A_552 = arith.addf %dot_general3A_481, %add3A_551 : vector<128x16xf32>
    %slice3A_553 = vector.extract_strided_slice %dot_general3A_540 {offsets = [4, 0], sizes = [1, 16], strides = [1, 1]} : vector<16x16xf32> to vector<1x16xf32>
    %add3A_554 = vector.broadcast %slice3A_553 : vector<1x16xf32> to vector<128x16xf32>
    %add3A_555 = arith.addf %dot_general3A_485, %add3A_554 : vector<128x16xf32>
    %slice3A_556 = vector.extract_strided_slice %dot_general3A_540 {offsets = [5, 0], sizes = [1, 16], strides = [1, 1]} : vector<16x16xf32> to vector<1x16xf32>
    %add3A_557 = vector.broadcast %slice3A_556 : vector<1x16xf32> to vector<128x16xf32>
    %add3A_558 = arith.addf %dot_general3A_489, %add3A_557 : vector<128x16xf32>
    %slice3A_559 = vector.extract_strided_slice %dot_general3A_540 {offsets = [6, 0], sizes = [1, 16], strides = [1, 1]} : vector<16x16xf32> to vector<1x16xf32>
    %add3A_560 = vector.broadcast %slice3A_559 : vector<1x16xf32> to vector<128x16xf32>
    %add3A_561 = arith.addf %dot_general3A_493, %add3A_560 : vector<128x16xf32>
    %slice3A_562 = vector.extract_strided_slice %dot_general3A_540 {offsets = [7, 0], sizes = [1, 16], strides = [1, 1]} : vector<16x16xf32> to vector<1x16xf32>
    %add3A_563 = vector.broadcast %slice3A_562 : vector<1x16xf32> to vector<128x16xf32>
    %add3A_564 = arith.addf %dot_general3A_497, %add3A_563 : vector<128x16xf32>
    %slice3A_565 = vector.extract_strided_slice %dot_general3A_540 {offsets = [8, 0], sizes = [1, 16], strides = [1, 1]} : vector<16x16xf32> to vector<1x16xf32>
    %add3A_566 = vector.broadcast %slice3A_565 : vector<1x16xf32> to vector<128x16xf32>
    %add3A_567 = arith.addf %dot_general3A_501, %add3A_566 : vector<128x16xf32>
    %slice3A_568 = vector.extract_strided_slice %dot_general3A_540 {offsets = [9, 0], sizes = [1, 16], strides = [1, 1]} : vector<16x16xf32> to vector<1x16xf32>
    %add3A_569 = vector.broadcast %slice3A_568 : vector<1x16xf32> to vector<128x16xf32>
    %add3A_570 = arith.addf %dot_general3A_505, %add3A_569 : vector<128x16xf32>
    %slice3A_571 = vector.extract_strided_slice %dot_general3A_540 {offsets = [10, 0], sizes = [1, 16], strides = [1, 1]} : vector<16x16xf32> to vector<1x16xf32>
    %add3A_572 = vector.broadcast %slice3A_571 : vector<1x16xf32> to vector<128x16xf32>
    %add3A_573 = arith.addf %dot_general3A_509, %add3A_572 : vector<128x16xf32>
    %slice3A_574 = vector.extract_strided_slice %dot_general3A_540 {offsets = [11, 0], sizes = [1, 16], strides = [1, 1]} : vector<16x16xf32> to vector<1x16xf32>
    %add3A_575 = vector.broadcast %slice3A_574 : vector<1x16xf32> to vector<128x16xf32>
    %add3A_576 = arith.addf %dot_general3A_513, %add3A_575 : vector<128x16xf32>
    %slice3A_577 = vector.extract_strided_slice %dot_general3A_540 {offsets = [12, 0], sizes = [1, 16], strides = [1, 1]} : vector<16x16xf32> to vector<1x16xf32>
    %add3A_578 = vector.broadcast %slice3A_577 : vector<1x16xf32> to vector<128x16xf32>
    %add3A_579 = arith.addf %dot_general3A_517, %add3A_578 : vector<128x16xf32>
    %slice3A_580 = vector.extract_strided_slice %dot_general3A_540 {offsets = [13, 0], sizes = [1, 16], strides = [1, 1]} : vector<16x16xf32> to vector<1x16xf32>
    %add3A_581 = vector.broadcast %slice3A_580 : vector<1x16xf32> to vector<128x16xf32>
    %add3A_582 = arith.addf %dot_general3A_521, %add3A_581 : vector<128x16xf32>
    %slice3A_583 = vector.extract_strided_slice %dot_general3A_540 {offsets = [14, 0], sizes = [1, 16], strides = [1, 1]} : vector<16x16xf32> to vector<1x16xf32>
    %add3A_584 = vector.broadcast %slice3A_583 : vector<1x16xf32> to vector<128x16xf32>
    %add3A_585 = arith.addf %dot_general3A_525, %add3A_584 : vector<128x16xf32>
    %slice3A_586 = vector.extract_strided_slice %dot_general3A_540 {offsets = [15, 0], sizes = [1, 16], strides = [1, 1]} : vector<16x16xf32> to vector<1x16xf32>
    %add3A_587 = vector.broadcast %slice3A_586 : vector<1x16xf32> to vector<128x16xf32>
    %add3A_588 = arith.addf %dot_general3A_529, %add3A_587 : vector<128x16xf32>
    %concatenate3A_589 = tpu.concatenate %add3A_543, %add3A_546, %add3A_549, %add3A_552, %add3A_555, %add3A_558, %add3A_561, %add3A_564, %add3A_567, %add3A_570, %add3A_573, %add3A_576, %add3A_579, %add3A_582, %add3A_585, %add3A_588 in 0 : vector<128x16xf32>, vector<128x16xf32>, vector<128x16xf32>, vector<128x16xf32>, vector<128x16xf32>, vector<128x16xf32>, vector<128x16xf32>, vector<128x16xf32>, vector<128x16xf32>, vector<128x16xf32>, vector<128x16xf32>, vector<128x16xf32>, vector<128x16xf32>, vector<128x16xf32>, vector<128x16xf32>, vector<128x16xf32> -> vector<2048x16xf32>
    %slice3A_590 = vector.extract_strided_slice %concatenate3A_589 {offsets = [2047, 0], sizes = [1, 16], strides = [1, 1]} : vector<2048x16xf32> to vector<1x16xf32>
    %swap3A_591 = arith.constant 0 : index
    %swap3A_592 = arith.constant 0 : index
    %swap3A_593 = vector.load %arg7[%swap3A_591, %swap3A_592] : memref<1x16xf32, #tpu.memory_space<vmem>>, vector<1x16xf32>
    tpu.vector_store %arg7[%swap3A_591, %swap3A_592], %slice3A_590 {strides = array<i32>} : memref<1x16xf32, #tpu.memory_space<vmem>>, vector<1x16xf32>,
    %convert_element_type3A_594 = arith.sitofp %iota3A_182 : vector<2048x16xi32> to vector<2048x16xf32>
    %mul3A_595 = arith.constant 5.120000e+02 : f32
    %mul3A_596 = vector.broadcast %mul3A_595 : f32 to vector<2048x16xf32>
    %mul3A_597 = arith.mulf %convert_element_type3A_594, %mul3A_596 : vector<2048x16xf32>
    %sub3A = arith.constant 1.000000e+00 : f32
    %sub3A_598 = vector.broadcast %sub3A : f32 to vector<2048x16xf32>
    %sub3A_599 = arith.subf %concatenate3A_589, %sub3A_598 : vector<2048x16xf32>
    %add3A_600 = arith.addf %mul3A_597, %sub3A_599 : vector<2048x16xf32>
    %sub3A_601 = arith.constant 1.000000e+00 : f32
    %sub3A_602 = vector.broadcast %sub3A_601 : f32 to vector<2048x16xf32>
    %sub3A_603 = arith.subf %concatenate3A_589, %sub3A_602 : vector<2048x16xf32>
    %lt3A_604 = arith.constant 5.120000e+02 : f32
    %lt3A_605 = vector.broadcast %lt3A_604 : f32 to vector<2048x16xf32>
    %lt3A_606 = arith.cmpf olt, %sub3A_603, %lt3A_605 : vector<2048x16xf32>
    %jit3A_607 = arith.constant 8.192000e+03 : f32
    %broadcast_in_dim3A_608 = vector.broadcast %jit3A_607 : f32 to vector<2048x16xf32>
    %select_n3A_609 = arith.select %lt3A_606, %add3A_600, %broadcast_in_dim3A_608 : vector<2048x16xi1>, vector<2048x16xf32>
    %iota3A_610 = tpu.iota {dimensions = array<i32: 0>} : vector<16x16xi32>
    %iota3A_611 = tpu.iota {dimensions = array<i32: 1>} : vector<16x16xi32>
    %le3A = arith.cmpi sle, %iota3A_610, %iota3A_611 : vector<16x16xi32>
    %convert_element_type3A_612 = arith.extui %le3A : vector<16x16xi1> to vector<16x16xi32>
    %convert_element_type3A_613 = arith.sitofp %convert_element_type3A_612 : vector<16x16xi32> to vector<16x16xf32>
    %convert_element_type3A_614 = arith.truncf %convert_element_type3A_613 : vector<16x16xf32> to vector<16x16xbf16>
    %dot_general3A_615 = arith.constant dense<0.000000e+00> : vector<2048x16xf32>
    %dot_general3A_616 = tpu.matmul %convert_element_type3A_459, %convert_element_type3A_614, %dot_general3A_615 {dimension_numbers = #tpu.dot_dimension_numbers<[1], [0], [0], [1], [0, 0, 1, 1], [], []>, transpose_lhs_hint = false} : vector<2048x16xbf16>, vector<16x16xbf16>, vector<2048x16xf32> -> vector<2048x16xf32>
    %eq3A_617 = arith.constant 1.000000e+00 : f32
    %eq3A_618 = vector.broadcast %eq3A_617 : f32 to vector<2048x16xf32>
    %eq3A_619 = arith.cmpf oeq, %dot_general3A_616, %eq3A_618 : vector<2048x16xf32>
    %jit3A_620 = arith.constant 1.000000e+00 : f32
    %jit3A_621 = arith.constant 0.000000e+00 : f32
    %broadcast_in_dim3A_622 = vector.broadcast %jit3A_620 : f32 to vector<2048x16xf32>
    %broadcast_in_dim3A_623 = vector.broadcast %jit3A_621 : f32 to vector<2048x16xf32>
    %select_n3A_624 = arith.select %eq3A_619, %broadcast_in_dim3A_622, %broadcast_in_dim3A_623 : vector<2048x16xi1>, vector<2048x16xf32>
    %mul3A_625 = arith.mulf %select_n3A_448, %select_n3A_624 : vector<2048x16xf32>
    %eq3A_626 = arith.constant 2.000000e+00 : f32
    %eq3A_627 = vector.broadcast %eq3A_626 : f32 to vector<2048x16xf32>
    %eq3A_628 = arith.cmpf oeq, %dot_general3A_616, %eq3A_627 : vector<2048x16xf32>
    %jit3A_629 = arith.constant 1.000000e+00 : f32
    %jit3A_630 = arith.constant 0.000000e+00 : f32
    %broadcast_in_dim3A_631 = vector.broadcast %jit3A_629 : f32 to vector<2048x16xf32>
    %broadcast_in_dim3A_632 = vector.broadcast %jit3A_630 : f32 to vector<2048x16xf32>
    %select_n3A_633 = arith.select %eq3A_628, %broadcast_in_dim3A_631, %broadcast_in_dim3A_632 : vector<2048x16xi1>, vector<2048x16xf32>
    %mul3A_634 = arith.mulf %select_n3A_448, %select_n3A_633 : vector<2048x16xf32>
    %mul3A_635 = arith.mulf %select_n3A_609, %mul3A_625 : vector<2048x16xf32>
    %reduce_sum3A_636 = arith.constant dense<0.000000e+00> : vector<2048xf32>
    %reduce_sum3A_637 = vector.multi_reduction <add>, %mul3A_635, %reduce_sum3A_636 [1] : vector<2048x16xf32> to vector<2048xf32>
    %broadcast_in_dim3A_638 = vector.shape_cast %reduce_sum3A_637 : vector<2048xf32> to vector<2048x1xf32>
    %mul3A_639 = arith.mulf %select_n3A_609, %mul3A_634 : vector<2048x16xf32>
    %reduce_sum3A_640 = arith.constant dense<0.000000e+00> : vector<2048xf32>
    %reduce_sum3A_641 = vector.multi_reduction <add>, %mul3A_639, %reduce_sum3A_640 [1] : vector<2048x16xf32> to vector<2048xf32>
    %broadcast_in_dim3A_642 = vector.shape_cast %reduce_sum3A_641 : vector<2048xf32> to vector<2048x1xf32>
    %mul3A_643 = arith.mulf %mul3A_458, %mul3A_625 : vector<2048x16xf32>
    %reduce_sum3A_644 = arith.constant dense<0.000000e+00> : vector<2048xf32>
    %reduce_sum3A_645 = vector.multi_reduction <add>, %mul3A_643, %reduce_sum3A_644 [1] : vector<2048x16xf32> to vector<2048xf32>
    %broadcast_in_dim3A_646 = vector.shape_cast %reduce_sum3A_645 : vector<2048xf32> to vector<2048x1xf32>
    %mul3A_647 = arith.mulf %mul3A_458, %mul3A_634 : vector<2048x16xf32>
    %reduce_sum3A_648 = arith.constant dense<0.000000e+00> : vector<2048xf32>
    %reduce_sum3A_649 = vector.multi_reduction <add>, %mul3A_647, %reduce_sum3A_648 [1] : vector<2048x16xf32> to vector<2048xf32>
    %broadcast_in_dim3A_650 = vector.shape_cast %reduce_sum3A_649 : vector<2048xf32> to vector<2048x1xf32>
    %concatenate3A_651 = tpu.concatenate %broadcast_in_dim3A_638, %broadcast_in_dim3A_642, %broadcast_in_dim3A_646, %broadcast_in_dim3A_650 in 1 : vector<2048x1xf32>, vector<2048x1xf32>, vector<2048x1xf32>, vector<2048x1xf32> -> vector<2048x4xf32>
    %swap3A_652 = arith.constant 0 : index
    %swap3A_653 = arith.constant 0 : index
    %swap3A_654 = vector.load %arg6[%swap3A_652, %swap3A_653] : memref<2048x128xf32, #tpu.memory_space<vmem>>, vector<2048x4xf32>
    tpu.vector_store %arg6[%swap3A_652, %swap3A_653], %concatenate3A_651 {strides = array<i32>} : memref<2048x128xf32, #tpu.memory_space<vmem>>, vector<2048x4xf32>,
    return
  }
}

module attributes {stable_mosaic.version = 14 : i64} {
  func.func @_group_body(%arg0: i32, %arg1: i32, %arg2: memref<1x16xi32, #tpu.memory_space<smem>>, %arg3: memref<512x1024xf32, #tpu.memory_space<vmem>>, %arg4: memref<1x512x1024xf32, #tpu.memory_space<vmem>>, %arg5: memref<1x512x1024xf32, #tpu.memory_space<vmem>>, %arg6: memref<1x1024x512xf32, #tpu.memory_space<vmem>>, %arg7: memref<512x1024xf32, #tpu.memory_space<vmem>>) attributes {dimension_semantics = [#tpu.dimension_semantics<arbitrary>, #tpu.dimension_semantics<arbitrary>], iteration_bounds = array<i64: 16, 1>, scalar_prefetch = 0 : i64, scratch_operands = 0 : i64, tpu.core_type = #tpu.core_type<tc>, window_params = [{transform_indices = @transform_0, window_bounds = array<i64: 1, 16>}, {transform_indices = @transform_1, window_bounds = array<i64: 512, 1024>}, {transform_indices = @transform_2, window_bounds = array<i64: 1, 512, 1024>}, {transform_indices = @transform_3, window_bounds = array<i64: 1, 512, 1024>}, {transform_indices = @transform_4, window_bounds = array<i64: 1, 1024, 512>}, {transform_indices = @transform_5, window_bounds = array<i64: 512, 1024>}]} {
    %mul3A = arith.constant 512 : i32
    %mul3A_0 = arith.muli %arg1, %mul3A : i32
    %get3A = arith.constant 0 : index
    %get3A_1 = arith.index_cast %arg0 : i32 to index
    %get3A_2 = memref.load %arg2[%get3A, %get3A_1] : memref<1x16xi32, #tpu.memory_space<smem>>
    %lt3A = arith.cmpi slt, %mul3A_0, %get3A_2 : i32
    %convert_element_type3A = arith.extui %lt3A : i1 to i32
    %cond3A = arith.constant 0 : i32
    %cond3A_3 = arith.cmpi ne, %convert_element_type3A, %cond3A : i32
    scf.if %cond3A_3 {
      %get3A_4 = arith.constant 0 : index
      %get3A_5 = arith.constant 0 : index
      %get3A_6 = vector.load %arg3[%get3A_4, %get3A_5] : memref<512x1024xf32, #tpu.memory_space<vmem>>, vector<512x1024xf32>
      %convert_element_type3A_7 = arith.truncf %get3A_6 : vector<512x1024xf32> to vector<512x1024xbf16>
      %get3A_8 = arith.constant 0 : index
      %get3A_9 = arith.constant 0 : index
      %get3A_10 = arith.constant 0 : index
      %get3A_11 = vector.load %arg4[%get3A_8, %get3A_9, %get3A_10] : memref<1x512x1024xf32, #tpu.memory_space<vmem>>, vector<1x512x1024xf32>
      %get3A_12 = vector.shape_cast %get3A_11 : vector<1x512x1024xf32> to vector<512x1024xf32>
      %convert_element_type3A_13 = arith.truncf %get3A_12 : vector<512x1024xf32> to vector<512x1024xbf16>
      %dot_general3A = arith.constant dense<0.000000e+00> : vector<512x512xf32>
      %dot_general3A_14 = tpu.matmul %convert_element_type3A_7, %convert_element_type3A_13, %dot_general3A {dimension_numbers = #tpu.dot_dimension_numbers<[1], [1], [0], [0], [0, 0, 1, 0], [], []>, transpose_lhs_hint = false} : vector<512x1024xbf16>, vector<512x1024xbf16>, vector<512x512xf32> -> vector<512x512xf32>
      %get3A_15 = arith.constant 0 : index
      %get3A_16 = arith.constant 0 : index
      %get3A_17 = arith.constant 0 : index
      %get3A_18 = vector.load %arg5[%get3A_15, %get3A_16, %get3A_17] : memref<1x512x1024xf32, #tpu.memory_space<vmem>>, vector<1x512x1024xf32>
      %get3A_19 = vector.shape_cast %get3A_18 : vector<1x512x1024xf32> to vector<512x1024xf32>
      %convert_element_type3A_20 = arith.truncf %get3A_19 : vector<512x1024xf32> to vector<512x1024xbf16>
      %dot_general3A_21 = arith.constant dense<0.000000e+00> : vector<512x512xf32>
      %dot_general3A_22 = tpu.matmul %convert_element_type3A_7, %convert_element_type3A_20, %dot_general3A_21 {dimension_numbers = #tpu.dot_dimension_numbers<[1], [1], [0], [0], [0, 0, 1, 0], [], []>, transpose_lhs_hint = false} : vector<512x1024xbf16>, vector<512x1024xbf16>, vector<512x512xf32> -> vector<512x512xf32>
      %logistic3A = arith.negf %dot_general3A_14 : vector<512x512xf32>
      %logistic3A_23 = math.exp %logistic3A : vector<512x512xf32>
      %logistic3A_24 = arith.constant 1.000000e+00 : f32
      %logistic3A_25 = vector.broadcast %logistic3A_24 : f32 to vector<512x512xf32>
      %logistic3A_26 = arith.addf %logistic3A_25, %logistic3A_23 : vector<512x512xf32>
      %logistic3A_27 = arith.divf %logistic3A_25, %logistic3A_26 : vector<512x512xf32>
      %mul3A_28 = arith.mulf %dot_general3A_14, %logistic3A_27 : vector<512x512xf32>
      %mul3A_29 = arith.mulf %mul3A_28, %dot_general3A_22 : vector<512x512xf32>
      %convert_element_type3A_30 = arith.truncf %mul3A_29 : vector<512x512xf32> to vector<512x512xbf16>
      %get3A_31 = arith.constant 0 : index
      %get3A_32 = arith.constant 0 : index
      %get3A_33 = arith.constant 0 : index
      %get3A_34 = vector.load %arg6[%get3A_31, %get3A_32, %get3A_33] : memref<1x1024x512xf32, #tpu.memory_space<vmem>>, vector<1x1024x512xf32>
      %get3A_35 = vector.shape_cast %get3A_34 : vector<1x1024x512xf32> to vector<1024x512xf32>
      %convert_element_type3A_36 = arith.truncf %get3A_35 : vector<1024x512xf32> to vector<1024x512xbf16>
      %dot_general3A_37 = arith.constant dense<0.000000e+00> : vector<512x1024xf32>
      %dot_general3A_38 = tpu.matmul %convert_element_type3A_30, %convert_element_type3A_36, %dot_general3A_37 {dimension_numbers = #tpu.dot_dimension_numbers<[1], [1], [0], [0], [0, 0, 1, 0], [], []>, transpose_lhs_hint = false} : vector<512x512xbf16>, vector<1024x512xbf16>, vector<512x1024xf32> -> vector<512x1024xf32>
      %swap3A = arith.constant 0 : index
      %swap3A_39 = arith.constant 0 : index
      %swap3A_40 = vector.load %arg7[%swap3A, %swap3A_39] : memref<512x1024xf32, #tpu.memory_space<vmem>>, vector<512x1024xf32>
      tpu.vector_store %arg7[%swap3A, %swap3A_39], %dot_general3A_38 {strides = array<i32>} : memref<512x1024xf32, #tpu.memory_space<vmem>>, vector<512x1024xf32>,
    } else {
    }
    return
  }
  func.func @transform_0(%arg0: i32, %arg1: i32) -> (i32, i32) {
    %c0_i32 = arith.constant 0 : i32
    %c0_i32_0 = arith.constant 0 : i32
    %c0_i32_1 = arith.constant 0 : i32
    return %c0_i32, %c0_i32_0 : i32, i32
  }
  func.func @transform_1(%arg0: i32, %arg1: i32) -> (i32, i32) {
    %mul3A = arith.constant 1 : i32
    %mul3A_0 = arith.muli %arg0, %mul3A : i32
    %add3A = arith.addi %mul3A_0, %arg1 : i32
    %c0_i32 = arith.constant 0 : i32
    %c0_i32_1 = arith.constant 0 : i32
    return %add3A, %c0_i32 : i32, i32
  }
  func.func @transform_2(%arg0: i32, %arg1: i32) -> (i32, i32, i32) {
    %c0_i32 = arith.constant 0 : i32
    %c0_i32_0 = arith.constant 0 : i32
    %c0_i32_1 = arith.constant 0 : i32
    return %arg0, %c0_i32, %c0_i32_0 : i32, i32, i32
  }
  func.func @transform_3(%arg0: i32, %arg1: i32) -> (i32, i32, i32) {
    %c0_i32 = arith.constant 0 : i32
    %c0_i32_0 = arith.constant 0 : i32
    %c0_i32_1 = arith.constant 0 : i32
    return %arg0, %c0_i32, %c0_i32_0 : i32, i32, i32
  }
  func.func @transform_4(%arg0: i32, %arg1: i32) -> (i32, i32, i32) {
    %c0_i32 = arith.constant 0 : i32
    %c0_i32_0 = arith.constant 0 : i32
    %c0_i32_1 = arith.constant 0 : i32
    return %arg0, %c0_i32, %c0_i32_0 : i32, i32, i32
  }
  func.func @transform_5(%arg0: i32, %arg1: i32) -> (i32, i32) {
    %mul3A = arith.constant 1 : i32
    %mul3A_0 = arith.muli %arg0, %mul3A : i32
    %add3A = arith.addi %mul3A_0, %arg1 : i32
    %c0_i32 = arith.constant 0 : i32
    %c0_i32_1 = arith.constant 0 : i32
    return %add3A, %c0_i32 : i32, i32
  }
}

</mosaic_0001>

<sc_bundles>
// kernel: kernel.6.cloned.1.call-start
scs
__scs_entry_jumppad:
0x0: {  	(pc) =	sbr.rel $0x88, $3  }
0x1: {  	(tag) =	ssettag $0x0;
	lr =	simm.s32 $0x1  }
0x2: {  	[smem:$0x3F98] =	sst lr;
	_ =	strace $0xD0000000  }
0x3: {  	_ = 	snop  }
0x4: {  	_ = 	snop  }
0x5: {  	_ = 	snop  }
0x6: {  	_ = 	snop  }
0x7: {  	_ = 	snop  }
__scs_overlays_trampoline_lowered:
0x8: {  	[smem:$0x3FA7] =	sst s0  }
0x9: {  	[smem:$0x3FA8] =	sst s1  }
0xa: {  	[smem:$0x3FA9] =	sst s2  }
0xb: {  	[smem:$0x3FAA] =	sst s3  }
0xc: {  	[smem:$0x3FAB] =	sst s4  }
0xd: {  	[smem:$0x3FAC] =	sst s5  }
0xe: {  	[smem:$0x3FAD] =	sst s6  }
0xf: {  	[smem:$0x3FAE] =	sst s7  }
0x10: {  	[smem:$0x3FAF] =	sst s8  }
0x11: {  	[smem:$0x3FB0] =	sst s9;
	s0 =	simm.s32 @!p0 $0x0  }
0x12: {  	s1 =	sld [smem:$0x3F96];
	s0 =	simm.s32 @p0 $0x1  }
0x13: {  	[smem:$0x3FB1] =	sst s0;
	s0 =	simm.s32 @!p1 $0x0  }
0x14: {  	s2 =	sld [smem:$0x3F95];
	s0 =	simm.s32 @p1 $0x1  }
0x15: {  	[smem:$0x3FB2] =	sst s0;
	s0 =	simm.s32 @!p2 $0x0  }
0x16: {  	s3 =	sld [smem:$0x3FDB];
	s0 =	simm.s32 @p2 $0x1  }
0x17: {  	s4 =	simm.s32 $0x1BF5;
	[smem:$0x3FB4] =	sst s0  }
0x18: {  	s0 =	sld [smem:$0x3F97];
	_ =	swait.ge [sflag:s4], $0x0  }
0x19: {  	s7 =	sld [smem:$0x3F98]  }
0x1a: {  	s8 =	sadd.s32 $0xFFFFE003, lr  }
0x1b: {  	s9 =	sadd.s32 $0xFFFFFEF7, lr;
	s5 =	simm.s32 $0xFFFFFFFF;
	p2 =	slt.u32 s8, $0xFFFFF086  }
0x1c: {  	p1 =	slt.u32 s9, $0xF7A;
	s5 =	simm.s32 @!p2 $0x0  }
0x1d: {  	s5 =	simm.s32 @p1 $0x1;
	p0 =	seq.s32 s7, s2  }
0x1e: {  	s7 =	smul.u32 @!p0 $0xF7A, s2;
	p2 =	seq.s32 @!p0 s5, $0x0  }
0x1f: {  	s9 =	smul.u32 $0xF7A, s1;
	s8 =	simm.s32 @!p0 $0x1BF5;
	p2 =	por !p2, p0  }
0x20: {  	[sflag:s8] =	ssyncset.s32 @!p0 $0xFFFFF086;
	s6 =	sadd.s32 @!p0 s3, s7;
	s7 =	simm.s32 @!p0 $0x108  }
0x21: {  	s3 =	sadd.s32 s3, s9;
	s6 =	sadd.s32 @!p0 $0x88, s6;
	s7 =	simm.s32 @p2 $0x1082  }
0x22: {  	[simem:s7], [sflag:s8] =	dma.local @!p0 [hbm:s6], $0xF7A  }
0x23: {  	s9 =	sor.u32 $0xD0000000, s2;
	s6 =	simm.s32 $0x108;
	_ =	swait.ge @!p0 [sflag:s8], $0x0  }
0x24: {  	s3 =	sadd.s32 $0x88, s3;
	s6 =	simm.s32 @!p1 $0x1082;
	[sflag:s4] =	ssyncset.s32 $0xFFFFF086  }
0x25: {  	[simem:s6], [sflag:s4] =	dma.local [hbm:s3], $0xF7A  }
0x26: {  	[smem:$0x3F98] =	sst s1;
	(tag) =	ssettag s2;
	_ =	strace s9  }
0x27: {  	s1 =	sld [smem:$0x3FA8]  }
0x28: {  	s2 =	sld [smem:$0x3FA9]  }
0x29: {  	s4 =	sld [smem:$0x3FAB]  }
0x2a: {  	p0 =	seq.s32 s5, $0x0;
	s5 =	sld [smem:$0x3FAC]  }
0x2b: {  	s6 =	sld [smem:$0x3FAD]  }
0x2c: {  	s7 =	sld [smem:$0x3FAE]  }
0x2d: {  	s3 =	simm.s32 $0x108;
	s8 =	sld [smem:$0x3FAF]  }
0x2e: {  	s3 =	simm.s32 @!p0 $0x1082;
	s9 =	sld [smem:$0x3FB0]  }
0x2f: {  	lr =	sadd.s32 s0, s3;
	s0 =	sld [smem:$0x3FA7]  }
0x30: {  	s3 =	sld [smem:$0x3FAA]  }
0x31: {  	[smem:$0x3FB3] =	sst s10  }
0x32: {  	s10 =	sld [smem:$0x3FB1];
	_ =	sdelay $0x3  }
0x33: {  	p0 =	seq.s32 s10, $0x1;
	s10 =	sld [smem:$0x3FB3];
	_ =	sdelay $0x3  }
0x34: {  	[smem:$0x3FB3] =	sst s10  }
0x35: {  	s10 =	sld [smem:$0x3FB2];
	_ =	sdelay $0x3  }
0x36: {  	p1 =	seq.s32 s10, $0x1;
	s10 =	sld [smem:$0x3FB3];
	_ =	sdelay $0x3  }
0x37: {  	[smem:$0x3FB3] =	sst s10  }
0x38: {  	s10 =	sld [smem:$0x3FB4]  }
0x39: {  	_ = 	snop;
	(pc) =	sbr.ind lr, $3  }
0x3a: {  	_ = 	snop  }
0x3b: {  	_ = 	snop  }
0x3c: {  	p2 =	seq.s32 s10, $0x1;
	s10 =	sld [smem:$0x3FB3]  }
0x3d: {  	_ =	shalt  }
0x3e: {  	_ =	shalt  }
0x3f: {  	_ =	shalt  }
0x40: {  	_ =	shalt  }
0x41: {  	_ =	shalt  }
0x42: {  	_ =	shalt  }
0x43: {  	_ =	shalt  }
0x44: {  	_ =	shalt  }
0x45: {  	_ =	shalt  }
0x46: {  	_ =	shalt  }
0x47: {  	_ =	shalt  }
0x48: {  	_ =	shalt  }
0x49: {  	_ =	shalt  }
0x4a: {  	_ =	shalt  }
0x4b: {  	_ =	shalt  }
0x4c: {  	_ =	shalt  }
0x4d: {  	_ =	shalt  }
0x4e: {  	_ =	shalt  }
0x4f: {  	_ =	shalt  }
0x50: {  	_ =	shalt  }
0x51: {  	_ =	shalt  }
0x52: {  	_ =	shalt  }
0x53: {  	_ =	shalt  }
0x54: {  	_ =	shalt  }
0x55: {  	_ =	shalt  }
0x56: {  	_ =	shalt  }
0x57: {  	_ =	shalt  }
0x58: {  	_ =	shalt  }
0x59: {  	_ =	shalt  }
0x5a: {  	_ =	shalt  }
0x5b: {  	_ =	shalt  }
0x5c: {  	_ =	shalt  }
0x5d: {  	_ =	shalt  }
0x5e: {  	_ =	shalt  }
0x5f: {  	_ =	shalt  }
0x60: {  	_ =	shalt  }
0x61: {  	_ =	shalt  }
0x62: {  	_ =	shalt  }
0x63: {  	_ =	shalt  }
0x64: {  	_ =	shalt  }
0x65: {  	_ =	shalt  }
0x66: {  	_ =	shalt  }
0x67: {  	_ =	shalt  }
0x68: {  	_ =	shalt  }
0x69: {  	_ =	shalt  }
0x6a: {  	_ =	shalt  }
0x6b: {  	_ =	shalt  }
0x6c: {  	_ =	shalt  }
0x6d: {  	_ =	shalt  }
0x6e: {  	_ =	shalt  }
0x6f: {  	_ =	shalt  }
0x70: {  	_ =	shalt  }
0x71: {  	_ =	shalt  }
0x72: {  	_ =	shalt  }
0x73: {  	_ =	shalt  }
0x74: {  	_ =	shalt  }
0x75: {  	_ =	shalt  }
0x76: {  	_ =	shalt  }
0x77: {  	_ =	shalt  }
0x78: {  	_ =	shalt  }
0x79: {  	_ =	shalt  }
0x7a: {  	_ =	shalt  }
0x7b: {  	_ =	shalt  }
0x7c: {  	_ =	shalt  }
0x7d: {  	_ =	shalt  }
0x7e: {  	_ =	shalt  }
0x7f: {  	_ =	shalt  }
0x80: {  	_ =	shalt  }
0x81: {  	_ =	shalt  }
0x82: {  	_ =	shalt  }
0x83: {  	_ =	shalt  }
0x84: {  	_ =	shalt  }
0x85: {  	_ =	shalt  }
0x86: {  	_ =	shalt  }
0x87: {  	_ =	shalt  }
.Lfunc_end0:
.L_simem_size_0:
called_computation_lowered:
.L_overlay_start_0:
0x88: {  	s2 =	sld [smem:$0x3FD9]  }
0x89: {  	s3 =	sld [smem:$0x3FFE];
	_ =	sdelay $0x1  }
0x8a: {  	s1 =	srdreg.scid  }
0x8b: {  	s0 =	sand.u32 $0x1, s1  }
0x8c: {  	s17 =	sshll.u32 s0, $0xA;
	s2 =	sadd.s32 s3, s2  }
0x8d: {  	s2 =	sadd.s32 s2, s17  }
0x8e: {  	[smem:$0x3FBF] =	sst s2  }
0x8f: {  	_ = 	snop  }
0x90: {  	s2 =	sld [smem:$0x3FC9];
	(tm) =	ssettm $0x1  }
0x91: {  	s18 =	sld [smem:$0x3FFB];
	_ =	sdelay $0x3  }
0x92: {  	_ =	strace s18  }
0x93: {  	s3 =	sld [smem:$0x3FFC];
	_ =	sdelay $0x3  }
0x94: {  	_ =	strace s3  }
0x95: {  	s3 =	sld [smem:$0x3FFD];
	_ =	sdelay $0x3  }
0x96: {  	_ =	strace s3  }
0x97: {  	_ =	strace $0x8FFFFFFF  }
0x98: {  	s19 =	sld [smem:$0x3FDB];
	_ =	sdelay $0x1  }
0x99: {  	s4 =	simm.s32 $_scs_section_size  }
0x9a: {  	s5 =	simm.s32 $_size__tile_overlayer_lowered;
	s6 =	simm.s32 $_tile_overlayer_lowered  }
0x9b: {  	s22 =	simm.s32 $0x1BFF;
	s21 =	sshll.u32 s6, $0x1;
	s3 =	sadd.s32 s4, s19  }
0x9c: {  	s7 =	simm.s32 $0x0;
	s20 =	sshll.u32 s5, $0x1;
	s5 =	sadd.s32 s21, s3  }
0x9d: {  	[timem:s7], [sflag:s22] =	dma.local [hbm:s5], s20  }
0x9e: {  	_ =	swait.ge [sflag:s22], s20  }
0x9f: {  	s4 =	ssub.s32 $0x0, s20;
	[sflag:s22] =	ssyncset.done $0x0  }
0xa0: {  	[sflag:s22] =	ssyncadd.s32 s4;
	_ =	sdelay $0x1  }
0xa1: {  	s23 =	simm.s32 $0x1B8B  }
0xa2: {  	_ =	swait.ge [sflag:s23], $0x1  }
0xa3: {  	[sflag:s23] =	ssyncset.done $0x0  }
0xa4: {  	s25 =	simm.s32 $0x1B8E;
	s24 =	sld [smem:$0x3FFE];
	[sflag:s23] =	ssyncadd.s32 $0xFFFFFFFF  }
0xa5: {  	s26 =	simm.s32 $execute0_lowered;
	[smem:$0x3FD2] =	sst s25  }
0xa6: {  	s5 =	sshll.u32 s26, $0x1;
	_ =	strace $0x80000046;
	[dreg:$0x1] =	wrdreg $0xFFFFFFFF  }
0xa7: {  	s28 =	simm.s32 $_size_execute0_lowered;
	s3 =	sadd.s32 s3, s5;
	[dreg:$0x0] =	wrdreg $0x0  }
0xa8: {  	s5 =	sshll.u32 s28, $0x1;
	[dreg:$0x2] =	wrdreg s3  }
0xa9: {  	[dreg:$0x3] =	wrdreg s5  }
0xaa: {  	[dreg:$0x4] =	wrdreg $0xC0  }
0xab: {  	_ =	task [dreg:s7], $0x5FFFF  }
0xac: {  	[dreg:$0x1] =	wrdreg $0xFFFFFFFF  }
0xad: {  	[dreg:$0x0] =	wrdreg $0x60  }
0xae: {  	[dreg:$0x2] =	wrdreg s2  }
0xaf: {  	[dreg:$0x3] =	wrdreg s24  }
0xb0: {  	[dreg:$0x4] =	wrdreg $0x9  }
0xb1: {  	_ =	task.clear_ibuf [dreg:s7], $0x5FFFF;
	_ =	strace $0x90000046  }
0xb2: {  	s29 =	simm.s32 $0x9;
	_ =	strace $0x80000048  }
0xb3: {  	_ =	swait.ge [sflag:s29], $0x1  }
0xb4: {  	[sflag:s29] =	ssyncadd.s32 $0xFFFFFFFF  }
0xb5: {  	_ =	strace $0x90000048  }
0xb6: {  	_ =	sfence  }
0xb7: {  	s30 =	sld [smem:$0x0];
	_ =	sdelay $0x2  }
0xb8: {  	s31 =	sshll.u32 s1, $0xD;
	s1 =	sshrl.u32 s1, $0x2  }
0xb9: {  	s3 =	sand.u32 $0x4000, s31;
	s1 =	sadd.s32 s1, s30  }
0xba: {  	s0 =	sor.u32 s3, s0;
	s1 =	sshll.u32 s1, $0x11  }
0xbb: {  	s0 =	sor.u32 s1, s0  }
0xbc: {  	s0 =	sadd.s32 $0x8F2B, s0  }
0xbd: {  	[sflag:s0] =	ssyncadd.remote.s32 $0x1  }
0xbe: {  	_ =	sfence.sel $0xFFFF  }
0xbf: {  	[dreg:$0x0] =	wrdreg $0xFFFFFFFF;
	(pc) =	sbr.abs _section_cstart, $3  }
0xc0: {  	[dreg:$0x1] =	wrdreg $0xFFFFFFFF  }
0xc1: {  	_ =	task.clear_ibuf [dreg:s7], $0x2FFFF;
	_ =	strace $0x9FFFFFFF  }
0xc2: {  	(tm) =	ssettm $0x7FFFFFFF  }
0xc3: {  	_ =	shalt  }
tec
execute0_lowered:
.L_overlay_start_1:
0x0: {  	(tag) =	ssettag $0x1  }
0x1: {  	s0 =	srdreg.scid;
	s4 =	rddreg [dreg:$0x0]  }
0x2: {  	s3 =	stileid.u32;
	s7 =	rddreg [dreg:$0x1]  }
0x3: {  	s12 =	simm.s32 $0x2;
	s29 =	simm.s32 $0x3;
	s30 =	simm.s32 $0x1900  }
0x4: {  	s31 =	simm.s32 $0x2100;
	s9 =	simm.s32 $0x9900;
	s10 =	simm.s32 $0xA900  }
0x5: {  	s13 =	simm.s32 $0xB100;
	s14 =	simm.s32 $0xB900;
	s0 =	sand.u32 $0x1, s0  }
0x6: {  	s15 =	simm.s32 $0xC100;
	s16 =	simm.s32 $0xC900;
	s1 =	sor.u32 s3, s0  }
0x7: {  	s17 =	simm.s32 $0xD100;
	p0 =	sne.s32 s3, $0x0;
	p1 =	seq.s32 s1, $0x0  }
0x8: {  	s28 =	simm.s32 $0x80;
	s5 =	sshll.u32 s3, $0x8;
	p1 =	por !p0, !p1  }
0x9: {  	s3 =	sshll.u32 s3, $0xE;
	s1 =	simm.s32 $0x1;
	p1 =	por !p1, !p1  }
0xa: {  	s8 =	sadd.s32 s4, s3;
	s4 =	sadd.s32 $0x41800, s7;
	s1 =	simm.s32 @!p1 $0x0  }
0xb: {  	s21 =	sadd.s32 $0x1000, s8;
	s24 =	sadd.s32 $0x2000, s8;
	s1 =	ssub.s32 s0, s1  }
0xc: {  	s26 =	sadd.s32 $0x3000, s8;
	s2 =	sshll.u32 s1, $0xB;
	s1 =	sshll.u32 s1, $0x7  }
0xd: {  	s0 =	ssub.s32 $0x2, s0;
	s6 =	sand.u32 $0x80, s1;
	s1 =	simm.s32 $0x0  }
0xe: {  	s23 =	sshrl.u32 s0, $0x1;
	s2 =	sand.u32 $0xFFFFF000, s2;
	[smem:$0x7FF] =	sst s1  }
0xf: {  	s2 =	sor.u32 s5, s2;
	_ =	strace $0x80000047;
	[dreg:$0x5] =	wrdreg s21  }
0x10: {  	s0 =	ssub.s32 s0, s23;
	s2 =	sor.u32 s6, s2;
	[dreg:$0x7] =	wrdreg s24  }
0x11: {  	s5 =	sadd.s32 $0x41900, s7;
	[dreg:$0xa] =	wrdreg s8;
	s2 =	sshrl.u32 s2, $0x3  }
0x12: {  	s6 =	sadd.s32 $0x41A00, s7;
	[dreg:$0x9] =	wrdreg s26;
	s18 =	sadd.s32 s2, s7  }
0x13: {  	s8 =	smax.u32 s0, $0x1;
	s21 =	simm.s32 $0x8900;
	s19 =	sadd.s32 $0x41600, s18  }
0x14: {  	s26 =	simm.s32 $0xF900;
	s20 =	sadd.s32 $0x41604, s18;
	[dreg:$0x3] =	wrdreg s19  }
0x15: {  	s2 =	simm.s32 $0x1;
	s22 =	sadd.s32 $0x41608, s18;
	[dreg:$0x4] =	wrdreg s20  }
0x16: {  	v2 =	vlaneseq.u32;
	s7 =	sadd.s32 $0x41B00, s7;
	s25 =	sadd.s32 $0x4160C, s18;
	[dreg:$0x6] =	wrdreg s22  }
0x17: {  	vm0 =	vmmov $0xffff;
	v1 =	vshrl.u32 v2, $0x3;
	s18 =	simm.s32 $0xD900;
	[dreg:$0x8] =	wrdreg s25;
	s22 =	simm.s32 $0x9100  }
0x18: {  	v0 =	vand.u32 $0x7, v2;
	v2 =	vor.u32 $0x8, v2;
	v1 =	vmul.u32 $0x8, v1;
	s19 =	simm.s32 $0xE100;
	s20 =	simm.s32 $0xE900;
	s25 =	simm.s32 $0xF100  }
.LBB2_1:
0x19: {  	s23 =	rddreg [dreg:$0x3]  }
0x1a: {  	[tilespmem:s1], [sflag:$0x1] =	stream.linear.gather [hbm4b:s23+s1], $0x20, $0x38;
	[tilespmem:$0x10100] =	vst v63  }
0x1b: {  	s24 =	rddreg [dreg:$0xa];
	s11 =	simm.s32 $0x100  }
0x1c: {  	[tilespmem:s11], [sflag:$0x2] =	stream.linear.gather [hbm4b:s24+s1], $0x8000, $0x38;
	[tilespmem:$0x10100] =	vst v63  }
0x1d: {  	s0 =	simm.s32 $0x80;
	s23 =	rddreg [dreg:$0x4]  }
0x1e: {  	[tilespmem:s0], [sflag:$0x1] =	stream.linear.gather [hbm4b:s23+s1], $0x20, $0x38;
	[tilespmem:$0x10100] =	vst v63  }
0x1f: {  	s3 =	rddreg [dreg:$0x5];
	s0 =	simm.s32 $0x8100  }
0x20: {  	[tilespmem:s0], [sflag:$0x2] =	stream.linear.gather [hbm4b:s3+s1], $0x8000, $0x38;
	[tilespmem:$0x10100] =	vst v63  }
0x21: {  	_ =	swait.ge [sflag:s2], $0x20  }
0x22: {  	[sflag:s2] =	ssyncset.done $0x0  }
0x23: {  	[sflag:s2] =	ssyncadd.s32 $0xFFFFFFE0  }
0x24: {  	_ =	swait.ge [sflag:s12], $0x8000  }
0x25: {  	[sflag:s12] =	ssyncset.done $0x0  }
0x26: {  	[sflag:s12] =	ssyncadd.s32 $0xFFFF8000  }
0x27: {  	v3 =	vld [tilespmem:$0x0];
	_ =	sdelay $0x4  }
0x28: {  	v4 =	vshll.u32 v3, $0x3  }
0x29: {  	v3 =	vand.u32 $0x7, v3;
	v4 =	vand.u32 $0xFFFFFFC0, v4  }
0x2a: {  	v3 =	vor.u32 v3, v4  }
0x2b: {  	v4 =	vperm.xlane v3, v0;
	_ =	sdelay $0x1  }
0x2c: {  	v4 =	vadd.s32 v1, v4;
	_ =	sdelay $0x4  }
0x2d: {  	[hbm4b:s4+s1] =	stream.indirect_vreg.scatter [tilespmem:s11], [sflag:$0x3], $0x80, v4, vm0, $0xb8;
	[tilespmem:$0x10100] =	vst v63  }
0x2e: {  	s3 =	simm.s32 $0x900;
	v3 =	vperm.xlane v3, v2  }
0x2f: {  	[hbm4b:s5+s1] =	stream.indirect_vreg.scatter [tilespmem:s3], [sflag:$0x3], $0x80, v4, vm0, $0xb8;
	[tilespmem:$0x10100] =	vst v63  }
0x30: {  	s24 =	simm.s32 $0x1100;
	v3 =	vadd.s32 v1, v3  }
0x31: {  	[hbm4b:s6+s1] =	stream.indirect_vreg.scatter [tilespmem:s24], [sflag:$0x3], $0x80, v4, vm0, $0xb8;
	[tilespmem:$0x10100] =	vst v63  }
0x32: {  	_ = 	snop  }
0x33: {  	[hbm4b:s7+s1] =	stream.indirect_vreg.scatter [tilespmem:s30], [sflag:$0x3], $0x80, v4, vm0, $0xb8;
	[tilespmem:$0x10100] =	vst v63  }
0x34: {  	_ = 	snop  }
0x35: {  	[hbm4b:s4+s1] =	stream.indirect_vreg.scatter [tilespmem:s31], [sflag:$0x3], $0x80, v3, vm0, $0xb8;
	[tilespmem:$0x10100] =	vst v63  }
0x36: {  	s23 =	simm.s32 $0x2900  }
0x37: {  	[hbm4b:s5+s1] =	stream.indirect_vreg.scatter [tilespmem:s23], [sflag:$0x3], $0x80, v3, vm0, $0xb8;
	[tilespmem:$0x10100] =	vst v63  }
0x38: {  	s24 =	simm.s32 $0x3100  }
0x39: {  	[hbm4b:s6+s1] =	stream.indirect_vreg.scatter [tilespmem:s24], [sflag:$0x3], $0x80, v3, vm0, $0xb8;
	[tilespmem:$0x10100] =	vst v63  }
0x3a: {  	s23 =	simm.s32 $0x3900  }
0x3b: {  	[hbm4b:s7+s1] =	stream.indirect_vreg.scatter [tilespmem:s23], [sflag:$0x3], $0x80, v3, vm0, $0xb8;
	[tilespmem:$0x10100] =	vst v63  }
0x3c: {  	v3 =	vld [tilespmem:$0x10];
	_ =	sdelay $0x4  }
0x3d: {  	v57 =	vshll.u32 v3, $0x3  }
0x3e: {  	v3 =	vand.u32 $0x7, v3;
	v4 =	vand.u32 $0xFFFFFFC0, v57  }
0x3f: {  	v3 =	vor.u32 v3, v4  }
0x40: {  	v4 =	vperm.xlane v3, v0;
	_ =	sdelay $0x1  }
0x41: {  	v4 =	vadd.s32 v1, v4;
	_ =	sdelay $0x3  }
0x42: {  	s24 =	simm.s32 $0x4100  }
0x43: {  	[hbm4b:s4+s1] =	stream.indirect_vreg.scatter [tilespmem:s24], [sflag:$0x3], $0x80, v4, vm0, $0xb8;
	[tilespmem:$0x10100] =	vst v63  }
0x44: {  	s23 =	simm.s32 $0x4900;
	v3 =	vperm.xlane v3, v2  }
0x45: {  	[hbm4b:s5+s1] =	stream.indirect_vreg.scatter [tilespmem:s23], [sflag:$0x3], $0x80, v4, vm0, $0xb8;
	[tilespmem:$0x10100] =	vst v63  }
0x46: {  	v3 =	vadd.s32 v1, v3;
	s24 =	simm.s32 $0x5100  }
0x47: {  	[hbm4b:s6+s1] =	stream.indirect_vreg.scatter [tilespmem:s24], [sflag:$0x3], $0x80, v4, vm0, $0xb8;
	[tilespmem:$0x10100] =	vst v63  }
0x48: {  	s23 =	simm.s32 $0x5900  }
0x49: {  	[hbm4b:s7+s1] =	stream.indirect_vreg.scatter [tilespmem:s23], [sflag:$0x3], $0x80, v4, vm0, $0xb8;
	[tilespmem:$0x10100] =	vst v63  }
0x4a: {  	s24 =	simm.s32 $0x6100  }
0x4b: {  	[hbm4b:s4+s1] =	stream.indirect_vreg.scatter [tilespmem:s24], [sflag:$0x3], $0x80, v3, vm0, $0xb8;
	[tilespmem:$0x10100] =	vst v63  }
0x4c: {  	s23 =	simm.s32 $0x6900  }
0x4d: {  	[hbm4b:s5+s1] =	stream.indirect_vreg.scatter [tilespmem:s23], [sflag:$0x3], $0x80, v3, vm0, $0xb8;
	[tilespmem:$0x10100] =	vst v63  }
0x4e: {  	s24 =	simm.s32 $0x7100  }
0x4f: {  	[hbm4b:s6+s1] =	stream.indirect_vreg.scatter [tilespmem:s24], [sflag:$0x3], $0x80, v3, vm0, $0xb8;
	[tilespmem:$0x10100] =	vst v63  }
0x50: {  	s23 =	simm.s32 $0x7900  }
0x51: {  	[hbm4b:s7+s1] =	stream.indirect_vreg.scatter [tilespmem:s23], [sflag:$0x3], $0x80, v3, vm0, $0xb8;
	[tilespmem:$0x10100] =	vst v63  }
0x52: {  	_ =	swait.ge [sflag:s29], $0x8000  }
0x53: {  	[sflag:s29] =	ssyncset.done $0x0  }
0x54: {  	s24 =	rddreg [dreg:$0x6];
	[sflag:s29] =	ssyncadd.s32 $0xFFFF8000  }
0x55: {  	[tilespmem:s1], [sflag:$0x1] =	stream.linear.gather [hbm4b:s24+s1], $0x20, $0x38;
	[tilespmem:$0x10100] =	vst v63  }
0x56: {  	s3 =	rddreg [dreg:$0x7]  }
0x57: {  	[tilespmem:s11], [sflag:$0x2] =	stream.linear.gather [hbm4b:s3+s1], $0x8000, $0x38;
	[tilespmem:$0x10100] =	vst v63  }
0x58: {  	_ =	swait.ge [sflag:s2], $0x20  }
0x59: {  	[sflag:s2] =	ssyncset.done $0x0  }
0x5a: {  	[sflag:s2] =	ssyncadd.s32 $0xFFFFFFE0  }
0x5b: {  	_ =	swait.ge [sflag:s12], $0x8000  }
0x5c: {  	[sflag:s12] =	ssyncset.done $0x0  }
0x5d: {  	[sflag:s12] =	ssyncadd.s32 $0xFFFF8000  }
0x5e: {  	v3 =	vld [tilespmem:$0x80];
	_ =	sdelay $0x4  }
0x5f: {  	v58 =	vshll.u32 v3, $0x3  }
0x60: {  	v3 =	vand.u32 $0x7, v3;
	v4 =	vand.u32 $0xFFFFFFC0, v58  }
0x61: {  	v3 =	vor.u32 v3, v4  }
0x62: {  	v4 =	vperm.xlane v3, v0;
	_ =	sdelay $0x1  }
0x63: {  	v4 =	vadd.s32 v1, v4;
	_ =	sdelay $0x4  }
0x64: {  	[hbm4b:s4+s1] =	stream.indirect_vreg.scatter [tilespmem:s0], [sflag:$0x3], $0x80, v4, vm0, $0xb8;
	[tilespmem:$0x10100] =	vst v63  }
0x65: {  	v3 =	vperm.xlane v3, v2  }
0x66: {  	[hbm4b:s5+s1] =	stream.indirect_vreg.scatter [tilespmem:s21], [sflag:$0x3], $0x80, v4, vm0, $0xb8;
	[tilespmem:$0x10100] =	vst v63  }
0x67: {  	v3 =	vadd.s32 v1, v3  }
0x68: {  	[hbm4b:s6+s1] =	stream.indirect_vreg.scatter [tilespmem:s22], [sflag:$0x3], $0x80, v4, vm0, $0xb8;
	[tilespmem:$0x10100] =	vst v63  }
0x69: {  	_ = 	snop  }
0x6a: {  	[hbm4b:s7+s1] =	stream.indirect_vreg.scatter [tilespmem:s9], [sflag:$0x3], $0x80, v4, vm0, $0xb8;
	[tilespmem:$0x10100] =	vst v63  }
0x6b: {  	s3 =	simm.s32 $0xA100  }
0x6c: {  	[hbm4b:s4+s1] =	stream.indirect_vreg.scatter [tilespmem:s3], [sflag:$0x3], $0x80, v3, vm0, $0xb8;
	[tilespmem:$0x10100] =	vst v63  }
0x6d: {  	_ = 	snop  }
0x6e: {  	[hbm4b:s5+s1] =	stream.indirect_vreg.scatter [tilespmem:s10], [sflag:$0x3], $0x80, v3, vm0, $0xb8;
	[tilespmem:$0x10100] =	vst v63  }
0x6f: {  	_ = 	snop  }
0x70: {  	[hbm4b:s6+s1] =	stream.indirect_vreg.scatter [tilespmem:s13], [sflag:$0x3], $0x80, v3, vm0, $0xb8;
	[tilespmem:$0x10100] =	vst v63  }
0x71: {  	_ = 	snop  }
0x72: {  	[hbm4b:s7+s1] =	stream.indirect_vreg.scatter [tilespmem:s14], [sflag:$0x3], $0x80, v3, vm0, $0xb8;
	[tilespmem:$0x10100] =	vst v63  }
0x73: {  	v3 =	vld [tilespmem:$0x90];
	_ =	sdelay $0x4  }
0x74: {  	v59 =	vshll.u32 v3, $0x3  }
0x75: {  	v3 =	vand.u32 $0x7, v3;
	v4 =	vand.u32 $0xFFFFFFC0, v59  }
0x76: {  	v3 =	vor.u32 v3, v4  }
0x77: {  	v4 =	vperm.xlane v3, v0;
	_ =	sdelay $0x1  }
0x78: {  	v4 =	vadd.s32 v1, v4;
	_ =	sdelay $0x4  }
0x79: {  	[hbm4b:s4+s1] =	stream.indirect_vreg.scatter [tilespmem:s15], [sflag:$0x3], $0x80, v4, vm0, $0xb8;
	[tilespmem:$0x10100] =	vst v63  }
0x7a: {  	v3 =	vperm.xlane v3, v2  }
0x7b: {  	[hbm4b:s5+s1] =	stream.indirect_vreg.scatter [tilespmem:s16], [sflag:$0x3], $0x80, v4, vm0, $0xb8;
	[tilespmem:$0x10100] =	vst v63  }
0x7c: {  	v3 =	vadd.s32 v1, v3  }
0x7d: {  	[hbm4b:s6+s1] =	stream.indirect_vreg.scatter [tilespmem:s17], [sflag:$0x3], $0x80, v4, vm0, $0xb8;
	[tilespmem:$0x10100] =	vst v63  }
0x7e: {  	_ = 	snop  }
0x7f: {  	[hbm4b:s7+s1] =	stream.indirect_vreg.scatter [tilespmem:s18], [sflag:$0x3], $0x80, v4, vm0, $0xb8;
	[tilespmem:$0x10100] =	vst v63  }
0x80: {  	_ = 	snop  }
0x81: {  	[hbm4b:s4+s1] =	stream.indirect_vreg.scatter [tilespmem:s19], [sflag:$0x3], $0x80, v3, vm0, $0xb8;
	[tilespmem:$0x10100] =	vst v63  }
0x82: {  	_ = 	snop  }
0x83: {  	[hbm4b:s5+s1] =	stream.indirect_vreg.scatter [tilespmem:s20], [sflag:$0x3], $0x80, v3, vm0, $0xb8;
	[tilespmem:$0x10100] =	vst v63  }
0x84: {  	_ = 	snop  }
0x85: {  	[hbm4b:s6+s1] =	stream.indirect_vreg.scatter [tilespmem:s25], [sflag:$0x3], $0x80, v3, vm0, $0xb8;
	[tilespmem:$0x10100] =	vst v63  }
0x86: {  	_ = 	snop  }
0x87: {  	[hbm4b:s7+s1] =	stream.indirect_vreg.scatter [tilespmem:s26], [sflag:$0x3], $0x80, v3, vm0, $0xb8;
	[tilespmem:$0x10100] =	vst v63  }
0x88: {  	_ =	swait.ge [sflag:s29], $0x8000  }
0x89: {  	[sflag:s29] =	ssyncset.done $0x0  }
0x8a: {  	s23 =	rddreg [dreg:$0x8];
	[sflag:s29] =	ssyncadd.s32 $0xFFFF8000  }
0x8b: {  	[tilespmem:s28], [sflag:$0x1] =	stream.linear.gather [hbm4b:s23+s1], $0x20, $0x38;
	[tilespmem:$0x10100] =	vst v63  }
0x8c: {  	s24 =	rddreg [dreg:$0x9]  }
0x8d: {  	[tilespmem:s0], [sflag:$0x2] =	stream.linear.gather [hbm4b:s24+s1], $0x8000, $0x38;
	[tilespmem:$0x10100] =	vst v63  }
0x8e: {  	_ =	swait.ge [sflag:s2], $0x20  }
0x8f: {  	[sflag:s2] =	ssyncset.done $0x0  }
0x90: {  	[sflag:s2] =	ssyncadd.s32 $0xFFFFFFE0  }
0x91: {  	_ =	swait.ge [sflag:s12], $0x8000  }
0x92: {  	[sflag:s12] =	ssyncset.done $0x0  }
0x93: {  	[sflag:s12] =	ssyncadd.s32 $0xFFFF8000  }
0x94: {  	v3 =	vld [tilespmem:$0x0];
	_ =	sdelay $0x4  }
0x95: {  	v60 =	vshll.u32 v3, $0x3  }
0x96: {  	v3 =	vand.u32 $0x7, v3;
	v4 =	vand.u32 $0xFFFFFFC0, v60  }
0x97: {  	v3 =	vor.u32 v3, v4  }
0x98: {  	v4 =	vperm.xlane v3, v0;
	_ =	sdelay $0x1  }
0x99: {  	v4 =	vadd.s32 v1, v4;
	_ =	sdelay $0x4  }
0x9a: {  	[hbm4b:s4+s1] =	stream.indirect_vreg.scatter [tilespmem:s11], [sflag:$0x3], $0x80, v4, vm0, $0xb8;
	[tilespmem:$0x10100] =	vst v63  }
0x9b: {  	s24 =	simm.s32 $0x900;
	v3 =	vperm.xlane v3, v2  }
0x9c: {  	[hbm4b:s5+s1] =	stream.indirect_vreg.scatter [tilespmem:s24], [sflag:$0x3], $0x80, v4, vm0, $0xb8;
	[tilespmem:$0x10100] =	vst v63  }
0x9d: {  	s23 =	simm.s32 $0x1100;
	v3 =	vadd.s32 v1, v3  }
0x9e: {  	[hbm4b:s6+s1] =	stream.indirect_vreg.scatter [tilespmem:s23], [sflag:$0x3], $0x80, v4, vm0, $0xb8;
	[tilespmem:$0x10100] =	vst v63  }
0x9f: {  	_ = 	snop  }
0xa0: {  	[hbm4b:s7+s1] =	stream.indirect_vreg.scatter [tilespmem:s30], [sflag:$0x3], $0x80, v4, vm0, $0xb8;
	[tilespmem:$0x10100] =	vst v63  }
0xa1: {  	_ = 	snop  }
0xa2: {  	[hbm4b:s4+s1] =	stream.indirect_vreg.scatter [tilespmem:s31], [sflag:$0x3], $0x80, v3, vm0, $0xb8;
	[tilespmem:$0x10100] =	vst v63  }
0xa3: {  	s24 =	simm.s32 $0x2900  }
0xa4: {  	[hbm4b:s5+s1] =	stream.indirect_vreg.scatter [tilespmem:s24], [sflag:$0x3], $0x80, v3, vm0, $0xb8;
	[tilespmem:$0x10100] =	vst v63  }
0xa5: {  	s23 =	simm.s32 $0x3100  }
0xa6: {  	[hbm4b:s6+s1] =	stream.indirect_vreg.scatter [tilespmem:s23], [sflag:$0x3], $0x80, v3, vm0, $0xb8;
	[tilespmem:$0x10100] =	vst v63  }
0xa7: {  	s24 =	simm.s32 $0x3900  }
0xa8: {  	[hbm4b:s7+s1] =	stream.indirect_vreg.scatter [tilespmem:s24], [sflag:$0x3], $0x80, v3, vm0, $0xb8;
	[tilespmem:$0x10100] =	vst v63  }
0xa9: {  	v3 =	vld [tilespmem:$0x10];
	_ =	sdelay $0x4  }
0xaa: {  	v61 =	vshll.u32 v3, $0x3  }
0xab: {  	v3 =	vand.u32 $0x7, v3;
	v4 =	vand.u32 $0xFFFFFFC0, v61  }
0xac: {  	v3 =	vor.u32 v3, v4  }
0xad: {  	v4 =	vperm.xlane v3, v0;
	_ =	sdelay $0x1  }
0xae: {  	v4 =	vadd.s32 v1, v4;
	_ =	sdelay $0x3  }
0xaf: {  	s23 =	simm.s32 $0x4100  }
0xb0: {  	[hbm4b:s4+s1] =	stream.indirect_vreg.scatter [tilespmem:s23], [sflag:$0x3], $0x80, v4, vm0, $0xb8;
	[tilespmem:$0x10100] =	vst v63  }
0xb1: {  	s24 =	simm.s32 $0x4900;
	v3 =	vperm.xlane v3, v2  }
0xb2: {  	[hbm4b:s5+s1] =	stream.indirect_vreg.scatter [tilespmem:s24], [sflag:$0x3], $0x80, v4, vm0, $0xb8;
	[tilespmem:$0x10100] =	vst v63  }
0xb3: {  	v3 =	vadd.s32 v1, v3;
	s23 =	simm.s32 $0x5100  }
0xb4: {  	[hbm4b:s6+s1] =	stream.indirect_vreg.scatter [tilespmem:s23], [sflag:$0x3], $0x80, v4, vm0, $0xb8;
	[tilespmem:$0x10100] =	vst v63  }
0xb5: {  	s24 =	simm.s32 $0x5900  }
0xb6: {  	[hbm4b:s7+s1] =	stream.indirect_vreg.scatter [tilespmem:s24], [sflag:$0x3], $0x80, v4, vm0, $0xb8;
	[tilespmem:$0x10100] =	vst v63  }
0xb7: {  	s23 =	simm.s32 $0x6100  }
0xb8: {  	[hbm4b:s4+s1] =	stream.indirect_vreg.scatter [tilespmem:s23], [sflag:$0x3], $0x80, v3, vm0, $0xb8;
	[tilespmem:$0x10100] =	vst v63  }
0xb9: {  	s24 =	simm.s32 $0x6900  }
0xba: {  	[hbm4b:s5+s1] =	stream.indirect_vreg.scatter [tilespmem:s24], [sflag:$0x3], $0x80, v3, vm0, $0xb8;
	[tilespmem:$0x10100] =	vst v63  }
0xbb: {  	s23 =	simm.s32 $0x7100  }
0xbc: {  	[hbm4b:s6+s1] =	stream.indirect_vreg.scatter [tilespmem:s23], [sflag:$0x3], $0x80, v3, vm0, $0xb8;
	[tilespmem:$0x10100] =	vst v63  }
0xbd: {  	s24 =	simm.s32 $0x7900  }
0xbe: {  	[hbm4b:s7+s1] =	stream.indirect_vreg.scatter [tilespmem:s24], [sflag:$0x3], $0x80, v3, vm0, $0xb8;
	[tilespmem:$0x10100] =	vst v63  }
0xbf: {  	_ =	swait.ge [sflag:s29], $0x8000  }
0xc0: {  	[sflag:s29] =	ssyncset.done $0x0  }
0xc1: {  	[sflag:s29] =	ssyncadd.s32 $0xFFFF8000  }
0xc2: {  	_ =	swait.ge [sflag:s2], $0x20  }
0xc3: {  	[sflag:s2] =	ssyncset.done $0x0  }
0xc4: {  	[sflag:s2] =	ssyncadd.s32 $0xFFFFFFE0  }
0xc5: {  	_ =	swait.ge [sflag:s12], $0x8000  }
0xc6: {  	[sflag:s12] =	ssyncset.done $0x0  }
0xc7: {  	[sflag:s12] =	ssyncadd.s32 $0xFFFF8000  }
0xc8: {  	v3 =	vld [tilespmem:$0x80];
	_ =	sdelay $0x4  }
0xc9: {  	v62 =	vshll.u32 v3, $0x3  }
0xca: {  	v3 =	vand.u32 $0x7, v3;
	v4 =	vand.u32 $0xFFFFFFC0, v62  }
0xcb: {  	v3 =	vor.u32 v3, v4  }
0xcc: {  	v4 =	vperm.xlane v3, v0;
	_ =	sdelay $0x1  }
0xcd: {  	v4 =	vadd.s32 v1, v4;
	_ =	sdelay $0x4  }
0xce: {  	[hbm4b:s4+s1] =	stream.indirect_vreg.scatter [tilespmem:s0], [sflag:$0x3], $0x80, v4, vm0, $0xb8;
	[tilespmem:$0x10100] =	vst v63  }
0xcf: {  	v3 =	vperm.xlane v3, v2  }
0xd0: {  	[hbm4b:s5+s1] =	stream.indirect_vreg.scatter [tilespmem:s21], [sflag:$0x3], $0x80, v4, vm0, $0xb8;
	[tilespmem:$0x10100] =	vst v63  }
0xd1: {  	v3 =	vadd.s32 v1, v3  }
0xd2: {  	[hbm4b:s6+s1] =	stream.indirect_vreg.scatter [tilespmem:s22], [sflag:$0x3], $0x80, v4, vm0, $0xb8;
	[tilespmem:$0x10100] =	vst v63  }
0xd3: {  	_ = 	snop  }
0xd4: {  	[hbm4b:s7+s1] =	stream.indirect_vreg.scatter [tilespmem:s9], [sflag:$0x3], $0x80, v4, vm0, $0xb8;
	[tilespmem:$0x10100] =	vst v63  }
0xd5: {  	_ = 	snop  }
0xd6: {  	[hbm4b:s4+s1] =	stream.indirect_vreg.scatter [tilespmem:s3], [sflag:$0x3], $0x80, v3, vm0, $0xb8;
	[tilespmem:$0x10100] =	vst v63  }
0xd7: {  	_ = 	snop  }
0xd8: {  	[hbm4b:s5+s1] =	stream.indirect_vreg.scatter [tilespmem:s10], [sflag:$0x3], $0x80, v3, vm0, $0xb8;
	[tilespmem:$0x10100] =	vst v63  }
0xd9: {  	_ = 	snop  }
0xda: {  	[hbm4b:s6+s1] =	stream.indirect_vreg.scatter [tilespmem:s13], [sflag:$0x3], $0x80, v3, vm0, $0xb8;
	[tilespmem:$0x10100] =	vst v63  }
0xdb: {  	_ = 	snop  }
0xdc: {  	[hbm4b:s7+s1] =	stream.indirect_vreg.scatter [tilespmem:s14], [sflag:$0x3], $0x80, v3, vm0, $0xb8;
	[tilespmem:$0x10100] =	vst v63  }
0xdd: {  	v3 =	vld [tilespmem:$0x90];
	_ =	sdelay $0x4  }
0xde: {  	v63 =	vshll.u32 v3, $0x3  }
0xdf: {  	v3 =	vand.u32 $0x7, v3;
	v4 =	vand.u32 $0xFFFFFFC0, v63  }
0xe0: {  	v3 =	vor.u32 v3, v4  }
0xe1: {  	v4 =	vperm.xlane v3, v0;
	_ =	sdelay $0x1  }
0xe2: {  	v4 =	vadd.s32 v1, v4;
	_ =	sdelay $0x4  }
0xe3: {  	[hbm4b:s4+s1] =	stream.indirect_vreg.scatter [tilespmem:s15], [sflag:$0x3], $0x80, v4, vm0, $0xb8;
	[tilespmem:$0x10100] =	vst v63  }
0xe4: {  	v3 =	vperm.xlane v3, v2  }
0xe5: {  	[hbm4b:s5+s1] =	stream.indirect_vreg.scatter [tilespmem:s16], [sflag:$0x3], $0x80, v4, vm0, $0xb8;
	[tilespmem:$0x10100] =	vst v63  }
0xe6: {  	v3 =	vadd.s32 v1, v3  }
0xe7: {  	[hbm4b:s6+s1] =	stream.indirect_vreg.scatter [tilespmem:s17], [sflag:$0x3], $0x80, v4, vm0, $0xb8;
	[tilespmem:$0x10100] =	vst v63  }
0xe8: {  	_ = 	snop  }
0xe9: {  	[hbm4b:s7+s1] =	stream.indirect_vreg.scatter [tilespmem:s18], [sflag:$0x3], $0x80, v4, vm0, $0xb8;
	[tilespmem:$0x10100] =	vst v63  }
0xea: {  	_ = 	snop  }
0xeb: {  	[hbm4b:s4+s1] =	stream.indirect_vreg.scatter [tilespmem:s19], [sflag:$0x3], $0x80, v3, vm0, $0xb8;
	[tilespmem:$0x10100] =	vst v63  }
0xec: {  	_ = 	snop  }
0xed: {  	[hbm4b:s5+s1] =	stream.indirect_vreg.scatter [tilespmem:s20], [sflag:$0x3], $0x80, v3, vm0, $0xb8;
	[tilespmem:$0x10100] =	vst v63  }
0xee: {  	p1 =	sne.s32 s8, $0x1  }
0xef: {  	[hbm4b:s6+s1] =	stream.indirect_vreg.scatter [tilespmem:s25], [sflag:$0x3], $0x80, v3, vm0, $0xb8;
	[tilespmem:$0x10100] =	vst v63  }
.Ltmp0:
0xf0: {  	_ = 	snop;
	(pc) =	sbr.rel @p1 .LBB2_1-.Ltmp0, $4  }
0xf1: {  	[hbm4b:s7+s1] =	stream.indirect_vreg.scatter [tilespmem:s26], [sflag:$0x3], $0x80, v3, vm0, $0xb8;
	[tilespmem:$0x10100] =	vst v63  }
0xf2: {  	_ =	swait.ge [sflag:s29], $0x8000  }
0xf3: {  	[sflag:s29] =	ssyncset.done $0x0  }
0xf4: {  	s8 =	sadd.s32 $0xFFFFFFFF, s8;
	[sflag:s29] =	ssyncadd.s32 $0xFFFF8000  }
0xf5: {  	_ =	sfence.sel $0x180000  }
0xf6: {  	[bflag:$0x0] =	sbarrier.arrive $0xFFFF  }
0xf7: {  	_ =	strace $0x90000047  }
0xf8: {  	[bflag:$0x2] =	sbarrier.arrive $0xFFFF  }
0xf9: {  	s0 =	rddreg [dreg:$0x2]  }
0xfa: {  	s0 =	sadd.s32 @!p0 $0x100000, s0  }
0xfb: {  	[sflag:s0] =	ssyncadd.tile.s32 @!p0 $0x1;
	_ =	shalt  }
.Lfunc_end2:
_tile_overlayer_lowered:
.L_overlay_start_2:
0xfc: {  	(tag) =	ssettag $0x2  }
0xfd: {  	s0 =	rddreg [dreg:$0x0];
	s2 =	stileid.u32  }
0xfe: {  	s1 =	rddreg [dreg:$0x1];
	p0 =	sne.s32 s2, $0x0  }
0xff: {  	s3 =	rddreg [dreg:$0x2];
	[bflag:$0x3] =	sbarrier.arrive $0xFFFF;
	s2 =	simm.s32 @!p0 $0x1C03  }
0x100: {  	[timem:s3], [sflag:s2] =	dma.local @!p0 [hbm:s0], s1  }
0x101: {  	s0 =	simm.s32 @!p0 $0x3  }
0x102: {  	_ =	swait.ge @!p0 [sflag:s0], s1  }
0x103: {  	s1 =	ssub.s32 @!p0 $0x0, s1;
	[sflag:s0] =	ssyncset.done @!p0 $0x0  }
0x104: {  	[sflag:s0] =	ssyncadd.s32 @!p0 s1  }
0x105: {  	[bflag:$0x3] =	sbarrier.arrive $0xFFFF  }
0x106: {  	_ =	shalt  }

// kernel: kernel.9.cloned.1.call-start
scs
__scs_entry_jumppad:
0x0: {  	(pc) =	sbr.rel $0x88, $3  }
0x1: {  	(tag) =	ssettag $0x0;
	lr =	simm.s32 $0x1  }
0x2: {  	[smem:$0x3F98] =	sst lr;
	_ =	strace $0xD0000000  }
0x3: {  	_ = 	snop  }
0x4: {  	_ = 	snop  }
0x5: {  	_ = 	snop  }
0x6: {  	_ = 	snop  }
0x7: {  	_ = 	snop  }
__scs_overlays_trampoline_lowered:
0x8: {  	[smem:$0x3FA7] =	sst s0  }
0x9: {  	[smem:$0x3FA8] =	sst s1  }
0xa: {  	[smem:$0x3FA9] =	sst s2  }
0xb: {  	[smem:$0x3FAA] =	sst s3  }
0xc: {  	[smem:$0x3FAB] =	sst s4  }
0xd: {  	[smem:$0x3FAC] =	sst s5  }
0xe: {  	[smem:$0x3FAD] =	sst s6  }
0xf: {  	[smem:$0x3FAE] =	sst s7  }
0x10: {  	[smem:$0x3FAF] =	sst s8  }
0x11: {  	[smem:$0x3FB0] =	sst s9;
	s0 =	simm.s32 @!p0 $0x0  }
0x12: {  	s1 =	sld [smem:$0x3F96];
	s0 =	simm.s32 @p0 $0x1  }
0x13: {  	[smem:$0x3FB1] =	sst s0;
	s0 =	simm.s32 @!p1 $0x0  }
0x14: {  	s2 =	sld [smem:$0x3F95];
	s0 =	simm.s32 @p1 $0x1  }
0x15: {  	[smem:$0x3FB2] =	sst s0;
	s0 =	simm.s32 @!p2 $0x0  }
0x16: {  	s3 =	sld [smem:$0x3FDB];
	s0 =	simm.s32 @p2 $0x1  }
0x17: {  	s4 =	simm.s32 $0x1BF5;
	[smem:$0x3FB4] =	sst s0  }
0x18: {  	s0 =	sld [smem:$0x3F97];
	_ =	swait.ge [sflag:s4], $0x0  }
0x19: {  	s7 =	sld [smem:$0x3F98]  }
0x1a: {  	s8 =	sadd.s32 $0xFFFFE003, lr  }
0x1b: {  	s9 =	sadd.s32 $0xFFFFFEF7, lr;
	s5 =	simm.s32 $0xFFFFFFFF;
	p2 =	slt.u32 s8, $0xFFFFF086  }
0x1c: {  	p1 =	slt.u32 s9, $0xF7A;
	s5 =	simm.s32 @!p2 $0x0  }
0x1d: {  	s5 =	simm.s32 @p1 $0x1;
	p0 =	seq.s32 s7, s2  }
0x1e: {  	s7 =	smul.u32 @!p0 $0xF7A, s2;
	p2 =	seq.s32 @!p0 s5, $0x0  }
0x1f: {  	s9 =	smul.u32 $0xF7A, s1;
	s8 =	simm.s32 @!p0 $0x1BF5;
	p2 =	por !p2, p0  }
0x20: {  	[sflag:s8] =	ssyncset.s32 @!p0 $0xFFFFF086;
	s6 =	sadd.s32 @!p0 s3, s7;
	s7 =	simm.s32 @!p0 $0x108  }
0x21: {  	s3 =	sadd.s32 s3, s9;
	s6 =	sadd.s32 @!p0 $0x88, s6;
	s7 =	simm.s32 @p2 $0x1082  }
0x22: {  	[simem:s7], [sflag:s8] =	dma.local @!p0 [hbm:s6], $0xF7A  }
0x23: {  	s9 =	sor.u32 $0xD0000000, s2;
	s6 =	simm.s32 $0x108;
	_ =	swait.ge @!p0 [sflag:s8], $0x0  }
0x24: {  	s3 =	sadd.s32 $0x88, s3;
	s6 =	simm.s32 @!p1 $0x1082;
	[sflag:s4] =	ssyncset.s32 $0xFFFFF086  }
0x25: {  	[simem:s6], [sflag:s4] =	dma.local [hbm:s3], $0xF7A  }
0x26: {  	[smem:$0x3F98] =	sst s1;
	(tag) =	ssettag s2;
	_ =	strace s9  }
0x27: {  	s1 =	sld [smem:$0x3FA8]  }
0x28: {  	s2 =	sld [smem:$0x3FA9]  }
0x29: {  	s4 =	sld [smem:$0x3FAB]  }
0x2a: {  	p0 =	seq.s32 s5, $0x0;
	s5 =	sld [smem:$0x3FAC]  }
0x2b: {  	s6 =	sld [smem:$0x3FAD]  }
0x2c: {  	s7 =	sld [smem:$0x3FAE]  }
0x2d: {  	s3 =	simm.s32 $0x108;
	s8 =	sld [smem:$0x3FAF]  }
0x2e: {  	s3 =	simm.s32 @!p0 $0x1082;
	s9 =	sld [smem:$0x3FB0]  }
0x2f: {  	lr =	sadd.s32 s0, s3;
	s0 =	sld [smem:$0x3FA7]  }
0x30: {  	s3 =	sld [smem:$0x3FAA]  }
0x31: {  	[smem:$0x3FB3] =	sst s10  }
0x32: {  	s10 =	sld [smem:$0x3FB1];
	_ =	sdelay $0x3  }
0x33: {  	p0 =	seq.s32 s10, $0x1;
	s10 =	sld [smem:$0x3FB3];
	_ =	sdelay $0x3  }
0x34: {  	[smem:$0x3FB3] =	sst s10  }
0x35: {  	s10 =	sld [smem:$0x3FB2];
	_ =	sdelay $0x3  }
0x36: {  	p1 =	seq.s32 s10, $0x1;
	s10 =	sld [smem:$0x3FB3];
	_ =	sdelay $0x3  }
0x37: {  	[smem:$0x3FB3] =	sst s10  }
0x38: {  	s10 =	sld [smem:$0x3FB4]  }
0x39: {  	_ = 	snop;
	(pc) =	sbr.ind lr, $3  }
0x3a: {  	_ = 	snop  }
0x3b: {  	_ = 	snop  }
0x3c: {  	p2 =	seq.s32 s10, $0x1;
	s10 =	sld [smem:$0x3FB3]  }
0x3d: {  	_ =	shalt  }
0x3e: {  	_ =	shalt  }
0x3f: {  	_ =	shalt  }
0x40: {  	_ =	shalt  }
0x41: {  	_ =	shalt  }
0x42: {  	_ =	shalt  }
0x43: {  	_ =	shalt  }
0x44: {  	_ =	shalt  }
0x45: {  	_ =	shalt  }
0x46: {  	_ =	shalt  }
0x47: {  	_ =	shalt  }
0x48: {  	_ =	shalt  }
0x49: {  	_ =	shalt  }
0x4a: {  	_ =	shalt  }
0x4b: {  	_ =	shalt  }
0x4c: {  	_ =	shalt  }
0x4d: {  	_ =	shalt  }
0x4e: {  	_ =	shalt  }
0x4f: {  	_ =	shalt  }
0x50: {  	_ =	shalt  }
0x51: {  	_ =	shalt  }
0x52: {  	_ =	shalt  }
0x53: {  	_ =	shalt  }
0x54: {  	_ =	shalt  }
0x55: {  	_ =	shalt  }
0x56: {  	_ =	shalt  }
0x57: {  	_ =	shalt  }
0x58: {  	_ =	shalt  }
0x59: {  	_ =	shalt  }
0x5a: {  	_ =	shalt  }
0x5b: {  	_ =	shalt  }
0x5c: {  	_ =	shalt  }
0x5d: {  	_ =	shalt  }
0x5e: {  	_ =	shalt  }
0x5f: {  	_ =	shalt  }
0x60: {  	_ =	shalt  }
0x61: {  	_ =	shalt  }
0x62: {  	_ =	shalt  }
0x63: {  	_ =	shalt  }
0x64: {  	_ =	shalt  }
0x65: {  	_ =	shalt  }
0x66: {  	_ =	shalt  }
0x67: {  	_ =	shalt  }
0x68: {  	_ =	shalt  }
0x69: {  	_ =	shalt  }
0x6a: {  	_ =	shalt  }
0x6b: {  	_ =	shalt  }
0x6c: {  	_ =	shalt  }
0x6d: {  	_ =	shalt  }
0x6e: {  	_ =	shalt  }
0x6f: {  	_ =	shalt  }
0x70: {  	_ =	shalt  }
0x71: {  	_ =	shalt  }
0x72: {  	_ =	shalt  }
0x73: {  	_ =	shalt  }
0x74: {  	_ =	shalt  }
0x75: {  	_ =	shalt  }
0x76: {  	_ =	shalt  }
0x77: {  	_ =	shalt  }
0x78: {  	_ =	shalt  }
0x79: {  	_ =	shalt  }
0x7a: {  	_ =	shalt  }
0x7b: {  	_ =	shalt  }
0x7c: {  	_ =	shalt  }
0x7d: {  	_ =	shalt  }
0x7e: {  	_ =	shalt  }
0x7f: {  	_ =	shalt  }
0x80: {  	_ =	shalt  }
0x81: {  	_ =	shalt  }
0x82: {  	_ =	shalt  }
0x83: {  	_ =	shalt  }
0x84: {  	_ =	shalt  }
0x85: {  	_ =	shalt  }
0x86: {  	_ =	shalt  }
0x87: {  	_ =	shalt  }
.Lfunc_end0:
.L_simem_size_0:
called_computation.1_lowered:
.L_overlay_start_0:
0x88: {  	s2 =	sld [smem:$0x3FD9]  }
0x89: {  	s3 =	sld [smem:$0x3FFE];
	_ =	sdelay $0x1  }
0x8a: {  	s1 =	srdreg.scid  }
0x8b: {  	s0 =	sand.u32 $0x1, s1  }
0x8c: {  	s17 =	sshll.u32 s0, $0xA;
	s2 =	sadd.s32 s3, s2  }
0x8d: {  	s2 =	sadd.s32 s2, s17  }
0x8e: {  	[smem:$0x3FBF] =	sst s2  }
0x8f: {  	_ = 	snop  }
0x90: {  	s2 =	sld [smem:$0x3FD0];
	(tm) =	ssettm $0x1  }
0x91: {  	s18 =	sld [smem:$0x3FFB];
	_ =	sdelay $0x3  }
0x92: {  	_ =	strace s18  }
0x93: {  	s3 =	sld [smem:$0x3FFC];
	_ =	sdelay $0x3  }
0x94: {  	_ =	strace s3  }
0x95: {  	s3 =	sld [smem:$0x3FFD];
	_ =	sdelay $0x3  }
0x96: {  	_ =	strace s3  }
0x97: {  	_ =	strace $0x8FFFFFFF  }
0x98: {  	s19 =	sld [smem:$0x3FDB];
	_ =	sdelay $0x1  }
0x99: {  	s4 =	simm.s32 $_scs_section_size  }
0x9a: {  	s5 =	simm.s32 $_size__tile_overlayer_lowered;
	s6 =	simm.s32 $_tile_overlayer_lowered  }
0x9b: {  	s22 =	simm.s32 $0x1BFF;
	s21 =	sshll.u32 s6, $0x1;
	s3 =	sadd.s32 s4, s19  }
0x9c: {  	s7 =	simm.s32 $0x0;
	s20 =	sshll.u32 s5, $0x1;
	s5 =	sadd.s32 s21, s3  }
0x9d: {  	[timem:s7], [sflag:s22] =	dma.local [hbm:s5], s20  }
0x9e: {  	_ =	swait.ge [sflag:s22], s20  }
0x9f: {  	s4 =	ssub.s32 $0x0, s20;
	[sflag:s22] =	ssyncset.done $0x0  }
0xa0: {  	[sflag:s22] =	ssyncadd.s32 s4;
	_ =	sdelay $0x1  }
0xa1: {  	s23 =	simm.s32 $0x1B8B  }
0xa2: {  	_ =	swait.ge [sflag:s23], $0x1  }
0xa3: {  	[sflag:s23] =	ssyncset.done $0x0  }
0xa4: {  	s25 =	simm.s32 $0x1B8E;
	s24 =	sld [smem:$0x3FFE];
	[sflag:s23] =	ssyncadd.s32 $0xFFFFFFFF  }
0xa5: {  	s26 =	simm.s32 $execute0_lowered;
	[smem:$0x3FD2] =	sst s25  }
0xa6: {  	s5 =	sshll.u32 s26, $0x1;
	_ =	strace $0x80000049;
	[dreg:$0x1] =	wrdreg $0xFFFFFFFF  }
0xa7: {  	s28 =	simm.s32 $_size_execute0_lowered;
	s3 =	sadd.s32 s3, s5;
	[dreg:$0x0] =	wrdreg $0x0  }
0xa8: {  	s5 =	sshll.u32 s28, $0x1;
	[dreg:$0x2] =	wrdreg s3  }
0xa9: {  	[dreg:$0x3] =	wrdreg s5  }
0xaa: {  	[dreg:$0x4] =	wrdreg $0xC0  }
0xab: {  	_ =	task [dreg:s7], $0x5FFFF  }
0xac: {  	[dreg:$0x1] =	wrdreg $0xFFFFFFFF  }
0xad: {  	[dreg:$0x0] =	wrdreg $0x60  }
0xae: {  	[dreg:$0x2] =	wrdreg s24  }
0xaf: {  	[dreg:$0x3] =	wrdreg s2  }
0xb0: {  	[dreg:$0x4] =	wrdreg $0x9  }
0xb1: {  	_ =	task.clear_ibuf [dreg:s7], $0x5FFFF;
	_ =	strace $0x90000049  }
0xb2: {  	s29 =	simm.s32 $0x9;
	_ =	strace $0x8000004B  }
0xb3: {  	_ =	swait.ge [sflag:s29], $0x1  }
0xb4: {  	[sflag:s29] =	ssyncadd.s32 $0xFFFFFFFF  }
0xb5: {  	_ =	strace $0x9000004B  }
0xb6: {  	_ =	sfence  }
0xb7: {  	s30 =	sld [smem:$0x0];
	_ =	sdelay $0x2  }
0xb8: {  	s31 =	sshll.u32 s1, $0xD;
	s1 =	sshrl.u32 s1, $0x2  }
0xb9: {  	s3 =	sand.u32 $0x4000, s31;
	s1 =	sadd.s32 s1, s30  }
0xba: {  	s0 =	sor.u32 s3, s0;
	s1 =	sshll.u32 s1, $0x11  }
0xbb: {  	s0 =	sor.u32 s1, s0  }
0xbc: {  	s0 =	sadd.s32 $0x8F2B, s0  }
0xbd: {  	[sflag:s0] =	ssyncadd.remote.s32 $0x1  }
0xbe: {  	_ =	sfence.sel $0xFFFF  }
0xbf: {  	[dreg:$0x0] =	wrdreg $0xFFFFFFFF;
	(pc) =	sbr.abs _section_cstart, $3  }
0xc0: {  	[dreg:$0x1] =	wrdreg $0xFFFFFFFF  }
0xc1: {  	_ =	task.clear_ibuf [dreg:s7], $0x2FFFF;
	_ =	strace $0x9FFFFFFF  }
0xc2: {  	(tm) =	ssettm $0x7FFFFFFF  }
0xc3: {  	_ =	shalt  }
tec
execute0_lowered:
.L_overlay_start_1:
0x0: {  	(tag) =	ssettag $0x1  }
0x1: {  	s0 =	rddreg [dreg:$0x0]  }
0x2: {  	s1 =	rddreg [dreg:$0x1]  }
0x3: {  	s2 =	srdreg.scid;
	s5 =	stileid.u32;
	s16 =	simm.s32 $0x3  }
0x4: {  	s13 =	simm.s32 $0x17900;
	s14 =	simm.s32 $0x18900;
	s15 =	simm.s32 $0x19900  }
0x5: {  	s28 =	simm.s32 $0x4100;
	s29 =	simm.s32 $0x1;
	s30 =	simm.s32 $0x2  }
0x6: {  	s31 =	simm.s32 $0x0;
	s4 =	sand.u32 $0x1, s2;
	s2 =	simm.s32 $0x0  }
0x7: {  	s5 =	sshll.u32 s5, $0x6;
	s8 =	sadd.s32 $0x41600, s0;
	s11 =	sadd.s32 $0x1600, s0  }
0x8: {  	s3 =	sshll.u32 s4, $0xA;
	[smem:$0x7FF] =	sst s2;
	s4 =	ssub.s32 $0x2, s4  }
0x9: {  	s6 =	sor.u32 s5, s3;
	_ =	strace $0x8000004A;
	s3 =	sadd.s32 $0x151800, s0  }
0xa: {  	s5 =	sand.u32 $0x40, s5;
	s12 =	sshrl.u32 s4, $0x1;
	s7 =	sshll.u32 s6, $0x4  }
0xb: {  	s18 =	sshll.u32 s6, $0x1;
	s4 =	ssub.s32 s4, s12;
	s21 =	sshll.u32 s6, $0x7  }
0xc: {  	s12 =	simm.s32 $0x16900;
	s9 =	sadd.s32 s7, s0;
	s10 =	sand.u32 $0xF00, s18  }
0xd: {  	s7 =	sor.u32 s5, s18;
	s23 =	sor.u32 $0x1000, s21;
	s24 =	sadd.s32 s11, s21  }
0xe: {  	s26 =	smax.u32 s4, $0x1;
	s5 =	sor.u32 s5, s10;
	s7 =	sshrl.u32 s7, $0x3  }
0xf: {  	s20 =	sadd.s32 $0x41800, s9;
	s22 =	sadd.s32 $0x49800, s9;
	[dreg:$0x7] =	wrdreg s24  }
0x10: {  	s10 =	sadd.s32 $0x151B00, s0;
	s25 =	sadd.s32 s11, s23;
	[dreg:$0xb] =	wrdreg s26  }
0x11: {  	s9 =	simm.s32 $0xC100;
	s11 =	simm.s32 $0x16100;
	[dreg:$0x5] =	wrdreg s20  }
0x12: {  	s24 =	simm.s32 $0x1A900;
	s26 =	simm.s32 $0x1B900;
	[dreg:$0x6] =	wrdreg s22  }
0x13: {  	s5 =	sshrl.u32 s5, $0x3;
	s7 =	sor.u32 $0x10, s7;
	[dreg:$0x9] =	wrdreg s25  }
0x14: {  	s20 =	simm.s32 $0x17100;
	s22 =	simm.s32 $0x19100;
	s5 =	sadd.s32 s8, s5  }
0x15: {  	s19 =	sadd.s32 s8, s7;
	s7 =	sadd.s32 $0x151900, s0;
	[dreg:$0x3] =	wrdreg s5  }
0x16: {  	v2 =	vlaneseq.u32;
	s8 =	sadd.s32 $0x151A00, s0;
	s0 =	sadd.s32 s1, s23;
	[dreg:$0x4] =	wrdreg s19  }
0x17: {  	vm0 =	vmmov $0xffff;
	v1 =	vshrl.u32 v2, $0x3;
	s25 =	simm.s32 $0x1B100;
	s5 =	sadd.s32 s1, s21;
	[dreg:$0xa] =	wrdreg s0  }
0x18: {  	v0 =	vand.u32 $0x7, v2;
	v2 =	vor.u32 $0x8, v2;
	v1 =	vmul.u32 $0x8, v1;
	s23 =	simm.s32 $0x1A100;
	s21 =	simm.s32 $0x18100;
	[dreg:$0x8] =	wrdreg s5  }
.LBB2_1:
0x19: {  	s0 =	rddreg [dreg:$0x3]  }
0x1a: {  	[tilespmem:s2], [sflag:$0x3] =	stream.linear.gather [hbm4b:s0+s2], $0x40, $0x38;
	[tilespmem:$0x1C100] =	vst v63  }
0x1b: {  	_ =	swait.ge [sflag:s16], $0x40  }
0x1c: {  	[sflag:s16] =	ssyncset.done $0x0  }
0x1d: {  	s1 =	simm.s32 $0x80;
	s5 =	rddreg [dreg:$0x4];
	[sflag:s16] =	ssyncadd.s32 $0xFFFFFFC0  }
0x1e: {  	[tilespmem:s1], [sflag:$0x3] =	stream.linear.gather [hbm4b:s5+s2], $0x40, $0x38;
	[tilespmem:$0x1C100] =	vst v63  }
0x1f: {  	_ =	swait.ge [sflag:s16], $0x40  }
0x20: {  	[sflag:s16] =	ssyncset.done $0x0  }
0x21: {  	s17 =	simm.s32 $0x100;
	s6 =	rddreg [dreg:$0x5];
	[sflag:s16] =	ssyncadd.s32 $0xFFFFFFC0  }
0x22: {  	[tilespmem:s17], [sflag:$0x3] =	stream.linear.gather [hbm4b:s6+s2], $0x2000, $0x38;
	[tilespmem:$0x1C100] =	vst v63  }
0x23: {  	_ =	swait.ge [sflag:s16], $0x2000  }
0x24: {  	[sflag:s16] =	ssyncset.done $0x0  }
0x25: {  	s19 =	simm.s32 $0x2100;
	s18 =	rddreg [dreg:$0x6];
	[sflag:s16] =	ssyncadd.s32 $0xFFFFE000  }
0x26: {  	[tilespmem:s19], [sflag:$0x3] =	stream.linear.gather [hbm4b:s18+s2], $0x2000, $0x38;
	[tilespmem:$0x1C100] =	vst v63  }
0x27: {  	_ =	swait.ge [sflag:s16], $0x2000  }
0x28: {  	[sflag:s16] =	ssyncset.done $0x0  }
0x29: {  	[sflag:s16] =	ssyncadd.s32 $0xFFFFE000  }
0x2a: {  	v3 =	vld [tilespmem:$0x0];
	_ =	sdelay $0x4  }
0x2b: {  	v4 =	vshll.u32 v3, $0x3  }
0x2c: {  	v3 =	vand.u32 $0x7, v3;
	v4 =	vand.u32 $0xFFFFFFC0, v4  }
0x2d: {  	v3 =	vor.u32 v3, v4  }
0x2e: {  	v4 =	vperm.xlane v3, v0;
	_ =	sdelay $0x1  }
0x2f: {  	v4 =	vadd.s32 v1, v4;
	_ =	sdelay $0x4  }
0x30: {  	[tilespmem:s9], [sflag:$0x1] =	stream.indirect_vreg.gather [hbm4b:s3+s2], $0x80, v4, vm0, $0xb8;
	[tilespmem:$0x1C100] =	vst v63  }
0x31: {  	s4 =	simm.s32 $0xC900;
	v3 =	vperm.xlane v3, v2  }
0x32: {  	[tilespmem:s4], [sflag:$0x1] =	stream.indirect_vreg.gather [hbm4b:s7+s2], $0x80, v4, vm0, $0xb8;
	[tilespmem:$0x1C100] =	vst v63  }
0x33: {  	s5 =	simm.s32 $0xD100;
	v3 =	vadd.s32 v1, v3  }
0x34: {  	[tilespmem:s5], [sflag:$0x1] =	stream.indirect_vreg.gather [hbm4b:s8+s2], $0x80, v4, vm0, $0xb8;
	[tilespmem:$0x1C100] =	vst v63  }
0x35: {  	s6 =	simm.s32 $0xD900  }
0x36: {  	[tilespmem:s6], [sflag:$0x1] =	stream.indirect_vreg.gather [hbm4b:s10+s2], $0x80, v4, vm0, $0xb8;
	[tilespmem:$0x1C100] =	vst v63  }
0x37: {  	s17 =	simm.s32 $0xE100  }
0x38: {  	[tilespmem:s17], [sflag:$0x1] =	stream.indirect_vreg.gather [hbm4b:s3+s2], $0x80, v3, vm0, $0xb8;
	[tilespmem:$0x1C100] =	vst v63  }
0x39: {  	s18 =	simm.s32 $0xE900  }
0x3a: {  	[tilespmem:s18], [sflag:$0x1] =	stream.indirect_vreg.gather [hbm4b:s7+s2], $0x80, v3, vm0, $0xb8;
	[tilespmem:$0x1C100] =	vst v63  }
0x3b: {  	s19 =	simm.s32 $0xF100  }
0x3c: {  	[tilespmem:s19], [sflag:$0x1] =	stream.indirect_vreg.gather [hbm4b:s8+s2], $0x80, v3, vm0, $0xb8;
	[tilespmem:$0x1C100] =	vst v63  }
0x3d: {  	s1 =	simm.s32 $0xF900  }
0x3e: {  	[tilespmem:s1], [sflag:$0x1] =	stream.indirect_vreg.gather [hbm4b:s10+s2], $0x80, v3, vm0, $0xb8;
	[tilespmem:$0x1C100] =	vst v63  }
0x3f: {  	v3 =	vld [tilespmem:$0x10];
	_ =	sdelay $0x4  }
0x40: {  	v61 =	vshll.u32 v3, $0x3  }
0x41: {  	v3 =	vand.u32 $0x7, v3;
	v4 =	vand.u32 $0xFFFFFFC0, v61  }
0x42: {  	v3 =	vor.u32 v3, v4  }
0x43: {  	v4 =	vperm.xlane v3, v0;
	_ =	sdelay $0x1  }
0x44: {  	v4 =	vadd.s32 v1, v4;
	_ =	sdelay $0x3  }
0x45: {  	s4 =	simm.s32 $0x10100  }
0x46: {  	[tilespmem:s4], [sflag:$0x1] =	stream.indirect_vreg.gather [hbm4b:s3+s2], $0x80, v4, vm0, $0xb8;
	[tilespmem:$0x1C100] =	vst v63  }
0x47: {  	s5 =	simm.s32 $0x10900;
	v3 =	vperm.xlane v3, v2  }
0x48: {  	[tilespmem:s5], [sflag:$0x1] =	stream.indirect_vreg.gather [hbm4b:s7+s2], $0x80, v4, vm0, $0xb8;
	[tilespmem:$0x1C100] =	vst v63  }
0x49: {  	s6 =	simm.s32 $0x11100;
	v3 =	vadd.s32 v1, v3  }
0x4a: {  	[tilespmem:s6], [sflag:$0x1] =	stream.indirect_vreg.gather [hbm4b:s8+s2], $0x80, v4, vm0, $0xb8;
	[tilespmem:$0x1C100] =	vst v63  }
0x4b: {  	s17 =	simm.s32 $0x11900  }
0x4c: {  	[tilespmem:s17], [sflag:$0x1] =	stream.indirect_vreg.gather [hbm4b:s10+s2], $0x80, v4, vm0, $0xb8;
	[tilespmem:$0x1C100] =	vst v63  }
0x4d: {  	s18 =	simm.s32 $0x12100  }
0x4e: {  	[tilespmem:s18], [sflag:$0x1] =	stream.indirect_vreg.gather [hbm4b:s3+s2], $0x80, v3, vm0, $0xb8;
	[tilespmem:$0x1C100] =	vst v63  }
0x4f: {  	s19 =	simm.s32 $0x12900  }
0x50: {  	[tilespmem:s19], [sflag:$0x1] =	stream.indirect_vreg.gather [hbm4b:s7+s2], $0x80, v3, vm0, $0xb8;
	[tilespmem:$0x1C100] =	vst v63  }
0x51: {  	s1 =	simm.s32 $0x13100  }
0x52: {  	[tilespmem:s1], [sflag:$0x1] =	stream.indirect_vreg.gather [hbm4b:s8+s2], $0x80, v3, vm0, $0xb8;
	[tilespmem:$0x1C100] =	vst v63  }
0x53: {  	s4 =	simm.s32 $0x13900  }
0x54: {  	[tilespmem:s4], [sflag:$0x1] =	stream.indirect_vreg.gather [hbm4b:s10+s2], $0x80, v3, vm0, $0xb8;
	[tilespmem:$0x1C100] =	vst v63  }
0x55: {  	v3 =	vld [tilespmem:$0x80];
	_ =	sdelay $0x4  }
0x56: {  	v62 =	vshll.u32 v3, $0x3  }
0x57: {  	v3 =	vand.u32 $0x7, v3;
	v4 =	vand.u32 $0xFFFFFFC0, v62  }
0x58: {  	v3 =	vor.u32 v3, v4  }
0x59: {  	v4 =	vperm.xlane v3, v0;
	_ =	sdelay $0x1  }
0x5a: {  	v4 =	vadd.s32 v1, v4;
	_ =	sdelay $0x3  }
0x5b: {  	s5 =	simm.s32 $0x14100  }
0x5c: {  	[tilespmem:s5], [sflag:$0x2] =	stream.indirect_vreg.gather [hbm4b:s3+s2], $0x80, v4, vm0, $0xb8;
	[tilespmem:$0x1C100] =	vst v63  }
0x5d: {  	s6 =	simm.s32 $0x14900;
	v3 =	vperm.xlane v3, v2  }
0x5e: {  	[tilespmem:s6], [sflag:$0x2] =	stream.indirect_vreg.gather [hbm4b:s7+s2], $0x80, v4, vm0, $0xb8;
	[tilespmem:$0x1C100] =	vst v63  }
0x5f: {  	s17 =	simm.s32 $0x15100;
	v3 =	vadd.s32 v1, v3  }
0x60: {  	[tilespmem:s17], [sflag:$0x2] =	stream.indirect_vreg.gather [hbm4b:s8+s2], $0x80, v4, vm0, $0xb8;
	[tilespmem:$0x1C100] =	vst v63  }
0x61: {  	s18 =	simm.s32 $0x15900  }
0x62: {  	[tilespmem:s18], [sflag:$0x2] =	stream.indirect_vreg.gather [hbm4b:s10+s2], $0x80, v4, vm0, $0xb8;
	[tilespmem:$0x1C100] =	vst v63  }
0x63: {  	_ = 	snop  }
0x64: {  	[tilespmem:s11], [sflag:$0x2] =	stream.indirect_vreg.gather [hbm4b:s3+s2], $0x80, v3, vm0, $0xb8;
	[tilespmem:$0x1C100] =	vst v63  }
0x65: {  	_ = 	snop  }
0x66: {  	[tilespmem:s12], [sflag:$0x2] =	stream.indirect_vreg.gather [hbm4b:s7+s2], $0x80, v3, vm0, $0xb8;
	[tilespmem:$0x1C100] =	vst v63  }
0x67: {  	_ = 	snop  }
0x68: {  	[tilespmem:s20], [sflag:$0x2] =	stream.indirect_vreg.gather [hbm4b:s8+s2], $0x80, v3, vm0, $0xb8;
	[tilespmem:$0x1C100] =	vst v63  }
0x69: {  	_ = 	snop  }
0x6a: {  	[tilespmem:s13], [sflag:$0x2] =	stream.indirect_vreg.gather [hbm4b:s10+s2], $0x80, v3, vm0, $0xb8;
	[tilespmem:$0x1C100] =	vst v63  }
0x6b: {  	v3 =	vld [tilespmem:$0x90];
	_ =	sdelay $0x4  }
0x6c: {  	v63 =	vshll.u32 v3, $0x3  }
0x6d: {  	v3 =	vand.u32 $0x7, v3;
	v4 =	vand.u32 $0xFFFFFFC0, v63  }
0x6e: {  	v3 =	vor.u32 v3, v4  }
0x6f: {  	v4 =	vperm.xlane v3, v0;
	_ =	sdelay $0x1  }
0x70: {  	v4 =	vadd.s32 v1, v4;
	_ =	sdelay $0x4  }
0x71: {  	[tilespmem:s21], [sflag:$0x2] =	stream.indirect_vreg.gather [hbm4b:s3+s2], $0x80, v4, vm0, $0xb8;
	[tilespmem:$0x1C100] =	vst v63  }
0x72: {  	v3 =	vperm.xlane v3, v2  }
0x73: {  	[tilespmem:s14], [sflag:$0x2] =	stream.indirect_vreg.gather [hbm4b:s7+s2], $0x80, v4, vm0, $0xb8;
	[tilespmem:$0x1C100] =	vst v63  }
0x74: {  	v3 =	vadd.s32 v1, v3  }
0x75: {  	[tilespmem:s22], [sflag:$0x2] =	stream.indirect_vreg.gather [hbm4b:s8+s2], $0x80, v4, vm0, $0xb8;
	[tilespmem:$0x1C100] =	vst v63  }
0x76: {  	_ = 	snop  }
0x77: {  	[tilespmem:s15], [sflag:$0x2] =	stream.indirect_vreg.gather [hbm4b:s10+s2], $0x80, v4, vm0, $0xb8;
	[tilespmem:$0x1C100] =	vst v63  }
0x78: {  	_ = 	snop  }
0x79: {  	[tilespmem:s23], [sflag:$0x2] =	stream.indirect_vreg.gather [hbm4b:s3+s2], $0x80, v3, vm0, $0xb8;
	[tilespmem:$0x1C100] =	vst v63  }
0x7a: {  	_ = 	snop  }
0x7b: {  	[tilespmem:s24], [sflag:$0x2] =	stream.indirect_vreg.gather [hbm4b:s7+s2], $0x80, v3, vm0, $0xb8;
	[tilespmem:$0x1C100] =	vst v63  }
0x7c: {  	_ = 	snop  }
0x7d: {  	[tilespmem:s25], [sflag:$0x2] =	stream.indirect_vreg.gather [hbm4b:s8+s2], $0x80, v3, vm0, $0xb8;
	[tilespmem:$0x1C100] =	vst v63  }
0x7e: {  	_ = 	snop  }
0x7f: {  	[tilespmem:s26], [sflag:$0x2] =	stream.indirect_vreg.gather [hbm4b:s10+s2], $0x80, v3, vm0, $0xb8;
	[tilespmem:$0x1C100] =	vst v63  }
0x80: {  	s19 =	rddreg [dreg:$0x7]  }
0x81: {  	[tilespmem:s28], [sflag:$0x3] =	stream.linear.gather [hbm4b:s19+s2], $0x8000, $0x38;
	[tilespmem:$0x1C100] =	vst v63  }
0x82: {  	_ =	swait.ge [sflag:s16], $0x8000  }
0x83: {  	[sflag:s16] =	ssyncset.done $0x0  }
0x84: {  	[sflag:s16] =	ssyncadd.s32 $0xFFFF8000  }
0x85: {  	_ =	swait.ge [sflag:s29], $0x8000  }
0x86: {  	[sflag:s29] =	ssyncset.done $0x0  }
0x87: {  	[sflag:s29] =	ssyncadd.s32 $0xFFFF8000  }
0x88: {  	_ =	swait.ge [sflag:s30], $0x8000  }
0x89: {  	[sflag:s30] =	ssyncset.done $0x0  }
0x8a: {  	s0 =	simm.s32 $0x0;
	[sflag:s30] =	ssyncadd.s32 $0xFFFF8000  }
.LBB2_2:
0x8b: {  	s1 =	sshll.u32 s0, $0x7;
	s4 =	sshll.u32 s0, $0xA  }
0x8c: {  	s17 =	simm.s32 $0x0;
	s4 =	sand.u32 $0x6000, s4;
	s5 =	sand.u32 $0x380, s1  }
0x8d: {  	s6 =	sand.u32 $0x40, s17;
	s18 =	sor.u32 s4, s5  }
0x8e: {  	v4 =	vld [tilespmem:s1+$0x100];
	s19 =	sand.u32 $0x1C00, s17;
	s4 =	sor.u32 s6, s18  }
0x8f: {  	v3 =	vld [tilespmem:s1+$0x2100];
	s1 =	sor.u32 s19, s4  }
0x90: {  	v8 =	vld [tilespmem:s1+$0x14100]  }
0x91: {  	v7 =	vld [tilespmem:s1+$0x14110]  }
0x92: {  	v6 =	vld [tilespmem:s1+$0x14120]  }
0x93: {  	v5 =	vld [tilespmem:s1+$0x14130]  }
0x94: {  	v11 =	vld [tilespmem:s1+$0xC100]  }
0x95: {  	v12 =	vld [tilespmem:s1+$0xC110]  }
0x96: {  	v10 =	vld [tilespmem:s1+$0xC120]  }
0x97: {  	v9 =	vld [tilespmem:s1+$0xC130]  }
0x98: {  	s19 =	simm.s32 $0x0;
	s4 =	simm.s32 $0x40;
	v13 =	vld [tilespmem:s1+$0x4100]  }
.LBB2_3:
0x99: {  	s5 =	sand.u32 $0x40, s4;
	v14 =	vld [tilespmem:s1+$0x4110];
	s17 =	sadd.s32 $0x200, s17  }
0x9a: {  	s6 =	sand.u32 $0x1C00, s17;
	s5 =	sor.u32 s5, s18;
	v15 =	vld [tilespmem:s1+$0x4120]  }
0x9b: {  	v11 =	vmul.f32 v11, v4;
	s5 =	sor.u32 s6, s5;
	v16 =	vld [tilespmem:s1+$0x4130]  }
0x9c: {  	v12 =	vmul.f32 v12, v4;
	v17 =	vld [tilespmem:s5+$0x14100]  }
0x9d: {  	v8 =	vmul.f32 v8, v3;
	v10 =	vmul.f32 v10, v4;
	v18 =	vld [tilespmem:s5+$0x14110];
	v11 =	vadd.f32 v11, v13  }
0x9e: {  	v7 =	vmul.f32 v7, v3;
	s19 =	sadd.s32 $0x4, s19;
	v9 =	vmul.f32 v9, v4;
	v13 =	vld [tilespmem:s5+$0x14120];
	v12 =	vadd.f32 v12, v14  }
0x9f: {  	v6 =	vmul.f32 v6, v3;
	p0 =	slt.u32 s19, $0x3C;
	v14 =	vld [tilespmem:s5+$0x14130];
	v19 =	vadd.f32 v8, v11;
	v10 =	vadd.f32 v10, v15  }
.Ltmp0:
0xa0: {  	v5 =	vmul.f32 v5, v3;
	v11 =	vld [tilespmem:s5+$0xC100];
	v15 =	vadd.f32 v7, v12;
	v9 =	vadd.f32 v9, v16;
	(pc) =	sbr.rel @p0 .LBB2_3-.Ltmp0, $4  }
0xa1: {  	v12 =	vld [tilespmem:s5+$0xC110];
	[tilespmem:s1+$0x4100] =	vst v19;
	v16 =	vadd.f32 v6, v10;
	v8 =	vmov v17  }
0xa2: {  	v10 =	vld [tilespmem:s5+$0xC120];
	[tilespmem:s1+$0x4110] =	vst v15;
	v15 =	vadd.f32 v5, v9;
	v7 =	vmov v18  }
0xa3: {  	v9 =	vld [tilespmem:s5+$0xC130];
	[tilespmem:s1+$0x4120] =	vst v16;
	v6 =	vmov v13  }
0xa4: {  	s4 =	sadd.s32 $0x40, s4;
	v13 =	vld [tilespmem:s5+$0x4100];
	[tilespmem:s1+$0x4130] =	vst v15;
	v5 =	vmov v14;
	s1 =	smov.u32 s5  }
0xa5: {  	v14 =	vld [tilespmem:s1+$0x4110]  }
0xa6: {  	v15 =	vld [tilespmem:s1+$0x4120]  }
0xa7: {  	v11 =	vmul.f32 v11, v4;
	v16 =	vld [tilespmem:s1+$0x4130]  }
0xa8: {  	v12 =	vmul.f32 v12, v4  }
0xa9: {  	v8 =	vmul.f32 v8, v3;
	v10 =	vmul.f32 v10, v4;
	v11 =	vadd.f32 v11, v13  }
0xaa: {  	v7 =	vmul.f32 v7, v3;
	s0 =	sadd.s32 $0x1, s0;
	v61 =	vmul.f32 v9, v4;
	v12 =	vadd.f32 v12, v14  }
0xab: {  	v6 =	vmul.f32 v6, v3;
	p0 =	sne.s32 s0, $0x20;
	v62 =	vadd.f32 v10, v15;
	v8 =	vadd.f32 v8, v11  }
.Ltmp1:
0xac: {  	v3 =	vmul.f32 v5, v3;
	v4 =	vadd.f32 v61, v16;
	v7 =	vadd.f32 v7, v12;
	(pc) =	sbr.rel @p0 .LBB2_2-.Ltmp1, $4  }
0xad: {  	v63 =	vadd.f32 v6, v62;
	[tilespmem:s1+$0x4100] =	vst v8  }
0xae: {  	v3 =	vadd.f32 v3, v4;
	[tilespmem:s1+$0x4110] =	vst v7  }
0xaf: {  	[tilespmem:s1+$0x4120] =	vst v63  }
0xb0: {  	[tilespmem:s1+$0x4130] =	vst v3  }
0xb1: {  	s0 =	simm.s32 $0x0;
	s1 =	rddreg [dreg:$0x8]  }
0xb2: {  	[hbm4b:s1+s0] =	stream.linear.scatter [tilespmem:s28], [sflag:$0x3], $0x8000, $0x38;
	[tilespmem:$0x1C100] =	vst v63  }
0xb3: {  	_ =	swait.ge [sflag:s16], $0x8000  }
0xb4: {  	[sflag:s16] =	ssyncset.done $0x0  }
0xb5: {  	[sflag:s16] =	ssyncadd.s32 $0xFFFF8000  }
0xb6: {  	v3 =	vld [tilespmem:$0x20];
	_ =	sdelay $0x4  }
0xb7: {  	v4 =	vshll.u32 v3, $0x3  }
0xb8: {  	v3 =	vand.u32 $0x7, v3;
	v4 =	vand.u32 $0xFFFFFFC0, v4  }
0xb9: {  	v3 =	vor.u32 v3, v4  }
0xba: {  	v4 =	vperm.xlane v3, v0;
	_ =	sdelay $0x1  }
0xbb: {  	v4 =	vadd.s32 v1, v4;
	_ =	sdelay $0x4  }
0xbc: {  	[tilespmem:s9], [sflag:$0x1] =	stream.indirect_vreg.gather [hbm4b:s3+s0], $0x80, v4, vm0, $0xb8;
	[tilespmem:$0x1C100] =	vst v63  }
0xbd: {  	s5 =	simm.s32 $0xC900;
	v3 =	vperm.xlane v3, v2  }
0xbe: {  	[tilespmem:s5], [sflag:$0x1] =	stream.indirect_vreg.gather [hbm4b:s7+s0], $0x80, v4, vm0, $0xb8;
	[tilespmem:$0x1C100] =	vst v63  }
0xbf: {  	s6 =	simm.s32 $0xD100;
	v3 =	vadd.s32 v1, v3  }
0xc0: {  	[tilespmem:s6], [sflag:$0x1] =	stream.indirect_vreg.gather [hbm4b:s8+s0], $0x80, v4, vm0, $0xb8;
	[tilespmem:$0x1C100] =	vst v63  }
0xc1: {  	s9 =	simm.s32 $0xD900  }
0xc2: {  	[tilespmem:s9], [sflag:$0x1] =	stream.indirect_vreg.gather [hbm4b:s10+s0], $0x80, v4, vm0, $0xb8;
	[tilespmem:$0x1C100] =	vst v63  }
0xc3: {  	s17 =	simm.s32 $0xE100  }
0xc4: {  	[tilespmem:s17], [sflag:$0x1] =	stream.indirect_vreg.gather [hbm4b:s3+s0], $0x80, v3, vm0, $0xb8;
	[tilespmem:$0x1C100] =	vst v63  }
0xc5: {  	s18 =	simm.s32 $0xE900  }
0xc6: {  	[tilespmem:s18], [sflag:$0x1] =	stream.indirect_vreg.gather [hbm4b:s7+s0], $0x80, v3, vm0, $0xb8;
	[tilespmem:$0x1C100] =	vst v63  }
0xc7: {  	s19 =	simm.s32 $0xF100  }
0xc8: {  	[tilespmem:s19], [sflag:$0x1] =	stream.indirect_vreg.gather [hbm4b:s8+s0], $0x80, v3, vm0, $0xb8;
	[tilespmem:$0x1C100] =	vst v63  }
0xc9: {  	s4 =	simm.s32 $0xF900  }
0xca: {  	[tilespmem:s4], [sflag:$0x1] =	stream.indirect_vreg.gather [hbm4b:s10+s0], $0x80, v3, vm0, $0xb8;
	[tilespmem:$0x1C100] =	vst v63  }
0xcb: {  	v3 =	vld [tilespmem:$0x30];
	_ =	sdelay $0x4  }
0xcc: {  	v61 =	vshll.u32 v3, $0x3  }
0xcd: {  	v3 =	vand.u32 $0x7, v3;
	v4 =	vand.u32 $0xFFFFFFC0, v61  }
0xce: {  	v3 =	vor.u32 v3, v4  }
0xcf: {  	v4 =	vperm.xlane v3, v0;
	_ =	sdelay $0x1  }
0xd0: {  	v4 =	vadd.s32 v1, v4;
	_ =	sdelay $0x3  }
0xd1: {  	s5 =	simm.s32 $0x10100  }
0xd2: {  	[tilespmem:s5], [sflag:$0x1] =	stream.indirect_vreg.gather [hbm4b:s3+s0], $0x80, v4, vm0, $0xb8;
	[tilespmem:$0x1C100] =	vst v63  }
0xd3: {  	s6 =	simm.s32 $0x10900;
	v3 =	vperm.xlane v3, v2  }
0xd4: {  	[tilespmem:s6], [sflag:$0x1] =	stream.indirect_vreg.gather [hbm4b:s7+s0], $0x80, v4, vm0, $0xb8;
	[tilespmem:$0x1C100] =	vst v63  }
0xd5: {  	s9 =	simm.s32 $0x11100;
	v3 =	vadd.s32 v1, v3  }
0xd6: {  	[tilespmem:s9], [sflag:$0x1] =	stream.indirect_vreg.gather [hbm4b:s8+s0], $0x80, v4, vm0, $0xb8;
	[tilespmem:$0x1C100] =	vst v63  }
0xd7: {  	s17 =	simm.s32 $0x11900  }
0xd8: {  	[tilespmem:s17], [sflag:$0x1] =	stream.indirect_vreg.gather [hbm4b:s10+s0], $0x80, v4, vm0, $0xb8;
	[tilespmem:$0x1C100] =	vst v63  }
0xd9: {  	s18 =	simm.s32 $0x12100  }
0xda: {  	[tilespmem:s18], [sflag:$0x1] =	stream.indirect_vreg.gather [hbm4b:s3+s0], $0x80, v3, vm0, $0xb8;
	[tilespmem:$0x1C100] =	vst v63  }
0xdb: {  	s19 =	simm.s32 $0x12900  }
0xdc: {  	[tilespmem:s19], [sflag:$0x1] =	stream.indirect_vreg.gather [hbm4b:s7+s0], $0x80, v3, vm0, $0xb8;
	[tilespmem:$0x1C100] =	vst v63  }
0xdd: {  	s4 =	simm.s32 $0x13100  }
0xde: {  	[tilespmem:s4], [sflag:$0x1] =	stream.indirect_vreg.gather [hbm4b:s8+s0], $0x80, v3, vm0, $0xb8;
	[tilespmem:$0x1C100] =	vst v63  }
0xdf: {  	s5 =	simm.s32 $0x13900  }
0xe0: {  	[tilespmem:s5], [sflag:$0x1] =	stream.indirect_vreg.gather [hbm4b:s10+s0], $0x80, v3, vm0, $0xb8;
	[tilespmem:$0x1C100] =	vst v63  }
0xe1: {  	v3 =	vld [tilespmem:$0xA0];
	_ =	sdelay $0x4  }
0xe2: {  	v62 =	vshll.u32 v3, $0x3  }
0xe3: {  	v3 =	vand.u32 $0x7, v3;
	v4 =	vand.u32 $0xFFFFFFC0, v62  }
0xe4: {  	v3 =	vor.u32 v3, v4  }
0xe5: {  	v4 =	vperm.xlane v3, v0;
	_ =	sdelay $0x1  }
0xe6: {  	v4 =	vadd.s32 v1, v4;
	_ =	sdelay $0x3  }
0xe7: {  	s6 =	simm.s32 $0x14100  }
0xe8: {  	[tilespmem:s6], [sflag:$0x2] =	stream.indirect_vreg.gather [hbm4b:s3+s0], $0x80, v4, vm0, $0xb8;
	[tilespmem:$0x1C100] =	vst v63  }
0xe9: {  	s9 =	simm.s32 $0x14900;
	v3 =	vperm.xlane v3, v2  }
0xea: {  	[tilespmem:s9], [sflag:$0x2] =	stream.indirect_vreg.gather [hbm4b:s7+s0], $0x80, v4, vm0, $0xb8;
	[tilespmem:$0x1C100] =	vst v63  }
0xeb: {  	s17 =	simm.s32 $0x15100;
	v3 =	vadd.s32 v1, v3  }
0xec: {  	[tilespmem:s17], [sflag:$0x2] =	stream.indirect_vreg.gather [hbm4b:s8+s0], $0x80, v4, vm0, $0xb8;
	[tilespmem:$0x1C100] =	vst v63  }
0xed: {  	s18 =	simm.s32 $0x15900  }
0xee: {  	[tilespmem:s18], [sflag:$0x2] =	stream.indirect_vreg.gather [hbm4b:s10+s0], $0x80, v4, vm0, $0xb8;
	[tilespmem:$0x1C100] =	vst v63  }
0xef: {  	_ = 	snop  }
0xf0: {  	[tilespmem:s11], [sflag:$0x2] =	stream.indirect_vreg.gather [hbm4b:s3+s0], $0x80, v3, vm0, $0xb8;
	[tilespmem:$0x1C100] =	vst v63  }
0xf1: {  	_ = 	snop  }
0xf2: {  	[tilespmem:s12], [sflag:$0x2] =	stream.indirect_vreg.gather [hbm4b:s7+s0], $0x80, v3, vm0, $0xb8;
	[tilespmem:$0x1C100] =	vst v63  }
0xf3: {  	_ = 	snop  }
0xf4: {  	[tilespmem:s20], [sflag:$0x2] =	stream.indirect_vreg.gather [hbm4b:s8+s0], $0x80, v3, vm0, $0xb8;
	[tilespmem:$0x1C100] =	vst v63  }
0xf5: {  	_ = 	snop  }
0xf6: {  	[tilespmem:s13], [sflag:$0x2] =	stream.indirect_vreg.gather [hbm4b:s10+s0], $0x80, v3, vm0, $0xb8;
	[tilespmem:$0x1C100] =	vst v63  }
0xf7: {  	v3 =	vld [tilespmem:$0xB0];
	_ =	sdelay $0x4  }
0xf8: {  	v63 =	vshll.u32 v3, $0x3  }
0xf9: {  	v3 =	vand.u32 $0x7, v3;
	v4 =	vand.u32 $0xFFFFFFC0, v63  }
0xfa: {  	v3 =	vor.u32 v3, v4  }
0xfb: {  	v4 =	vperm.xlane v3, v0;
	_ =	sdelay $0x1  }
0xfc: {  	v4 =	vadd.s32 v1, v4;
	_ =	sdelay $0x4  }
0xfd: {  	[tilespmem:s21], [sflag:$0x2] =	stream.indirect_vreg.gather [hbm4b:s3+s0], $0x80, v4, vm0, $0xb8;
	[tilespmem:$0x1C100] =	vst v63  }
0xfe: {  	v3 =	vperm.xlane v3, v2  }
0xff: {  	[tilespmem:s14], [sflag:$0x2] =	stream.indirect_vreg.gather [hbm4b:s7+s0], $0x80, v4, vm0, $0xb8;
	[tilespmem:$0x1C100] =	vst v63  }
0x100: {  	v3 =	vadd.s32 v1, v3  }
0x101: {  	[tilespmem:s22], [sflag:$0x2] =	stream.indirect_vreg.gather [hbm4b:s8+s0], $0x80, v4, vm0, $0xb8;
	[tilespmem:$0x1C100] =	vst v63  }
0x102: {  	_ = 	snop  }
0x103: {  	[tilespmem:s15], [sflag:$0x2] =	stream.indirect_vreg.gather [hbm4b:s10+s0], $0x80, v4, vm0, $0xb8;
	[tilespmem:$0x1C100] =	vst v63  }
0x104: {  	_ = 	snop  }
0x105: {  	[tilespmem:s23], [sflag:$0x2] =	stream.indirect_vreg.gather [hbm4b:s3+s0], $0x80, v3, vm0, $0xb8;
	[tilespmem:$0x1C100] =	vst v63  }
0x106: {  	_ = 	snop  }
0x107: {  	[tilespmem:s24], [sflag:$0x2] =	stream.indirect_vreg.gather [hbm4b:s7+s0], $0x80, v3, vm0, $0xb8;
	[tilespmem:$0x1C100] =	vst v63  }
0x108: {  	_ = 	snop  }
0x109: {  	[tilespmem:s25], [sflag:$0x2] =	stream.indirect_vreg.gather [hbm4b:s8+s0], $0x80, v3, vm0, $0xb8;
	[tilespmem:$0x1C100] =	vst v63  }
0x10a: {  	_ = 	snop  }
0x10b: {  	[tilespmem:s26], [sflag:$0x2] =	stream.indirect_vreg.gather [hbm4b:s10+s0], $0x80, v3, vm0, $0xb8;
	[tilespmem:$0x1C100] =	vst v63  }
0x10c: {  	s19 =	rddreg [dreg:$0x9]  }
0x10d: {  	[tilespmem:s28], [sflag:$0x3] =	stream.linear.gather [hbm4b:s19+s0], $0x8000, $0x38;
	[tilespmem:$0x1C100] =	vst v63  }
0x10e: {  	_ =	swait.ge [sflag:s16], $0x8000  }
0x10f: {  	[sflag:s16] =	ssyncset.done $0x0  }
0x110: {  	[sflag:s16] =	ssyncadd.s32 $0xFFFF8000  }
0x111: {  	_ =	swait.ge [sflag:s29], $0x8000  }
0x112: {  	[sflag:s29] =	ssyncset.done $0x0  }
0x113: {  	[sflag:s29] =	ssyncadd.s32 $0xFFFF8000  }
0x114: {  	_ =	swait.ge [sflag:s30], $0x8000  }
0x115: {  	[sflag:s30] =	ssyncset.done $0x0  }
0x116: {  	s1 =	simm.s32 $0x0;
	[sflag:s30] =	ssyncadd.s32 $0xFFFF8000  }
.LBB2_6:
0x117: {  	s4 =	sshll.u32 s1, $0x7;
	s5 =	sshll.u32 s1, $0xA  }
0x118: {  	s5 =	sand.u32 $0x6000, s5;
	s6 =	sand.u32 $0x380, s4  }
0x119: {  	s17 =	sand.u32 $0x40, s0;
	s18 =	sor.u32 s5, s6  }
0x11a: {  	s19 =	sand.u32 $0x1C00, s0;
	v4 =	vld [tilespmem:s4+$0x1100];
	s5 =	sor.u32 s17, s18  }
0x11b: {  	v3 =	vld [tilespmem:s4+$0x3100];
	s17 =	sor.u32 s19, s5  }
0x11c: {  	v8 =	vld [tilespmem:s17+$0x14100]  }
0x11d: {  	v7 =	vld [tilespmem:s17+$0x14110]  }
0x11e: {  	v6 =	vld [tilespmem:s17+$0x14120]  }
0x11f: {  	v5 =	vld [tilespmem:s17+$0x14130]  }
0x120: {  	v11 =	vld [tilespmem:s17+$0xC100]  }
0x121: {  	v12 =	vld [tilespmem:s17+$0xC110]  }
0x122: {  	v10 =	vld [tilespmem:s17+$0xC120]  }
0x123: {  	v9 =	vld [tilespmem:s17+$0xC130]  }
0x124: {  	s4 =	simm.s32 $0x40;
	s19 =	simm.s32 $0x0;
	s5 =	simm.s32 $0x0;
	v13 =	vld [tilespmem:s17+$0x4100]  }
.LBB2_7:
0x125: {  	s6 =	sand.u32 $0x40, s4;
	v14 =	vld [tilespmem:s17+$0x4110];
	s5 =	sadd.s32 $0x200, s5  }
0x126: {  	s9 =	sand.u32 $0x1C00, s5;
	s6 =	sor.u32 s6, s18;
	v15 =	vld [tilespmem:s17+$0x4120]  }
0x127: {  	v11 =	vmul.f32 v11, v4;
	s6 =	sor.u32 s9, s6;
	v16 =	vld [tilespmem:s17+$0x4130]  }
0x128: {  	v12 =	vmul.f32 v12, v4;
	v17 =	vld [tilespmem:s6+$0x14100]  }
0x129: {  	v8 =	vmul.f32 v8, v3;
	v10 =	vmul.f32 v10, v4;
	v18 =	vld [tilespmem:s6+$0x14110];
	v11 =	vadd.f32 v11, v13  }
0x12a: {  	v7 =	vmul.f32 v7, v3;
	s19 =	sadd.s32 $0x4, s19;
	v9 =	vmul.f32 v9, v4;
	v13 =	vld [tilespmem:s6+$0x14120];
	v12 =	vadd.f32 v12, v14  }
0x12b: {  	v6 =	vmul.f32 v6, v3;
	p0 =	slt.u32 s19, $0x3C;
	v14 =	vld [tilespmem:s6+$0x14130];
	v19 =	vadd.f32 v8, v11;
	v10 =	vadd.f32 v10, v15  }
.Ltmp2:
0x12c: {  	v5 =	vmul.f32 v5, v3;
	v11 =	vld [tilespmem:s6+$0xC100];
	v15 =	vadd.f32 v7, v12;
	v9 =	vadd.f32 v9, v16;
	(pc) =	sbr.rel @p0 .LBB2_7-.Ltmp2, $4  }
0x12d: {  	v12 =	vld [tilespmem:s6+$0xC110];
	[tilespmem:s17+$0x4100] =	vst v19;
	v16 =	vadd.f32 v6, v10;
	v8 =	vmov v17  }
0x12e: {  	v10 =	vld [tilespmem:s6+$0xC120];
	[tilespmem:s17+$0x4110] =	vst v15;
	v15 =	vadd.f32 v5, v9;
	v7 =	vmov v18  }
0x12f: {  	v9 =	vld [tilespmem:s6+$0xC130];
	[tilespmem:s17+$0x4120] =	vst v16;
	v6 =	vmov v13  }
0x130: {  	s4 =	sadd.s32 $0x40, s4;
	v13 =	vld [tilespmem:s6+$0x4100];
	[tilespmem:s17+$0x4130] =	vst v15;
	v5 =	vmov v14;
	s17 =	smov.u32 s6  }
0x131: {  	v14 =	vld [tilespmem:s17+$0x4110]  }
0x132: {  	v15 =	vld [tilespmem:s17+$0x4120]  }
0x133: {  	v11 =	vmul.f32 v11, v4;
	v16 =	vld [tilespmem:s17+$0x4130]  }
0x134: {  	v12 =	vmul.f32 v12, v4  }
0x135: {  	v8 =	vmul.f32 v8, v3;
	v10 =	vmul.f32 v10, v4;
	v11 =	vadd.f32 v11, v13  }
0x136: {  	v7 =	vmul.f32 v7, v3;
	s1 =	sadd.s32 $0x1, s1;
	v61 =	vmul.f32 v9, v4;
	v12 =	vadd.f32 v12, v14  }
0x137: {  	v6 =	vmul.f32 v6, v3;
	p0 =	sne.s32 s1, $0x20;
	v62 =	vadd.f32 v10, v15;
	v8 =	vadd.f32 v8, v11  }
.Ltmp3:
0x138: {  	v3 =	vmul.f32 v5, v3;
	v4 =	vadd.f32 v61, v16;
	v7 =	vadd.f32 v7, v12;
	(pc) =	sbr.rel @p0 .LBB2_6-.Ltmp3, $4  }
0x139: {  	v63 =	vadd.f32 v6, v62;
	[tilespmem:s17+$0x4100] =	vst v8  }
0x13a: {  	v3 =	vadd.f32 v3, v4;
	[tilespmem:s17+$0x4110] =	vst v7  }
0x13b: {  	[tilespmem:s17+$0x4120] =	vst v63  }
0x13c: {  	[tilespmem:s17+$0x4130] =	vst v3  }
0x13d: {  	s0 =	rddreg [dreg:$0xa]  }
0x13e: {  	[hbm4b:s0+s2] =	stream.linear.scatter [tilespmem:s28], [sflag:$0x3], $0x8000, $0x38;
	[tilespmem:$0x1C100] =	vst v63  }
0x13f: {  	_ =	swait.ge [sflag:s16], $0x8000  }
0x140: {  	s31 =	sadd.s32 $0x1, s31;
	s19 =	rddreg [dreg:$0xb]  }
0x141: {  	p0 =	sne.s32 s31, s19  }
.Ltmp4:
0x142: {  	_ = 	snop;
	(pc) =	sbr.rel @p0 .LBB2_1-.Ltmp4, $3  }
0x143: {  	_ =	sdelay $0x1  }
0x144: {  	[sflag:s16] =	ssyncset.done $0x0  }
0x145: {  	s9 =	simm.s32 $0xC100;
	[sflag:s16] =	ssyncadd.s32 $0xFFFF8000  }
0x146: {  	_ =	sfence.sel $0x180000  }
0x147: {  	[bflag:$0x0] =	sbarrier.arrive $0xFFFF  }
0x148: {  	_ =	strace $0x9000004A  }
0x149: {  	s0 =	stileid.u32;
	[bflag:$0x2] =	sbarrier.arrive $0xFFFF  }
0x14a: {  	p0 =	sne.s32 s0, $0x0;
	s0 =	rddreg [dreg:$0x2]  }
0x14b: {  	s0 =	sadd.s32 @!p0 $0x100000, s0  }
0x14c: {  	[sflag:s0] =	ssyncadd.tile.s32 @!p0 $0x1;
	_ =	shalt  }
.Lfunc_end2:
_tile_overlayer_lowered:
.L_overlay_start_2:
0x14d: {  	(tag) =	ssettag $0x2  }
0x14e: {  	s0 =	rddreg [dreg:$0x0];
	s2 =	stileid.u32  }
0x14f: {  	s1 =	rddreg [dreg:$0x1];
	p0 =	sne.s32 s2, $0x0  }
0x150: {  	s3 =	rddreg [dreg:$0x2];
	[bflag:$0x3] =	sbarrier.arrive $0xFFFF;
	s2 =	simm.s32 @!p0 $0x1C03  }
0x151: {  	[timem:s3], [sflag:s2] =	dma.local @!p0 [hbm:s0], s1  }
0x152: {  	s0 =	simm.s32 @!p0 $0x3  }
0x153: {  	_ =	swait.ge @!p0 [sflag:s0], s1  }
0x154: {  	s1 =	ssub.s32 @!p0 $0x0, s1;
	[sflag:s0] =	ssyncset.done @!p0 $0x0  }
0x155: {  	[sflag:s0] =	ssyncadd.s32 @!p0 s1  }
0x156: {  	[bflag:$0x3] =	sbarrier.arrive $0xFFFF  }
0x157: {  	_ =	shalt  }

</sc_bundles>
